<compile_context>
chip_gen: v7x
topology: tpu7x:2x2x1
jax: 0.10.2.dev20260603
libtpu: 0.0.44.dev20260713+nightly
codegen_flags: <defaults>
</compile_context>

<pallas_src>
import functools

import jax
import jax.numpy as jnp
from jax import lax
from jax.experimental import pallas as pl
from jax.experimental.pallas import tpu as pltpu
from jax.experimental.pallas import tpu_sc as plsc

N = 10000
E = 320000
D_IN = 128
D_ENT = 128
D_REL = 32
NREL = 200
B = 64
ERT = 4096

NTILES = 32
CHUNK = 64
NCHUNK = 160
EPT = CHUNK * NCHUNK
EPAD = NTILES * EPT
NROWS = 10112
ROWS_PER_TILE = NROWS // 16
DEGN = 12288
DEG_PER_TILE = DEGN // 16

RBLK = 1000
NBLK = N // RBLK


def _tc1_body(rt_src_ref, rt_dstT_ref, rel_base_ref, W_rel_ref, W_r2e_ref,
              feat_ref, W_proj_ref, b_proj_ref, W_msg_ref, W_self_ref,
              M_ref, S_ref, emb_rel_ref, r2e_ref):
    i = pl.program_id(0)
    e = jnp.maximum(feat_ref[...] @ W_proj_ref[...] + b_proj_ref[...], 0.0)
    M_ref[...] = e @ W_msg_ref[...]
    S_ref[...] = e @ W_self_ref[...]

    @pl.when(i == 0)
    def _():
        rs = rt_src_ref[...]
        rdT = rt_dstT_ref[...]
        oh_s = (jax.lax.broadcasted_iota(jnp.int32, (ERT, NREL), 1) == rs
                ).astype(jnp.float32)
        oh_dT = (jax.lax.broadcasted_iota(jnp.int32, (NREL, ERT), 0) == rdT
                 ).astype(jnp.float32)
        msgs = oh_s @ rel_base_ref[...]
        ragg = oh_dT @ msgs
        deg = jnp.sum(oh_dT, axis=1, keepdims=True)
        er = jnp.maximum((ragg / jnp.maximum(deg, 1.0)) @ W_rel_ref[...]
                         + rel_base_ref[...], 0.0)
        emb_rel_ref[...] = er
        r2e_ref[...] = er @ W_r2e_ref[...]


_tc1_call = pl.pallas_call(
    _tc1_body,
    grid=(NBLK,),
    in_specs=[
        pl.BlockSpec((ERT, 1), lambda i: (0, 0)),
        pl.BlockSpec((1, ERT), lambda i: (0, 0)),
        pl.BlockSpec((NREL, D_REL), lambda i: (0, 0)),
        pl.BlockSpec((D_REL, D_REL), lambda i: (0, 0)),
        pl.BlockSpec((D_REL, D_ENT), lambda i: (0, 0)),
        pl.BlockSpec((RBLK, D_IN), lambda i: (i, 0)),
        pl.BlockSpec((D_IN, D_ENT), lambda i: (0, 0)),
        pl.BlockSpec((1, D_ENT), lambda i: (0, 0)),
        pl.BlockSpec((D_ENT, D_ENT), lambda i: (0, 0)),
        pl.BlockSpec((D_ENT, D_ENT), lambda i: (0, 0)),
    ],
    out_specs=[
        pl.BlockSpec((RBLK, D_ENT), lambda i: (i, 0)),
        pl.BlockSpec((RBLK, D_ENT), lambda i: (i, 0)),
        pl.BlockSpec((NREL, D_REL), lambda i: (0, 0)),
        pl.BlockSpec((NREL, D_ENT), lambda i: (0, 0)),
    ],
    out_shape=[
        jax.ShapeDtypeStruct((N, D_ENT), jnp.float32),
        jax.ShapeDtypeStruct((N, D_ENT), jnp.float32),
        jax.ShapeDtypeStruct((NREL, D_REL), jnp.float32),
        jax.ShapeDtypeStruct((NREL, D_ENT), jnp.float32),
    ],
)


def _sc_body(M_hbm, r2e_hbm, src_hbm, dst_hbm, typ_hbm, zeros_hbm, zdeg_hbm,
             agg_out, deg_out,
             sidx, didx, typv, mrows, r2erows, onesb, agg_s, deg_s, r2e_s,
             isem, gsem, msem, dsem, rsem):
    cid = lax.axis_index("c")
    sid = lax.axis_index("s")

    pltpu.sync_copy(zeros_hbm.at[pl.ds(sid * ROWS_PER_TILE, ROWS_PER_TILE)],
                    agg_s.at[pl.ds(sid * ROWS_PER_TILE, ROWS_PER_TILE)])
    pltpu.sync_copy(zdeg_hbm.at[pl.ds(sid * DEG_PER_TILE, DEG_PER_TILE)],
                    deg_s.at[pl.ds(sid * DEG_PER_TILE, DEG_PER_TILE)])
    @pl.when(sid == 0)
    def _():
        pltpu.sync_copy(r2e_hbm, r2e_s)

    ones16 = jnp.ones((16,), jnp.float32)

    def _fill(j, carry):
        onesb[pl.ds(j * 16, 16)] = ones16
        return carry

    lax.fori_loop(0, CHUNK // 16, _fill, 0)
    plsc.subcore_barrier()

    tile = cid * 16 + sid

    def _fire_idx(cnum, q):
        base = tile * EPT + cnum * CHUNK
        pltpu.async_copy(src_hbm.at[pl.ds(base, CHUNK)], sidx.at[q], isem.at[q])
        pltpu.async_copy(dst_hbm.at[pl.ds(base, CHUNK)], didx.at[q], isem.at[q])
        pltpu.async_copy(typ_hbm.at[pl.ds(base, CHUNK)], typv.at[q], isem.at[q])

    def _wait_idx(q):
        pltpu.make_async_copy(src_hbm.at[pl.ds(0, CHUNK)], sidx.at[q], isem.at[q]).wait()
        pltpu.make_async_copy(dst_hbm.at[pl.ds(0, CHUNK)], didx.at[q], isem.at[q]).wait()
        pltpu.make_async_copy(typ_hbm.at[pl.ds(0, CHUNK)], typv.at[q], isem.at[q]).wait()

    def _fire_mg(q, b):
        pltpu.async_copy(M_hbm.at[sidx.at[q]], mrows.at[b], gsem.at[b])

    def _wait_mg(b):
        pltpu.make_async_copy(M_hbm.at[sidx.at[0]], mrows.at[b], gsem.at[b]).wait()

    def _drain_scatters(b):
        pltpu.make_async_copy(mrows.at[b], agg_s.at[didx.at[0]], msem.at[b]).wait()
        pltpu.make_async_copy(onesb, deg_s.at[didx.at[0]], dsem.at[b]).wait()

    _fire_idx(0, 0)
    _fire_idx(1, 1)
    _wait_idx(0)
    _fire_mg(0, 0)

    def _quad(cc, carry):
        for b4 in range(4):
            c = cc * 4 + b4
            b = b4 % 2
            nb = 1 - b
            q = b4

            @pl.when(c > 0)
            def _():
                _drain_scatters(nb)

            @pl.when(c + 2 < NCHUNK)
            def _():
                _fire_idx(c + 2, (b4 + 2) % 4)

            @pl.when(c + 1 < NCHUNK)
            def _():
                _wait_idx((b4 + 1) % 4)
                _fire_mg((b4 + 1) % 4, nb)

            pltpu.async_copy(r2e_s.at[typv.at[q]], r2erows, rsem)
            _wait_mg(b)
            pltpu.make_async_copy(r2e_s.at[typv.at[0]], r2erows, rsem).wait()

            def _addr2e(j, carry2):
                for d in range(D_ENT // 16):
                    sl = pl.ds(d * 16, 16)
                    mrows[b, j, sl] = mrows[b, j, sl] + r2erows[j, sl]
                return carry2

            lax.fori_loop(0, CHUNK, _addr2e, 0)
            pltpu.async_copy(mrows.at[b], agg_s.at[didx.at[q]], msem.at[b],
                             add=True)
            pltpu.async_copy(onesb, deg_s.at[didx.at[q]], dsem.at[b], add=True)
        return carry

    lax.fori_loop(0, NCHUNK // 4, _quad, 0)

    _drain_scatters(1)
    plsc.subcore_barrier()

    pltpu.sync_copy(agg_s.at[pl.ds(sid * ROWS_PER_TILE, ROWS_PER_TILE)],
                    agg_out.at[cid, pl.ds(sid * ROWS_PER_TILE, ROWS_PER_TILE)])
    pltpu.sync_copy(deg_s.at[pl.ds(sid * DEG_PER_TILE, DEG_PER_TILE)],
                    deg_out.at[cid, pl.ds(sid * DEG_PER_TILE, DEG_PER_TILE)])


@functools.lru_cache(maxsize=1)
def _get_sc_call():
  return pl.kernel(
    _sc_body,
    out_type=[
        jax.ShapeDtypeStruct((2, NROWS, D_ENT), jnp.float32),
        jax.ShapeDtypeStruct((2, DEGN), jnp.float32),
    ],
    mesh=plsc.VectorSubcoreMesh(core_axis_name="c", subcore_axis_name="s"),
    scratch_types=[
        pltpu.MemorySpace.VMEM((4, CHUNK), jnp.int32),
        pltpu.MemorySpace.VMEM((4, CHUNK), jnp.int32),
        pltpu.MemorySpace.VMEM((4, CHUNK), jnp.int32),
        pltpu.MemorySpace.VMEM((2, CHUNK, D_ENT), jnp.float32),
        pltpu.MemorySpace.VMEM((CHUNK, D_ENT), jnp.float32),
        pltpu.MemorySpace.VMEM((CHUNK,), jnp.float32),
        pltpu.MemorySpace.VMEM_SHARED((NROWS, D_ENT), jnp.float32),
        pltpu.MemorySpace.VMEM_SHARED((DEGN,), jnp.float32),
        pltpu.MemorySpace.VMEM_SHARED((NREL, D_ENT), jnp.float32),
        pltpu.SemaphoreType.DMA((4,)),
        pltpu.SemaphoreType.DMA((2,)),
        pltpu.SemaphoreType.DMA((2,)),
        pltpu.SemaphoreType.DMA((2,)),
        pltpu.SemaphoreType.DMA,
    ],
  )


def _tc2_body(S_ref, agg_ref, degT_ref, gid_ref, nid_ref, rl_ref, er_ref,
              Wfc_ref, bfc_ref, out_ref, acc_ref):
    i = pl.program_id(0)
    a = agg_ref[0] + agg_ref[1]
    deg = degT_ref[0, 0] + degT_ref[1, 0]
    h = jnp.maximum(S_ref[...] + a / jnp.maximum(deg, 1.0), 0.0)
    w123 = jnp.concatenate([Wfc_ref[0:D_ENT, :],
                            Wfc_ref[D_ENT:2 * D_ENT, :],
                            Wfc_ref[2 * D_ENT:3 * D_ENT, :]], axis=1)
    hw = h @ w123
    nid = nid_ref[0]
    m1 = (nid == 1).astype(jnp.float32)
    m2 = (nid == 2).astype(jnp.float32)
    cols = jnp.concatenate(
        [hw[:, 0:1], hw[:, 1:2] * m1, hw[:, 2:3] * m2,
         jnp.ones((RBLK, 1), jnp.float32)], axis=1)
    gid_row = gid_ref[0]
    ogT = (jax.lax.broadcasted_iota(jnp.int32, (B, RBLK), 0) == gid_row
           ).astype(jnp.float32)
    part = ogT @ cols
    prev = jnp.where(i == 0, jnp.zeros_like(part), acc_ref[:, 0:4])
    total = prev + part
    acc_ref[:, 0:4] = total

    @pl.when(i == NBLK - 1)
    def _():
        w4 = Wfc_ref[3 * D_ENT:3 * D_ENT + D_REL, :]
        erw = er_ref[...] @ w4
        ohr = (jax.lax.broadcasted_iota(jnp.int32, (B, NREL), 1) == rl_ref[...]
               ).astype(jnp.float32)
        relc = ohr @ erw
        out_ref[...] = (total[:, 0:1] / jnp.maximum(total[:, 3:4], 1.0)
                        + total[:, 1:2] + total[:, 2:3] + relc + bfc_ref[...])


_tc2_call = pl.pallas_call(
    _tc2_body,
    grid=(NBLK,),
    in_specs=[
        pl.BlockSpec((RBLK, D_ENT), lambda i: (i, 0)),
        pl.BlockSpec((2, RBLK, D_ENT), lambda i: (0, i, 0)),
        pl.BlockSpec((2, 1, RBLK, 1), lambda i: (0, i, 0, 0)),
        pl.BlockSpec((1, 1, RBLK), lambda i: (i, 0, 0)),
        pl.BlockSpec((1, RBLK, 1), lambda i: (i, 0, 0)),
        pl.BlockSpec((B, 1), lambda i: (0, 0)),
        pl.BlockSpec((NREL, D_REL), lambda i: (0, 0)),
        pl.BlockSpec((3 * D_ENT + D_REL, 1), lambda i: (0, 0)),
        pl.BlockSpec((1, 1), lambda i: (0, 0)),
    ],
    out_specs=pl.BlockSpec((B, 1), lambda i: (0, 0)),
    out_shape=jax.ShapeDtypeStruct((B, 1), jnp.float32),
    scratch_shapes=[pltpu.VMEM((B, 8), jnp.float32)],
)


def kernel(feat, edge_index, edge_type, node_id, graph_ids, rel_labels,
           relation_triplets, W_proj, b_proj, rel_base, W_rel, W_self,
           W_msg, W_rel2ent, W_fc, b_fc):
    rt_src = relation_triplets[:, 0:1]
    rt_dstT = relation_triplets[:, 1].reshape(1, ERT)

    M, S, emb_rel, r2e = _tc1_call(
        rt_src, rt_dstT, rel_base, W_rel, W_rel2ent,
        feat, W_proj, b_proj.reshape(1, D_ENT), W_msg, W_self)

    pad = EPAD - E
    src_p = jnp.concatenate([edge_index[0], jnp.zeros((pad,), jnp.int32)])
    pad_dst = N + (jnp.arange(pad, dtype=jnp.int32) % (NROWS - N))
    dst_p = jnp.concatenate([edge_index[1], pad_dst])
    typ_p = jnp.concatenate([edge_type, jnp.zeros((pad,), jnp.int32)])
    zeros_tbl = jnp.zeros((NROWS, D_ENT), jnp.float32)
    zeros_deg = jnp.zeros((DEGN,), jnp.float32)

    agg_parts, deg_parts = _get_sc_call()(
        M, r2e, src_p, dst_p, typ_p, zeros_tbl, zeros_deg)

    deg4 = deg_parts[:, :N].reshape(2, NBLK, RBLK, 1)
    gid3 = graph_ids.reshape(NBLK, 1, RBLK)
    nid3 = node_id.reshape(NBLK, RBLK, 1)
    rl2 = rel_labels.reshape(B, 1)

    return _tc2_call(S, agg_parts, deg4, gid3, nid3, rl2, emb_rel,
                     W_fc, b_fc.reshape(1, 1))

# --- scband reference (transcript-rebuilt; emitter-appended) ---
"""Pipeline reference for scband-graph-classifier-in-gram-64046552318133 (READ-ONLY COPY).

The authoritative reference and input builder live on the scoring server;
editing this copy changes nothing except your own understanding.
"""

import jax, jax.numpy as jnp
import numpy as np

N = 10000
E = 320000
D_IN = 128
D_ENT = 128
D_REL = 32
NREL = 200
B = 64
ERT = 4096


def setup_inputs(seed: int = 0) -> dict:
    key = jax.random.key(seed)
    ks = jax.random.split(key, 16)
    feat = jax.random.normal(ks[0], (N, D_IN), dtype=jnp.float32)
    edge_index = jax.random.randint(ks[1], (2, E), 0, N, dtype=jnp.int32)
    edge_type = jax.random.randint(ks[2], (E,), 0, NREL, dtype=jnp.int32)
    relation_triplets = jax.random.randint(ks[3], (ERT, 3), 0, NREL, dtype=jnp.int32)
    rel_labels = jax.random.randint(ks[4], (B,), 0, NREL, dtype=jnp.int32)
    counts = np.full(B, N // B, dtype=np.int64)
    counts[: N % B] += 1
    graph_ids = jnp.asarray(np.repeat(np.arange(B), counts), dtype=jnp.int32)
    offsets = np.concatenate([[0], np.cumsum(counts)[:-1]]).astype(np.int64)
    nid = np.zeros(N, dtype=np.int32)
    nid[offsets] = 1
    nid[offsets + 1] = 2
    node_id = jnp.asarray(nid)
    W_proj = jax.random.normal(ks[5], (D_IN, D_ENT), dtype=jnp.float32) / np.sqrt(D_IN)
    b_proj = jnp.zeros((D_ENT,), dtype=jnp.float32)
    rel_base = jax.random.normal(ks[6], (NREL, D_REL), dtype=jnp.float32) * 0.1
    W_rel = jax.random.normal(ks[7], (D_REL, D_REL), dtype=jnp.float32) / np.sqrt(D_REL)
    W_self = jax.random.normal(ks[8], (D_ENT, D_ENT), dtype=jnp.float32) / np.sqrt(D_ENT)
    W_msg = jax.random.normal(ks[9], (D_ENT, D_ENT), dtype=jnp.float32) / np.sqrt(D_ENT)
    W_rel2ent = jax.random.normal(ks[10], (D_REL, D_ENT), dtype=jnp.float32) / np.sqrt(D_REL)
    W_fc = jax.random.normal(ks[11], (3 * D_ENT + D_REL, 1), dtype=jnp.float32) / np.sqrt(3 * D_ENT + D_REL)
    b_fc = jnp.zeros((1,), dtype=jnp.float32)
    return {
        "feat": feat,
        "edge_index": edge_index,
        "edge_type": edge_type,
        "node_id": node_id,
        "graph_ids": graph_ids,
        "rel_labels": rel_labels,
        "relation_triplets": relation_triplets,
        "W_proj": W_proj,
        "b_proj": b_proj,
        "rel_base": rel_base,
        "W_rel": W_rel,
        "W_self": W_self,
        "W_msg": W_msg,
        "W_rel2ent": W_rel2ent,
        "W_fc": W_fc,
        "b_fc": b_fc,
    }


def reference(feat, edge_index, edge_type, node_id, graph_ids, rel_labels,
              relation_triplets, W_proj, b_proj, rel_base, W_rel, W_self,
              W_msg, W_rel2ent, W_fc, b_fc):
    # --- relation encoder (InGram relation-graph message passing) ---
    rt_src = relation_triplets[:, 0]
    rt_dst = relation_triplets[:, 1]
    rel_msgs = jnp.take(rel_base, rt_src, axis=0)
    rel_agg = jax.ops.segment_sum(rel_msgs, rt_dst, num_segments=NREL)
    rel_deg = jax.ops.segment_sum(jnp.ones((ERT, 1), dtype=rel_msgs.dtype), rt_dst, num_segments=NREL)
    emb_rel = jax.nn.relu((rel_agg / jnp.clip(rel_deg, 1.0)) @ W_rel + rel_base)

    # --- entity projection: emb_ent = act(ent_proj(feat)) ---
    emb_ent = jax.nn.relu(feat @ W_proj + b_proj)

    # --- entity encoder: relation-aware message passing on the batched graph ---
    src = edge_index[0]
    dst = edge_index[1]
    msg = jnp.take(emb_ent, src, axis=0) @ W_msg + jnp.take(emb_rel, edge_type, axis=0) @ W_rel2ent
    agg = jax.ops.segment_sum(msg, dst, num_segments=N)
    deg = jax.ops.segment_sum(jnp.ones((E, 1), dtype=msg.dtype), dst, num_segments=N)
    h = jax.nn.relu(emb_ent @ W_self + agg / jnp.clip(deg, 1.0))

    # --- graph readout (mean pooling per subgraph) ---
    g_cnt = jax.ops.segment_sum(jnp.ones((N, 1), dtype=h.dtype), graph_ids, num_segments=B)
    g_out = jax.ops.segment_sum(h, graph_ids, num_segments=B) / jnp.clip(g_cnt, 1.0)

    # --- head / tail node embeddings (id == 1 / id == 2) ---
    head_ids = jnp.nonzero(node_id == 1, size=B)[0]
    tail_ids = jnp.nonzero(node_id == 2, size=B)[0]
    head_embs = jnp.take(h, head_ids, axis=0)
    tail_embs = jnp.take(h, tail_ids, axis=0)

    g_rep = jnp.concatenate([
        g_out.reshape(-1, D_ENT),
        head_embs.reshape(-1, D_ENT),
        tail_embs.reshape(-1, D_ENT),
        jnp.take(emb_rel, rel_labels, axis=0).reshape(-1, D_REL),
    ], axis=1)
    output = g_rep @ W_fc + b_fc
    return output

if __name__ == "__main__":
    import jax
    _d = setup_inputs()
    print(jax.jit(kernel)(*tuple(_d.values())))

</pallas_src>

<mosaic_0001>
#map = affine_map<(d0, d1) -> (0, 0)>
#map1 = affine_map<(d0, d1) -> (0)>
#map2 = affine_map<(d0, d1) -> (0, 0, 0)>
module attributes {stable_mosaic.version = 14 : i64} {
  func.func @_sc_body(%arg0: i32, %arg1: i32, %arg2: memref<10000x128xf32, #tpu.memory_space<hbm>>, %arg3: memref<200x128xf32, #tpu.memory_space<hbm>>, %arg4: memref<327680xi32, #tpu.memory_space<hbm>>, %arg5: memref<327680xi32, #tpu.memory_space<hbm>>, %arg6: memref<327680xi32, #tpu.memory_space<hbm>>, %arg7: memref<10112x128xf32, #tpu.memory_space<hbm>>, %arg8: memref<12288xf32, #tpu.memory_space<hbm>>, %arg9: memref<2x10112x128xf32, #tpu.memory_space<hbm>>, %arg10: memref<2x12288xf32, #tpu.memory_space<hbm>>, %arg11: memref<4x64xi32, #tpu.memory_space<vmem>>, %arg12: memref<4x64xi32, #tpu.memory_space<vmem>>, %arg13: memref<4x64xi32, #tpu.memory_space<vmem>>, %arg14: memref<2x64x128xf32, #tpu.memory_space<vmem>>, %arg15: memref<64x128xf32, #tpu.memory_space<vmem>>, %arg16: memref<64xf32, #tpu.memory_space<vmem>>, %arg17: memref<10112x128xf32, #tpu.memory_space<vmem_shared>>, %arg18: memref<12288xf32, #tpu.memory_space<vmem_shared>>, %arg19: memref<200x128xf32, #tpu.memory_space<vmem_shared>>, %arg20: memref<4x!tpu.dma_semaphore, #tpu.memory_space<semaphore_mem>>, %arg21: memref<2x!tpu.dma_semaphore, #tpu.memory_space<semaphore_mem>>, %arg22: memref<2x!tpu.dma_semaphore, #tpu.memory_space<semaphore_mem>>, %arg23: memref<2x!tpu.dma_semaphore, #tpu.memory_space<semaphore_mem>>, %arg24: memref<!tpu.dma_semaphore, #tpu.memory_space<semaphore_mem>>) attributes {dimension_semantics = [#tpu.dimension_semantics<core_parallel>, #tpu.dimension_semantics<subcore_parallel>], iteration_bounds = array<i64: 2, 16>, scalar_prefetch = 0 : i64, scratch_operands = 14 : i64, tpu.core_type = #tpu.core_type<sc_vector_subcore>, window_params = [{transform_indices = #map}, {transform_indices = #map}, {transform_indices = #map1}, {transform_indices = #map1}, {transform_indices = #map1}, {transform_indices = #map}, {transform_indices = #map1}, {transform_indices = #map2}, {transform_indices = #map}]} {
    %mul3A = arith.constant 632 : i32
    %mul3A_0 = arith.muli %arg1, %mul3A : i32
    %mul3A_1 = arith.constant 632 : i32
    %mul3A_2 = arith.muli %arg1, %mul3A_1 : i32
    "tpu.region"() ({
      %run_scoped3A = tpu.sem_alloc : memref<!tpu.dma_semaphore, #tpu.memory_space<semaphore_mem>>
      %dma_start3A_191 = arith.constant 0 : i32
      %dma_start3A_192 = tpu.memref_slice %arg17[%mul3A_2, %dma_start3A_191] : memref<10112x128xf32, #tpu.memory_space<vmem_shared>> -> memref<632x128xf32, #tpu.memory_space<vmem_shared>>
      %dma_start3A_193 = arith.constant 0 : i32
      %dma_start3A_194 = tpu.memref_slice %arg7[%mul3A_0, %dma_start3A_193] : memref<10112x128xf32, #tpu.memory_space<hbm>> -> memref<632x128xf32, #tpu.memory_space<hbm>>
      tpu.enqueue_dma source(%dma_start3A_194 : memref<632x128xf32, #tpu.memory_space<hbm>>) target(%dma_start3A_192 : memref<632x128xf32, #tpu.memory_space<vmem_shared>>) target_semaphore(%run_scoped3A : memref<!tpu.dma_semaphore, #tpu.memory_space<semaphore_mem>>)
      %dma_wait3A_195 = arith.constant 0 : i32
      %dma_wait3A_196 = tpu.memref_slice %arg17[%mul3A_2, %dma_wait3A_195] : memref<10112x128xf32, #tpu.memory_space<vmem_shared>> -> memref<632x128xf32, #tpu.memory_space<vmem_shared>>
      %dma_wait3A_197 = arith.constant 0 : i32
      %dma_wait3A_198 = tpu.memref_slice %arg7[%mul3A_0, %dma_wait3A_197] : memref<10112x128xf32, #tpu.memory_space<hbm>> -> memref<632x128xf32, #tpu.memory_space<hbm>>
      tpu.wait_dma2 semaphore(%run_scoped3A : memref<!tpu.dma_semaphore, #tpu.memory_space<semaphore_mem>>) src(%dma_wait3A_198 : memref<632x128xf32, #tpu.memory_space<hbm>>) dst(%dma_wait3A_196 : memref<632x128xf32, #tpu.memory_space<vmem_shared>>)
      tpu.yield
    }) : () -> ()
    %mul3A_3 = arith.constant 768 : i32
    %mul3A_4 = arith.muli %arg1, %mul3A_3 : i32
    %mul3A_5 = arith.constant 768 : i32
    %mul3A_6 = arith.muli %arg1, %mul3A_5 : i32
    "tpu.region"() ({
      %run_scoped3A = tpu.sem_alloc : memref<!tpu.dma_semaphore, #tpu.memory_space<semaphore_mem>>
      %dma_start3A_191 = tpu.memref_slice %arg18[%mul3A_6] : memref<12288xf32, #tpu.memory_space<vmem_shared>> -> memref<768xf32, #tpu.memory_space<vmem_shared>>
      %dma_start3A_192 = tpu.memref_slice %arg8[%mul3A_4] : memref<12288xf32, #tpu.memory_space<hbm>> -> memref<768xf32, #tpu.memory_space<hbm>>
      tpu.enqueue_dma source(%dma_start3A_192 : memref<768xf32, #tpu.memory_space<hbm>>) target(%dma_start3A_191 : memref<768xf32, #tpu.memory_space<vmem_shared>>) target_semaphore(%run_scoped3A : memref<!tpu.dma_semaphore, #tpu.memory_space<semaphore_mem>>)
      %dma_wait3A_193 = tpu.memref_slice %arg18[%mul3A_6] : memref<12288xf32, #tpu.memory_space<vmem_shared>> -> memref<768xf32, #tpu.memory_space<vmem_shared>>
      %dma_wait3A_194 = tpu.memref_slice %arg8[%mul3A_4] : memref<12288xf32, #tpu.memory_space<hbm>> -> memref<768xf32, #tpu.memory_space<hbm>>
      tpu.wait_dma2 semaphore(%run_scoped3A : memref<!tpu.dma_semaphore, #tpu.memory_space<semaphore_mem>>) src(%dma_wait3A_194 : memref<768xf32, #tpu.memory_space<hbm>>) dst(%dma_wait3A_193 : memref<768xf32, #tpu.memory_space<vmem_shared>>)
      tpu.yield
    }) : () -> ()
    %eq3A = arith.constant 0 : i32
    %eq3A_7 = arith.cmpi eq, %arg1, %eq3A : i32
    %convert_element_type3A = arith.extui %eq3A_7 : i1 to i32
    %cond3A = arith.constant 0 : i32
    %cond3A_8 = arith.cmpi ne, %convert_element_type3A, %cond3A : i32
    scf.if %cond3A_8 {
      "tpu.region"() ({
        %run_scoped3A = tpu.sem_alloc : memref<!tpu.dma_semaphore, #tpu.memory_space<semaphore_mem>>
        tpu.enqueue_dma source(%arg3 : memref<200x128xf32, #tpu.memory_space<hbm>>) target(%arg19 : memref<200x128xf32, #tpu.memory_space<vmem_shared>>) target_semaphore(%run_scoped3A : memref<!tpu.dma_semaphore, #tpu.memory_space<semaphore_mem>>)
        tpu.wait_dma2 semaphore(%run_scoped3A : memref<!tpu.dma_semaphore, #tpu.memory_space<semaphore_mem>>) src(%arg3 : memref<200x128xf32, #tpu.memory_space<hbm>>) dst(%arg19 : memref<200x128xf32, #tpu.memory_space<vmem_shared>>)
        tpu.yield
      }) : () -> ()
    } else {
    }
    %broadcast_in_dim3A = arith.constant 1.000000e+00 : f32
    %broadcast_in_dim3A_9 = vector.broadcast %broadcast_in_dim3A : f32 to vector<16xf32>
    %scan3A = arith.constant 0 : i32
    %scan3A_10 = arith.constant 0 : i32
    %scan3A_11 = arith.constant 4 : i32
    %scan3A_12 = arith.addi %scan3A_10, %scan3A_11 : i32
    %scan3A_13 = arith.constant 1 : i32
    scf.for %scan3A_191 = %scan3A_10 to %scan3A_12 step %scan3A_13  : i32 {
      %mul3A_192 = arith.constant 16 : i32
      %mul3A_193 = arith.muli %scan3A_191, %mul3A_192 : i32
      %swap3A = arith.index_cast %mul3A_193 : i32 to index
      %swap3A_194 = tpu.vector_load %arg16[%swap3A] {strides = array<i32>} : memref<64xf32, #tpu.memory_space<vmem>>, vector<16xf32>,
      %swap3A_195 = vector.shape_cast %swap3A_194 : vector<16xf32> to vector<16xf32>
      %swap3A_196 = vector.shape_cast %broadcast_in_dim3A_9 : vector<16xf32> to vector<16xf32>
      tpu.vector_store %arg16[%swap3A], %swap3A_196 {strides = array<i32>} : memref<64xf32, #tpu.memory_space<vmem>>, vector<16xf32>,
    }
    %scan3A_14 = arith.constant 4 : i32
    %barrier3A = arith.constant 0 : index
    tpu.barrier barrier_id(%barrier3A)
    %mul3A_15 = arith.constant 16 : i32
    %mul3A_16 = arith.muli %arg0, %mul3A_15 : i32
    %add3A = arith.addi %mul3A_16, %arg1 : i32
    %mul3A_17 = arith.constant 10240 : i32
    %mul3A_18 = arith.muli %add3A, %mul3A_17 : i32
    %add3A_19 = arith.constant 0 : i32
    %add3A_20 = arith.addi %mul3A_18, %add3A_19 : i32
    %dma_start3A = arith.constant 0 : i32
    %dma_start3A_21 = arith.constant 0 : i32
    %dma_start3A_22 = arith.constant 0 : i32
    %dma_start3A_23 = tpu.memref_slice %arg11[%dma_start3A, %dma_start3A_22] : memref<4x64xi32, #tpu.memory_space<vmem>> -> memref<1x64xi32, #tpu.memory_space<vmem>>
    %dma_start3A_24 = tpu.memref_squeeze %dma_start3A_23 : memref<1x64xi32, #tpu.memory_space<vmem>> -> memref<64xi32, #tpu.memory_space<vmem>>
    %dma_start3A_25 = tpu.memref_slice %arg4[%add3A_20] : memref<327680xi32, #tpu.memory_space<hbm>> -> memref<64xi32, #tpu.memory_space<hbm>>
    %dma_start3A_26 = tpu.memref_slice %arg20[%dma_start3A_21] : memref<4x!tpu.dma_semaphore, #tpu.memory_space<semaphore_mem>> -> memref<1x!tpu.dma_semaphore, #tpu.memory_space<semaphore_mem>>
    %dma_start3A_27 = tpu.memref_squeeze %dma_start3A_26 : memref<1x!tpu.dma_semaphore, #tpu.memory_space<semaphore_mem>> -> memref<!tpu.dma_semaphore, #tpu.memory_space<semaphore_mem>>
    %dma_start3A_28 = arith.constant 0 : i32
    %dma_start3A_29 = tpu.memref_slice %arg11[%dma_start3A, %dma_start3A_28] : memref<4x64xi32, #tpu.memory_space<vmem>> -> memref<1x64xi32, #tpu.memory_space<vmem>>
    %dma_start3A_30 = tpu.memref_squeeze %dma_start3A_29 : memref<1x64xi32, #tpu.memory_space<vmem>> -> memref<64xi32, #tpu.memory_space<vmem>>
    %dma_start3A_31 = tpu.memref_slice %arg4[%add3A_20] : memref<327680xi32, #tpu.memory_space<hbm>> -> memref<64xi32, #tpu.memory_space<hbm>>
    tpu.enqueue_dma source(%dma_start3A_31 : memref<64xi32, #tpu.memory_space<hbm>>) target(%dma_start3A_30 : memref<64xi32, #tpu.memory_space<vmem>>) target_semaphore(%dma_start3A_27 : memref<!tpu.dma_semaphore, #tpu.memory_space<semaphore_mem>>)
    %dma_start3A_32 = arith.constant 0 : i32
    %dma_start3A_33 = arith.constant 0 : i32
    %dma_start3A_34 = arith.constant 0 : i32
    %dma_start3A_35 = tpu.memref_slice %arg12[%dma_start3A_32, %dma_start3A_34] : memref<4x64xi32, #tpu.memory_space<vmem>> -> memref<1x64xi32, #tpu.memory_space<vmem>>
    %dma_start3A_36 = tpu.memref_squeeze %dma_start3A_35 : memref<1x64xi32, #tpu.memory_space<vmem>> -> memref<64xi32, #tpu.memory_space<vmem>>
    %dma_start3A_37 = tpu.memref_slice %arg5[%add3A_20] : memref<327680xi32, #tpu.memory_space<hbm>> -> memref<64xi32, #tpu.memory_space<hbm>>
    %dma_start3A_38 = tpu.memref_slice %arg20[%dma_start3A_33] : memref<4x!tpu.dma_semaphore, #tpu.memory_space<semaphore_mem>> -> memref<1x!tpu.dma_semaphore, #tpu.memory_space<semaphore_mem>>
    %dma_start3A_39 = tpu.memref_squeeze %dma_start3A_38 : memref<1x!tpu.dma_semaphore, #tpu.memory_space<semaphore_mem>> -> memref<!tpu.dma_semaphore, #tpu.memory_space<semaphore_mem>>
    %dma_start3A_40 = arith.constant 0 : i32
    %dma_start3A_41 = tpu.memref_slice %arg12[%dma_start3A_32, %dma_start3A_40] : memref<4x64xi32, #tpu.memory_space<vmem>> -> memref<1x64xi32, #tpu.memory_space<vmem>>
    %dma_start3A_42 = tpu.memref_squeeze %dma_start3A_41 : memref<1x64xi32, #tpu.memory_space<vmem>> -> memref<64xi32, #tpu.memory_space<vmem>>
    %dma_start3A_43 = tpu.memref_slice %arg5[%add3A_20] : memref<327680xi32, #tpu.memory_space<hbm>> -> memref<64xi32, #tpu.memory_space<hbm>>
    tpu.enqueue_dma source(%dma_start3A_43 : memref<64xi32, #tpu.memory_space<hbm>>) target(%dma_start3A_42 : memref<64xi32, #tpu.memory_space<vmem>>) target_semaphore(%dma_start3A_39 : memref<!tpu.dma_semaphore, #tpu.memory_space<semaphore_mem>>)
    %dma_start3A_44 = arith.constant 0 : i32
    %dma_start3A_45 = arith.constant 0 : i32
    %dma_start3A_46 = arith.constant 0 : i32
    %dma_start3A_47 = tpu.memref_slice %arg13[%dma_start3A_44, %dma_start3A_46] : memref<4x64xi32, #tpu.memory_space<vmem>> -> memref<1x64xi32, #tpu.memory_space<vmem>>
    %dma_start3A_48 = tpu.memref_squeeze %dma_start3A_47 : memref<1x64xi32, #tpu.memory_space<vmem>> -> memref<64xi32, #tpu.memory_space<vmem>>
    %dma_start3A_49 = tpu.memref_slice %arg6[%add3A_20] : memref<327680xi32, #tpu.memory_space<hbm>> -> memref<64xi32, #tpu.memory_space<hbm>>
    %dma_start3A_50 = tpu.memref_slice %arg20[%dma_start3A_45] : memref<4x!tpu.dma_semaphore, #tpu.memory_space<semaphore_mem>> -> memref<1x!tpu.dma_semaphore, #tpu.memory_space<semaphore_mem>>
    %dma_start3A_51 = tpu.memref_squeeze %dma_start3A_50 : memref<1x!tpu.dma_semaphore, #tpu.memory_space<semaphore_mem>> -> memref<!tpu.dma_semaphore, #tpu.memory_space<semaphore_mem>>
    %dma_start3A_52 = arith.constant 0 : i32
    %dma_start3A_53 = tpu.memref_slice %arg13[%dma_start3A_44, %dma_start3A_52] : memref<4x64xi32, #tpu.memory_space<vmem>> -> memref<1x64xi32, #tpu.memory_space<vmem>>
    %dma_start3A_54 = tpu.memref_squeeze %dma_start3A_53 : memref<1x64xi32, #tpu.memory_space<vmem>> -> memref<64xi32, #tpu.memory_space<vmem>>
    %dma_start3A_55 = tpu.memref_slice %arg6[%add3A_20] : memref<327680xi32, #tpu.memory_space<hbm>> -> memref<64xi32, #tpu.memory_space<hbm>>
    tpu.enqueue_dma source(%dma_start3A_55 : memref<64xi32, #tpu.memory_space<hbm>>) target(%dma_start3A_54 : memref<64xi32, #tpu.memory_space<vmem>>) target_semaphore(%dma_start3A_51 : memref<!tpu.dma_semaphore, #tpu.memory_space<semaphore_mem>>)
    %mul3A_56 = arith.constant 10240 : i32
    %mul3A_57 = arith.muli %add3A, %mul3A_56 : i32
    %add3A_58 = arith.constant 64 : i32
    %add3A_59 = arith.addi %mul3A_57, %add3A_58 : i32
    %dma_start3A_60 = arith.constant 1 : i32
    %dma_start3A_61 = arith.constant 1 : i32
    %dma_start3A_62 = arith.constant 0 : i32
    %dma_start3A_63 = tpu.memref_slice %arg11[%dma_start3A_60, %dma_start3A_62] : memref<4x64xi32, #tpu.memory_space<vmem>> -> memref<1x64xi32, #tpu.memory_space<vmem>>
    %dma_start3A_64 = tpu.memref_squeeze %dma_start3A_63 : memref<1x64xi32, #tpu.memory_space<vmem>> -> memref<64xi32, #tpu.memory_space<vmem>>
    %dma_start3A_65 = tpu.memref_slice %arg4[%add3A_59] : memref<327680xi32, #tpu.memory_space<hbm>> -> memref<64xi32, #tpu.memory_space<hbm>>
    %dma_start3A_66 = tpu.memref_slice %arg20[%dma_start3A_61] : memref<4x!tpu.dma_semaphore, #tpu.memory_space<semaphore_mem>> -> memref<1x!tpu.dma_semaphore, #tpu.memory_space<semaphore_mem>>
    %dma_start3A_67 = tpu.memref_squeeze %dma_start3A_66 : memref<1x!tpu.dma_semaphore, #tpu.memory_space<semaphore_mem>> -> memref<!tpu.dma_semaphore, #tpu.memory_space<semaphore_mem>>
    %dma_start3A_68 = arith.constant 0 : i32
    %dma_start3A_69 = tpu.memref_slice %arg11[%dma_start3A_60, %dma_start3A_68] : memref<4x64xi32, #tpu.memory_space<vmem>> -> memref<1x64xi32, #tpu.memory_space<vmem>>
    %dma_start3A_70 = tpu.memref_squeeze %dma_start3A_69 : memref<1x64xi32, #tpu.memory_space<vmem>> -> memref<64xi32, #tpu.memory_space<vmem>>
    %dma_start3A_71 = tpu.memref_slice %arg4[%add3A_59] : memref<327680xi32, #tpu.memory_space<hbm>> -> memref<64xi32, #tpu.memory_space<hbm>>
    tpu.enqueue_dma source(%dma_start3A_71 : memref<64xi32, #tpu.memory_space<hbm>>) target(%dma_start3A_70 : memref<64xi32, #tpu.memory_space<vmem>>) target_semaphore(%dma_start3A_67 : memref<!tpu.dma_semaphore, #tpu.memory_space<semaphore_mem>>)
    %dma_start3A_72 = arith.constant 1 : i32
    %dma_start3A_73 = arith.constant 1 : i32
    %dma_start3A_74 = arith.constant 0 : i32
    %dma_start3A_75 = tpu.memref_slice %arg12[%dma_start3A_72, %dma_start3A_74] : memref<4x64xi32, #tpu.memory_space<vmem>> -> memref<1x64xi32, #tpu.memory_space<vmem>>
    %dma_start3A_76 = tpu.memref_squeeze %dma_start3A_75 : memref<1x64xi32, #tpu.memory_space<vmem>> -> memref<64xi32, #tpu.memory_space<vmem>>
    %dma_start3A_77 = tpu.memref_slice %arg5[%add3A_59] : memref<327680xi32, #tpu.memory_space<hbm>> -> memref<64xi32, #tpu.memory_space<hbm>>
    %dma_start3A_78 = tpu.memref_slice %arg20[%dma_start3A_73] : memref<4x!tpu.dma_semaphore, #tpu.memory_space<semaphore_mem>> -> memref<1x!tpu.dma_semaphore, #tpu.memory_space<semaphore_mem>>
    %dma_start3A_79 = tpu.memref_squeeze %dma_start3A_78 : memref<1x!tpu.dma_semaphore, #tpu.memory_space<semaphore_mem>> -> memref<!tpu.dma_semaphore, #tpu.memory_space<semaphore_mem>>
    %dma_start3A_80 = arith.constant 0 : i32
    %dma_start3A_81 = tpu.memref_slice %arg12[%dma_start3A_72, %dma_start3A_80] : memref<4x64xi32, #tpu.memory_space<vmem>> -> memref<1x64xi32, #tpu.memory_space<vmem>>
    %dma_start3A_82 = tpu.memref_squeeze %dma_start3A_81 : memref<1x64xi32, #tpu.memory_space<vmem>> -> memref<64xi32, #tpu.memory_space<vmem>>
    %dma_start3A_83 = tpu.memref_slice %arg5[%add3A_59] : memref<327680xi32, #tpu.memory_space<hbm>> -> memref<64xi32, #tpu.memory_space<hbm>>
    tpu.enqueue_dma source(%dma_start3A_83 : memref<64xi32, #tpu.memory_space<hbm>>) target(%dma_start3A_82 : memref<64xi32, #tpu.memory_space<vmem>>) target_semaphore(%dma_start3A_79 : memref<!tpu.dma_semaphore, #tpu.memory_space<semaphore_mem>>)
    %dma_start3A_84 = arith.constant 1 : i32
    %dma_start3A_85 = arith.constant 1 : i32
    %dma_start3A_86 = arith.constant 0 : i32
    %dma_start3A_87 = tpu.memref_slice %arg13[%dma_start3A_84, %dma_start3A_86] : memref<4x64xi32, #tpu.memory_space<vmem>> -> memref<1x64xi32, #tpu.memory_space<vmem>>
    %dma_start3A_88 = tpu.memref_squeeze %dma_start3A_87 : memref<1x64xi32, #tpu.memory_space<vmem>> -> memref<64xi32, #tpu.memory_space<vmem>>
    %dma_start3A_89 = tpu.memref_slice %arg6[%add3A_59] : memref<327680xi32, #tpu.memory_space<hbm>> -> memref<64xi32, #tpu.memory_space<hbm>>
    %dma_start3A_90 = tpu.memref_slice %arg20[%dma_start3A_85] : memref<4x!tpu.dma_semaphore, #tpu.memory_space<semaphore_mem>> -> memref<1x!tpu.dma_semaphore, #tpu.memory_space<semaphore_mem>>
    %dma_start3A_91 = tpu.memref_squeeze %dma_start3A_90 : memref<1x!tpu.dma_semaphore, #tpu.memory_space<semaphore_mem>> -> memref<!tpu.dma_semaphore, #tpu.memory_space<semaphore_mem>>
    %dma_start3A_92 = arith.constant 0 : i32
    %dma_start3A_93 = tpu.memref_slice %arg13[%dma_start3A_84, %dma_start3A_92] : memref<4x64xi32, #tpu.memory_space<vmem>> -> memref<1x64xi32, #tpu.memory_space<vmem>>
    %dma_start3A_94 = tpu.memref_squeeze %dma_start3A_93 : memref<1x64xi32, #tpu.memory_space<vmem>> -> memref<64xi32, #tpu.memory_space<vmem>>
    %dma_start3A_95 = tpu.memref_slice %arg6[%add3A_59] : memref<327680xi32, #tpu.memory_space<hbm>> -> memref<64xi32, #tpu.memory_space<hbm>>
    tpu.enqueue_dma source(%dma_start3A_95 : memref<64xi32, #tpu.memory_space<hbm>>) target(%dma_start3A_94 : memref<64xi32, #tpu.memory_space<vmem>>) target_semaphore(%dma_start3A_91 : memref<!tpu.dma_semaphore, #tpu.memory_space<semaphore_mem>>)
    %dma_wait3A = arith.constant 0 : i32
    %dma_wait3A_96 = arith.constant 0 : i32
    %dma_wait3A_97 = arith.constant 0 : i32
    %dma_wait3A_98 = tpu.memref_slice %arg11[%dma_wait3A, %dma_wait3A_97] : memref<4x64xi32, #tpu.memory_space<vmem>> -> memref<1x64xi32, #tpu.memory_space<vmem>>
    %dma_wait3A_99 = tpu.memref_squeeze %dma_wait3A_98 : memref<1x64xi32, #tpu.memory_space<vmem>> -> memref<64xi32, #tpu.memory_space<vmem>>
    %dma_wait3A_100 = arith.constant 0 : i32
    %dma_wait3A_101 = tpu.memref_slice %arg4[%dma_wait3A_100] : memref<327680xi32, #tpu.memory_space<hbm>> -> memref<64xi32, #tpu.memory_space<hbm>>
    %dma_wait3A_102 = tpu.memref_slice %arg20[%dma_wait3A_96] : memref<4x!tpu.dma_semaphore, #tpu.memory_space<semaphore_mem>> -> memref<1x!tpu.dma_semaphore, #tpu.memory_space<semaphore_mem>>
    %dma_wait3A_103 = tpu.memref_squeeze %dma_wait3A_102 : memref<1x!tpu.dma_semaphore, #tpu.memory_space<semaphore_mem>> -> memref<!tpu.dma_semaphore, #tpu.memory_space<semaphore_mem>>
    %dma_wait3A_104 = arith.constant 0 : i32
    %dma_wait3A_105 = tpu.memref_slice %arg11[%dma_wait3A, %dma_wait3A_104] : memref<4x64xi32, #tpu.memory_space<vmem>> -> memref<1x64xi32, #tpu.memory_space<vmem>>
    %dma_wait3A_106 = tpu.memref_squeeze %dma_wait3A_105 : memref<1x64xi32, #tpu.memory_space<vmem>> -> memref<64xi32, #tpu.memory_space<vmem>>
    %dma_wait3A_107 = arith.constant 0 : i32
    %dma_wait3A_108 = tpu.memref_slice %arg4[%dma_wait3A_107] : memref<327680xi32, #tpu.memory_space<hbm>> -> memref<64xi32, #tpu.memory_space<hbm>>
    tpu.wait_dma2 semaphore(%dma_wait3A_103 : memref<!tpu.dma_semaphore, #tpu.memory_space<semaphore_mem>>) src(%dma_wait3A_108 : memref<64xi32, #tpu.memory_space<hbm>>) dst(%dma_wait3A_106 : memref<64xi32, #tpu.memory_space<vmem>>)
    %dma_wait3A_109 = arith.constant 0 : i32
    %dma_wait3A_110 = arith.constant 0 : i32
    %dma_wait3A_111 = arith.constant 0 : i32
    %dma_wait3A_112 = tpu.memref_slice %arg12[%dma_wait3A_109, %dma_wait3A_111] : memref<4x64xi32, #tpu.memory_space<vmem>> -> memref<1x64xi32, #tpu.memory_space<vmem>>
    %dma_wait3A_113 = tpu.memref_squeeze %dma_wait3A_112 : memref<1x64xi32, #tpu.memory_space<vmem>> -> memref<64xi32, #tpu.memory_space<vmem>>
    %dma_wait3A_114 = arith.constant 0 : i32
    %dma_wait3A_115 = tpu.memref_slice %arg5[%dma_wait3A_114] : memref<327680xi32, #tpu.memory_space<hbm>> -> memref<64xi32, #tpu.memory_space<hbm>>
    %dma_wait3A_116 = tpu.memref_slice %arg20[%dma_wait3A_110] : memref<4x!tpu.dma_semaphore, #tpu.memory_space<semaphore_mem>> -> memref<1x!tpu.dma_semaphore, #tpu.memory_space<semaphore_mem>>
    %dma_wait3A_117 = tpu.memref_squeeze %dma_wait3A_116 : memref<1x!tpu.dma_semaphore, #tpu.memory_space<semaphore_mem>> -> memref<!tpu.dma_semaphore, #tpu.memory_space<semaphore_mem>>
    %dma_wait3A_118 = arith.constant 0 : i32
    %dma_wait3A_119 = tpu.memref_slice %arg12[%dma_wait3A_109, %dma_wait3A_118] : memref<4x64xi32, #tpu.memory_space<vmem>> -> memref<1x64xi32, #tpu.memory_space<vmem>>
    %dma_wait3A_120 = tpu.memref_squeeze %dma_wait3A_119 : memref<1x64xi32, #tpu.memory_space<vmem>> -> memref<64xi32, #tpu.memory_space<vmem>>
    %dma_wait3A_121 = arith.constant 0 : i32
    %dma_wait3A_122 = tpu.memref_slice %arg5[%dma_wait3A_121] : memref<327680xi32, #tpu.memory_space<hbm>> -> memref<64xi32, #tpu.memory_space<hbm>>
    tpu.wait_dma2 semaphore(%dma_wait3A_117 : memref<!tpu.dma_semaphore, #tpu.memory_space<semaphore_mem>>) src(%dma_wait3A_122 : memref<64xi32, #tpu.memory_space<hbm>>) dst(%dma_wait3A_120 : memref<64xi32, #tpu.memory_space<vmem>>)
    %dma_wait3A_123 = arith.constant 0 : i32
    %dma_wait3A_124 = arith.constant 0 : i32
    %dma_wait3A_125 = arith.constant 0 : i32
    %dma_wait3A_126 = tpu.memref_slice %arg13[%dma_wait3A_123, %dma_wait3A_125] : memref<4x64xi32, #tpu.memory_space<vmem>> -> memref<1x64xi32, #tpu.memory_space<vmem>>
    %dma_wait3A_127 = tpu.memref_squeeze %dma_wait3A_126 : memref<1x64xi32, #tpu.memory_space<vmem>> -> memref<64xi32, #tpu.memory_space<vmem>>
    %dma_wait3A_128 = arith.constant 0 : i32
    %dma_wait3A_129 = tpu.memref_slice %arg6[%dma_wait3A_128] : memref<327680xi32, #tpu.memory_space<hbm>> -> memref<64xi32, #tpu.memory_space<hbm>>
    %dma_wait3A_130 = tpu.memref_slice %arg20[%dma_wait3A_124] : memref<4x!tpu.dma_semaphore, #tpu.memory_space<semaphore_mem>> -> memref<1x!tpu.dma_semaphore, #tpu.memory_space<semaphore_mem>>
    %dma_wait3A_131 = tpu.memref_squeeze %dma_wait3A_130 : memref<1x!tpu.dma_semaphore, #tpu.memory_space<semaphore_mem>> -> memref<!tpu.dma_semaphore, #tpu.memory_space<semaphore_mem>>
    %dma_wait3A_132 = arith.constant 0 : i32
    %dma_wait3A_133 = tpu.memref_slice %arg13[%dma_wait3A_123, %dma_wait3A_132] : memref<4x64xi32, #tpu.memory_space<vmem>> -> memref<1x64xi32, #tpu.memory_space<vmem>>
    %dma_wait3A_134 = tpu.memref_squeeze %dma_wait3A_133 : memref<1x64xi32, #tpu.memory_space<vmem>> -> memref<64xi32, #tpu.memory_space<vmem>>
    %dma_wait3A_135 = arith.constant 0 : i32
    %dma_wait3A_136 = tpu.memref_slice %arg6[%dma_wait3A_135] : memref<327680xi32, #tpu.memory_space<hbm>> -> memref<64xi32, #tpu.memory_space<hbm>>
    tpu.wait_dma2 semaphore(%dma_wait3A_131 : memref<!tpu.dma_semaphore, #tpu.memory_space<semaphore_mem>>) src(%dma_wait3A_136 : memref<64xi32, #tpu.memory_space<hbm>>) dst(%dma_wait3A_134 : memref<64xi32, #tpu.memory_space<vmem>>)
    %dma_start3A_137 = arith.constant 0 : i32
    %dma_start3A_138 = arith.constant 0 : i32
    %dma_start3A_139 = arith.constant 0 : i32
    %dma_start3A_140 = arith.constant 0 : i32
    %dma_start3A_141 = arith.constant 0 : i32
    %dma_start3A_142 = tpu.memref_slice %arg14[%dma_start3A_138, %dma_start3A_140, %dma_start3A_141] : memref<2x64x128xf32, #tpu.memory_space<vmem>> -> memref<1x64x128xf32, #tpu.memory_space<vmem>>
    %dma_start3A_143 = tpu.memref_squeeze %dma_start3A_142 : memref<1x64x128xf32, #tpu.memory_space<vmem>> -> memref<64x128xf32, #tpu.memory_space<vmem>>
    %dma_start3A_144 = arith.constant 0 : i32
    %dma_start3A_145 = tpu.memref_slice %arg11[%dma_start3A_137, %dma_start3A_144] : memref<4x64xi32, #tpu.memory_space<vmem>> -> memref<1x64xi32, #tpu.memory_space<vmem>>
    %dma_start3A_146 = tpu.memref_squeeze %dma_start3A_145 : memref<1x64xi32, #tpu.memory_space<vmem>> -> memref<64xi32, #tpu.memory_space<vmem>>
    %dma_start3A_147 = arith.constant 0 : i32
    %dma_start3A_148 = arith.constant 0 : i32
    %dma_start3A_149 = tpu.memref_slice %arg2[%dma_start3A_147, %dma_start3A_148] : memref<10000x128xf32, #tpu.memory_space<hbm>> -> memref<10000x128xf32, #tpu.memory_space<hbm>>
    %dma_start3A_150 = tpu.memref_slice %arg21[%dma_start3A_139] : memref<2x!tpu.dma_semaphore, #tpu.memory_space<semaphore_mem>> -> memref<1x!tpu.dma_semaphore, #tpu.memory_space<semaphore_mem>>
    %dma_start3A_151 = tpu.memref_squeeze %dma_start3A_150 : memref<1x!tpu.dma_semaphore, #tpu.memory_space<semaphore_mem>> -> memref<!tpu.dma_semaphore, #tpu.memory_space<semaphore_mem>>
    tpu.enqueue_indirect_dma source(%dma_start3A_149 : memref<10000x128xf32, #tpu.memory_space<hbm>>) target(%dma_start3A_143 : memref<64x128xf32, #tpu.memory_space<vmem>>) offsets(%dma_start3A_146 : memref<64xi32, #tpu.memory_space<vmem>>) semaphore(%dma_start3A_151 : memref<!tpu.dma_semaphore, #tpu.memory_space<semaphore_mem>>)
    %scan3A_152 = arith.constant 0 : i32
    %scan3A_153 = arith.constant 0 : i32
    %scan3A_154 = arith.constant 40 : i32
    %scan3A_155 = arith.addi %scan3A_153, %scan3A_154 : i32
    %scan3A_156 = arith.constant 1 : i32
    scf.for %scan3A_191 = %scan3A_153 to %scan3A_155 step %scan3A_156  : i32 {
      %mul3A_192 = arith.constant 4 : i32
      %mul3A_193 = arith.muli %scan3A_191, %mul3A_192 : i32
      %add3A_194 = arith.constant 0 : i32
      %add3A_195 = arith.addi %mul3A_193, %add3A_194 : i32
      %gt3A = arith.constant 0 : i32
      %gt3A_196 = arith.cmpi sgt, %add3A_195, %gt3A : i32
      %convert_element_type3A_197 = arith.extui %gt3A_196 : i1 to i32
      %cond3A_198 = arith.constant 0 : i32
      %cond3A_199 = arith.cmpi ne, %convert_element_type3A_197, %cond3A_198 : i32
      scf.if %cond3A_199 {
        %dma_wait3A_518 = arith.constant 1 : i32
        %dma_wait3A_519 = arith.constant 0 : i32
        %dma_wait3A_520 = arith.constant 1 : i32
        %dma_wait3A_521 = arith.constant 0 : i32
        %dma_wait3A_522 = arith.constant 0 : i32
        %dma_wait3A_523 = tpu.memref_slice %arg14[%dma_wait3A_518, %dma_wait3A_521, %dma_wait3A_522] : memref<2x64x128xf32, #tpu.memory_space<vmem>> -> memref<1x64x128xf32, #tpu.memory_space<vmem>>
        %dma_wait3A_524 = tpu.memref_squeeze %dma_wait3A_523 : memref<1x64x128xf32, #tpu.memory_space<vmem>> -> memref<64x128xf32, #tpu.memory_space<vmem>>
        %dma_wait3A_525 = arith.constant 0 : i32
        %dma_wait3A_526 = tpu.memref_slice %arg12[%dma_wait3A_519, %dma_wait3A_525] : memref<4x64xi32, #tpu.memory_space<vmem>> -> memref<1x64xi32, #tpu.memory_space<vmem>>
        %dma_wait3A_527 = tpu.memref_squeeze %dma_wait3A_526 : memref<1x64xi32, #tpu.memory_space<vmem>> -> memref<64xi32, #tpu.memory_space<vmem>>
        %dma_wait3A_528 = arith.constant 0 : i32
        %dma_wait3A_529 = arith.constant 0 : i32
        %dma_wait3A_530 = tpu.memref_slice %arg17[%dma_wait3A_528, %dma_wait3A_529] : memref<10112x128xf32, #tpu.memory_space<vmem_shared>> -> memref<10112x128xf32, #tpu.memory_space<vmem_shared>>
        %dma_wait3A_531 = tpu.memref_slice %arg22[%dma_wait3A_520] : memref<2x!tpu.dma_semaphore, #tpu.memory_space<semaphore_mem>> -> memref<1x!tpu.dma_semaphore, #tpu.memory_space<semaphore_mem>>
        %dma_wait3A_532 = tpu.memref_squeeze %dma_wait3A_531 : memref<1x!tpu.dma_semaphore, #tpu.memory_space<semaphore_mem>> -> memref<!tpu.dma_semaphore, #tpu.memory_space<semaphore_mem>>
        tpu.wait_indirect_dma semaphore(%dma_wait3A_532 : memref<!tpu.dma_semaphore, #tpu.memory_space<semaphore_mem>>) src(%dma_wait3A_524 : memref<64x128xf32, #tpu.memory_space<vmem>>) dst(%dma_wait3A_530 : memref<10112x128xf32, #tpu.memory_space<vmem_shared>>)
        %dma_wait3A_533 = arith.constant 0 : i32
        %dma_wait3A_534 = arith.constant 1 : i32
        %dma_wait3A_535 = arith.constant 0 : i32
        %dma_wait3A_536 = tpu.memref_slice %arg12[%dma_wait3A_533, %dma_wait3A_535] : memref<4x64xi32, #tpu.memory_space<vmem>> -> memref<1x64xi32, #tpu.memory_space<vmem>>
        %dma_wait3A_537 = tpu.memref_squeeze %dma_wait3A_536 : memref<1x64xi32, #tpu.memory_space<vmem>> -> memref<64xi32, #tpu.memory_space<vmem>>
        %dma_wait3A_538 = arith.constant 0 : i32
        %dma_wait3A_539 = tpu.memref_slice %arg18[%dma_wait3A_538] : memref<12288xf32, #tpu.memory_space<vmem_shared>> -> memref<12288xf32, #tpu.memory_space<vmem_shared>>
        %dma_wait3A_540 = tpu.memref_slice %arg23[%dma_wait3A_534] : memref<2x!tpu.dma_semaphore, #tpu.memory_space<semaphore_mem>> -> memref<1x!tpu.dma_semaphore, #tpu.memory_space<semaphore_mem>>
        %dma_wait3A_541 = tpu.memref_squeeze %dma_wait3A_540 : memref<1x!tpu.dma_semaphore, #tpu.memory_space<semaphore_mem>> -> memref<!tpu.dma_semaphore, #tpu.memory_space<semaphore_mem>>
        tpu.wait_indirect_dma semaphore(%dma_wait3A_541 : memref<!tpu.dma_semaphore, #tpu.memory_space<semaphore_mem>>) src(%arg16 : memref<64xf32, #tpu.memory_space<vmem>>) dst(%dma_wait3A_539 : memref<12288xf32, #tpu.memory_space<vmem_shared>>)
      } else {
      }
      %add3A_200 = arith.constant 2 : i32
      %add3A_201 = arith.addi %add3A_195, %add3A_200 : i32
      %lt3A = arith.constant 160 : i32
      %lt3A_202 = arith.cmpi slt, %add3A_201, %lt3A : i32
      %convert_element_type3A_203 = arith.extui %lt3A_202 : i1 to i32
      %cond3A_204 = arith.constant 0 : i32
      %cond3A_205 = arith.cmpi ne, %convert_element_type3A_203, %cond3A_204 : i32
      scf.if %cond3A_205 {
        %add3A_518 = arith.constant 2 : i32
        %add3A_519 = arith.addi %add3A_195, %add3A_518 : i32
        %mul3A_520 = arith.constant 10240 : i32
        %mul3A_521 = arith.muli %add3A, %mul3A_520 : i32
        %mul3A_522 = arith.constant 64 : i32
        %mul3A_523 = arith.muli %add3A_519, %mul3A_522 : i32
        %add3A_524 = arith.addi %mul3A_521, %mul3A_523 : i32
        %dma_start3A_525 = arith.constant 2 : i32
        %dma_start3A_526 = arith.constant 2 : i32
        %dma_start3A_527 = arith.constant 0 : i32
        %dma_start3A_528 = tpu.memref_slice %arg11[%dma_start3A_525, %dma_start3A_527] : memref<4x64xi32, #tpu.memory_space<vmem>> -> memref<1x64xi32, #tpu.memory_space<vmem>>
        %dma_start3A_529 = tpu.memref_squeeze %dma_start3A_528 : memref<1x64xi32, #tpu.memory_space<vmem>> -> memref<64xi32, #tpu.memory_space<vmem>>
        %dma_start3A_530 = tpu.memref_slice %arg4[%add3A_524] : memref<327680xi32, #tpu.memory_space<hbm>> -> memref<64xi32, #tpu.memory_space<hbm>>
        %dma_start3A_531 = tpu.memref_slice %arg20[%dma_start3A_526] : memref<4x!tpu.dma_semaphore, #tpu.memory_space<semaphore_mem>> -> memref<1x!tpu.dma_semaphore, #tpu.memory_space<semaphore_mem>>
        %dma_start3A_532 = tpu.memref_squeeze %dma_start3A_531 : memref<1x!tpu.dma_semaphore, #tpu.memory_space<semaphore_mem>> -> memref<!tpu.dma_semaphore, #tpu.memory_space<semaphore_mem>>
        %dma_start3A_533 = arith.constant 0 : i32
        %dma_start3A_534 = tpu.memref_slice %arg11[%dma_start3A_525, %dma_start3A_533] : memref<4x64xi32, #tpu.memory_space<vmem>> -> memref<1x64xi32, #tpu.memory_space<vmem>>
        %dma_start3A_535 = tpu.memref_squeeze %dma_start3A_534 : memref<1x64xi32, #tpu.memory_space<vmem>> -> memref<64xi32, #tpu.memory_space<vmem>>
        %dma_start3A_536 = tpu.memref_slice %arg4[%add3A_524] : memref<327680xi32, #tpu.memory_space<hbm>> -> memref<64xi32, #tpu.memory_space<hbm>>
        tpu.enqueue_dma source(%dma_start3A_536 : memref<64xi32, #tpu.memory_space<hbm>>) target(%dma_start3A_535 : memref<64xi32, #tpu.memory_space<vmem>>) target_semaphore(%dma_start3A_532 : memref<!tpu.dma_semaphore, #tpu.memory_space<semaphore_mem>>)
        %dma_start3A_537 = arith.constant 2 : i32
        %dma_start3A_538 = arith.constant 2 : i32
        %dma_start3A_539 = arith.constant 0 : i32
        %dma_start3A_540 = tpu.memref_slice %arg12[%dma_start3A_537, %dma_start3A_539] : memref<4x64xi32, #tpu.memory_space<vmem>> -> memref<1x64xi32, #tpu.memory_space<vmem>>
        %dma_start3A_541 = tpu.memref_squeeze %dma_start3A_540 : memref<1x64xi32, #tpu.memory_space<vmem>> -> memref<64xi32, #tpu.memory_space<vmem>>
        %dma_start3A_542 = tpu.memref_slice %arg5[%add3A_524] : memref<327680xi32, #tpu.memory_space<hbm>> -> memref<64xi32, #tpu.memory_space<hbm>>
        %dma_start3A_543 = tpu.memref_slice %arg20[%dma_start3A_538] : memref<4x!tpu.dma_semaphore, #tpu.memory_space<semaphore_mem>> -> memref<1x!tpu.dma_semaphore, #tpu.memory_space<semaphore_mem>>
        %dma_start3A_544 = tpu.memref_squeeze %dma_start3A_543 : memref<1x!tpu.dma_semaphore, #tpu.memory_space<semaphore_mem>> -> memref<!tpu.dma_semaphore, #tpu.memory_space<semaphore_mem>>
        %dma_start3A_545 = arith.constant 0 : i32
        %dma_start3A_546 = tpu.memref_slice %arg12[%dma_start3A_537, %dma_start3A_545] : memref<4x64xi32, #tpu.memory_space<vmem>> -> memref<1x64xi32, #tpu.memory_space<vmem>>
        %dma_start3A_547 = tpu.memref_squeeze %dma_start3A_546 : memref<1x64xi32, #tpu.memory_space<vmem>> -> memref<64xi32, #tpu.memory_space<vmem>>
        %dma_start3A_548 = tpu.memref_slice %arg5[%add3A_524] : memref<327680xi32, #tpu.memory_space<hbm>> -> memref<64xi32, #tpu.memory_space<hbm>>
        tpu.enqueue_dma source(%dma_start3A_548 : memref<64xi32, #tpu.memory_space<hbm>>) target(%dma_start3A_547 : memref<64xi32, #tpu.memory_space<vmem>>) target_semaphore(%dma_start3A_544 : memref<!tpu.dma_semaphore, #tpu.memory_space<semaphore_mem>>)
        %dma_start3A_549 = arith.constant 2 : i32
        %dma_start3A_550 = arith.constant 2 : i32
        %dma_start3A_551 = arith.constant 0 : i32
        %dma_start3A_552 = tpu.memref_slice %arg13[%dma_start3A_549, %dma_start3A_551] : memref<4x64xi32, #tpu.memory_space<vmem>> -> memref<1x64xi32, #tpu.memory_space<vmem>>
        %dma_start3A_553 = tpu.memref_squeeze %dma_start3A_552 : memref<1x64xi32, #tpu.memory_space<vmem>> -> memref<64xi32, #tpu.memory_space<vmem>>
        %dma_start3A_554 = tpu.memref_slice %arg6[%add3A_524] : memref<327680xi32, #tpu.memory_space<hbm>> -> memref<64xi32, #tpu.memory_space<hbm>>
        %dma_start3A_555 = tpu.memref_slice %arg20[%dma_start3A_550] : memref<4x!tpu.dma_semaphore, #tpu.memory_space<semaphore_mem>> -> memref<1x!tpu.dma_semaphore, #tpu.memory_space<semaphore_mem>>
        %dma_start3A_556 = tpu.memref_squeeze %dma_start3A_555 : memref<1x!tpu.dma_semaphore, #tpu.memory_space<semaphore_mem>> -> memref<!tpu.dma_semaphore, #tpu.memory_space<semaphore_mem>>
        %dma_start3A_557 = arith.constant 0 : i32
        %dma_start3A_558 = tpu.memref_slice %arg13[%dma_start3A_549, %dma_start3A_557] : memref<4x64xi32, #tpu.memory_space<vmem>> -> memref<1x64xi32, #tpu.memory_space<vmem>>
        %dma_start3A_559 = tpu.memref_squeeze %dma_start3A_558 : memref<1x64xi32, #tpu.memory_space<vmem>> -> memref<64xi32, #tpu.memory_space<vmem>>
        %dma_start3A_560 = tpu.memref_slice %arg6[%add3A_524] : memref<327680xi32, #tpu.memory_space<hbm>> -> memref<64xi32, #tpu.memory_space<hbm>>
        tpu.enqueue_dma source(%dma_start3A_560 : memref<64xi32, #tpu.memory_space<hbm>>) target(%dma_start3A_559 : memref<64xi32, #tpu.memory_space<vmem>>) target_semaphore(%dma_start3A_556 : memref<!tpu.dma_semaphore, #tpu.memory_space<semaphore_mem>>)
      } else {
      }
      %add3A_206 = arith.constant 1 : i32
      %add3A_207 = arith.addi %add3A_195, %add3A_206 : i32
      %lt3A_208 = arith.constant 160 : i32
      %lt3A_209 = arith.cmpi slt, %add3A_207, %lt3A_208 : i32
      %convert_element_type3A_210 = arith.extui %lt3A_209 : i1 to i32
      %cond3A_211 = arith.constant 0 : i32
      %cond3A_212 = arith.cmpi ne, %convert_element_type3A_210, %cond3A_211 : i32
      scf.if %cond3A_212 {
        %dma_wait3A_518 = arith.constant 1 : i32
        %dma_wait3A_519 = arith.constant 1 : i32
        %dma_wait3A_520 = arith.constant 0 : i32
        %dma_wait3A_521 = tpu.memref_slice %arg11[%dma_wait3A_518, %dma_wait3A_520] : memref<4x64xi32, #tpu.memory_space<vmem>> -> memref<1x64xi32, #tpu.memory_space<vmem>>
        %dma_wait3A_522 = tpu.memref_squeeze %dma_wait3A_521 : memref<1x64xi32, #tpu.memory_space<vmem>> -> memref<64xi32, #tpu.memory_space<vmem>>
        %dma_wait3A_523 = arith.constant 0 : i32
        %dma_wait3A_524 = tpu.memref_slice %arg4[%dma_wait3A_523] : memref<327680xi32, #tpu.memory_space<hbm>> -> memref<64xi32, #tpu.memory_space<hbm>>
        %dma_wait3A_525 = tpu.memref_slice %arg20[%dma_wait3A_519] : memref<4x!tpu.dma_semaphore, #tpu.memory_space<semaphore_mem>> -> memref<1x!tpu.dma_semaphore, #tpu.memory_space<semaphore_mem>>
        %dma_wait3A_526 = tpu.memref_squeeze %dma_wait3A_525 : memref<1x!tpu.dma_semaphore, #tpu.memory_space<semaphore_mem>> -> memref<!tpu.dma_semaphore, #tpu.memory_space<semaphore_mem>>
        %dma_wait3A_527 = arith.constant 0 : i32
        %dma_wait3A_528 = tpu.memref_slice %arg11[%dma_wait3A_518, %dma_wait3A_527] : memref<4x64xi32, #tpu.memory_space<vmem>> -> memref<1x64xi32, #tpu.memory_space<vmem>>
        %dma_wait3A_529 = tpu.memref_squeeze %dma_wait3A_528 : memref<1x64xi32, #tpu.memory_space<vmem>> -> memref<64xi32, #tpu.memory_space<vmem>>
        %dma_wait3A_530 = arith.constant 0 : i32
        %dma_wait3A_531 = tpu.memref_slice %arg4[%dma_wait3A_530] : memref<327680xi32, #tpu.memory_space<hbm>> -> memref<64xi32, #tpu.memory_space<hbm>>
        tpu.wait_dma2 semaphore(%dma_wait3A_526 : memref<!tpu.dma_semaphore, #tpu.memory_space<semaphore_mem>>) src(%dma_wait3A_531 : memref<64xi32, #tpu.memory_space<hbm>>) dst(%dma_wait3A_529 : memref<64xi32, #tpu.memory_space<vmem>>)
        %dma_wait3A_532 = arith.constant 1 : i32
        %dma_wait3A_533 = arith.constant 1 : i32
        %dma_wait3A_534 = arith.constant 0 : i32
        %dma_wait3A_535 = tpu.memref_slice %arg12[%dma_wait3A_532, %dma_wait3A_534] : memref<4x64xi32, #tpu.memory_space<vmem>> -> memref<1x64xi32, #tpu.memory_space<vmem>>
        %dma_wait3A_536 = tpu.memref_squeeze %dma_wait3A_535 : memref<1x64xi32, #tpu.memory_space<vmem>> -> memref<64xi32, #tpu.memory_space<vmem>>
        %dma_wait3A_537 = arith.constant 0 : i32
        %dma_wait3A_538 = tpu.memref_slice %arg5[%dma_wait3A_537] : memref<327680xi32, #tpu.memory_space<hbm>> -> memref<64xi32, #tpu.memory_space<hbm>>
        %dma_wait3A_539 = tpu.memref_slice %arg20[%dma_wait3A_533] : memref<4x!tpu.dma_semaphore, #tpu.memory_space<semaphore_mem>> -> memref<1x!tpu.dma_semaphore, #tpu.memory_space<semaphore_mem>>
        %dma_wait3A_540 = tpu.memref_squeeze %dma_wait3A_539 : memref<1x!tpu.dma_semaphore, #tpu.memory_space<semaphore_mem>> -> memref<!tpu.dma_semaphore, #tpu.memory_space<semaphore_mem>>
        %dma_wait3A_541 = arith.constant 0 : i32
        %dma_wait3A_542 = tpu.memref_slice %arg12[%dma_wait3A_532, %dma_wait3A_541] : memref<4x64xi32, #tpu.memory_space<vmem>> -> memref<1x64xi32, #tpu.memory_space<vmem>>
        %dma_wait3A_543 = tpu.memref_squeeze %dma_wait3A_542 : memref<1x64xi32, #tpu.memory_space<vmem>> -> memref<64xi32, #tpu.memory_space<vmem>>
        %dma_wait3A_544 = arith.constant 0 : i32
        %dma_wait3A_545 = tpu.memref_slice %arg5[%dma_wait3A_544] : memref<327680xi32, #tpu.memory_space<hbm>> -> memref<64xi32, #tpu.memory_space<hbm>>
        tpu.wait_dma2 semaphore(%dma_wait3A_540 : memref<!tpu.dma_semaphore, #tpu.memory_space<semaphore_mem>>) src(%dma_wait3A_545 : memref<64xi32, #tpu.memory_space<hbm>>) dst(%dma_wait3A_543 : memref<64xi32, #tpu.memory_space<vmem>>)
        %dma_wait3A_546 = arith.constant 1 : i32
        %dma_wait3A_547 = arith.constant 1 : i32
        %dma_wait3A_548 = arith.constant 0 : i32
        %dma_wait3A_549 = tpu.memref_slice %arg13[%dma_wait3A_546, %dma_wait3A_548] : memref<4x64xi32, #tpu.memory_space<vmem>> -> memref<1x64xi32, #tpu.memory_space<vmem>>
        %dma_wait3A_550 = tpu.memref_squeeze %dma_wait3A_549 : memref<1x64xi32, #tpu.memory_space<vmem>> -> memref<64xi32, #tpu.memory_space<vmem>>
        %dma_wait3A_551 = arith.constant 0 : i32
        %dma_wait3A_552 = tpu.memref_slice %arg6[%dma_wait3A_551] : memref<327680xi32, #tpu.memory_space<hbm>> -> memref<64xi32, #tpu.memory_space<hbm>>
        %dma_wait3A_553 = tpu.memref_slice %arg20[%dma_wait3A_547] : memref<4x!tpu.dma_semaphore, #tpu.memory_space<semaphore_mem>> -> memref<1x!tpu.dma_semaphore, #tpu.memory_space<semaphore_mem>>
        %dma_wait3A_554 = tpu.memref_squeeze %dma_wait3A_553 : memref<1x!tpu.dma_semaphore, #tpu.memory_space<semaphore_mem>> -> memref<!tpu.dma_semaphore, #tpu.memory_space<semaphore_mem>>
        %dma_wait3A_555 = arith.constant 0 : i32
        %dma_wait3A_556 = tpu.memref_slice %arg13[%dma_wait3A_546, %dma_wait3A_555] : memref<4x64xi32, #tpu.memory_space<vmem>> -> memref<1x64xi32, #tpu.memory_space<vmem>>
        %dma_wait3A_557 = tpu.memref_squeeze %dma_wait3A_556 : memref<1x64xi32, #tpu.memory_space<vmem>> -> memref<64xi32, #tpu.memory_space<vmem>>
        %dma_wait3A_558 = arith.constant 0 : i32
        %dma_wait3A_559 = tpu.memref_slice %arg6[%dma_wait3A_558] : memref<327680xi32, #tpu.memory_space<hbm>> -> memref<64xi32, #tpu.memory_space<hbm>>
        tpu.wait_dma2 semaphore(%dma_wait3A_554 : memref<!tpu.dma_semaphore, #tpu.memory_space<semaphore_mem>>) src(%dma_wait3A_559 : memref<64xi32, #tpu.memory_space<hbm>>) dst(%dma_wait3A_557 : memref<64xi32, #tpu.memory_space<vmem>>)
        %dma_start3A_560 = arith.constant 1 : i32
        %dma_start3A_561 = arith.constant 1 : i32
        %dma_start3A_562 = arith.constant 1 : i32
        %dma_start3A_563 = arith.constant 0 : i32
        %dma_start3A_564 = arith.constant 0 : i32
        %dma_start3A_565 = tpu.memref_slice %arg14[%dma_start3A_561, %dma_start3A_563, %dma_start3A_564] : memref<2x64x128xf32, #tpu.memory_space<vmem>> -> memref<1x64x128xf32, #tpu.memory_space<vmem>>
        %dma_start3A_566 = tpu.memref_squeeze %dma_start3A_565 : memref<1x64x128xf32, #tpu.memory_space<vmem>> -> memref<64x128xf32, #tpu.memory_space<vmem>>
        %dma_start3A_567 = arith.constant 0 : i32
        %dma_start3A_568 = tpu.memref_slice %arg11[%dma_start3A_560, %dma_start3A_567] : memref<4x64xi32, #tpu.memory_space<vmem>> -> memref<1x64xi32, #tpu.memory_space<vmem>>
        %dma_start3A_569 = tpu.memref_squeeze %dma_start3A_568 : memref<1x64xi32, #tpu.memory_space<vmem>> -> memref<64xi32, #tpu.memory_space<vmem>>
        %dma_start3A_570 = arith.constant 0 : i32
        %dma_start3A_571 = arith.constant 0 : i32
        %dma_start3A_572 = tpu.memref_slice %arg2[%dma_start3A_570, %dma_start3A_571] : memref<10000x128xf32, #tpu.memory_space<hbm>> -> memref<10000x128xf32, #tpu.memory_space<hbm>>
        %dma_start3A_573 = tpu.memref_slice %arg21[%dma_start3A_562] : memref<2x!tpu.dma_semaphore, #tpu.memory_space<semaphore_mem>> -> memref<1x!tpu.dma_semaphore, #tpu.memory_space<semaphore_mem>>
        %dma_start3A_574 = tpu.memref_squeeze %dma_start3A_573 : memref<1x!tpu.dma_semaphore, #tpu.memory_space<semaphore_mem>> -> memref<!tpu.dma_semaphore, #tpu.memory_space<semaphore_mem>>
        tpu.enqueue_indirect_dma source(%dma_start3A_572 : memref<10000x128xf32, #tpu.memory_space<hbm>>) target(%dma_start3A_566 : memref<64x128xf32, #tpu.memory_space<vmem>>) offsets(%dma_start3A_569 : memref<64xi32, #tpu.memory_space<vmem>>) semaphore(%dma_start3A_574 : memref<!tpu.dma_semaphore, #tpu.memory_space<semaphore_mem>>)
      } else {
      }
      %dma_start3A_213 = arith.constant 0 : i32
      %dma_start3A_214 = arith.constant 0 : i32
      %dma_start3A_215 = tpu.memref_slice %arg13[%dma_start3A_213, %dma_start3A_214] : memref<4x64xi32, #tpu.memory_space<vmem>> -> memref<1x64xi32, #tpu.memory_space<vmem>>
      %dma_start3A_216 = tpu.memref_squeeze %dma_start3A_215 : memref<1x64xi32, #tpu.memory_space<vmem>> -> memref<64xi32, #tpu.memory_space<vmem>>
      %dma_start3A_217 = arith.constant 0 : i32
      %dma_start3A_218 = arith.constant 0 : i32
      %dma_start3A_219 = tpu.memref_slice %arg19[%dma_start3A_217, %dma_start3A_218] : memref<200x128xf32, #tpu.memory_space<vmem_shared>> -> memref<200x128xf32, #tpu.memory_space<vmem_shared>>
      tpu.enqueue_indirect_dma source(%dma_start3A_219 : memref<200x128xf32, #tpu.memory_space<vmem_shared>>) target(%arg15 : memref<64x128xf32, #tpu.memory_space<vmem>>) offsets(%dma_start3A_216 : memref<64xi32, #tpu.memory_space<vmem>>) semaphore(%arg24 : memref<!tpu.dma_semaphore, #tpu.memory_space<semaphore_mem>>)
      %dma_wait3A_220 = arith.constant 0 : i32
      %dma_wait3A_221 = arith.constant 0 : i32
      %dma_wait3A_222 = arith.constant 0 : i32
      %dma_wait3A_223 = arith.constant 0 : i32
      %dma_wait3A_224 = arith.constant 0 : i32
      %dma_wait3A_225 = tpu.memref_slice %arg14[%dma_wait3A_221, %dma_wait3A_223, %dma_wait3A_224] : memref<2x64x128xf32, #tpu.memory_space<vmem>> -> memref<1x64x128xf32, #tpu.memory_space<vmem>>
      %dma_wait3A_226 = tpu.memref_squeeze %dma_wait3A_225 : memref<1x64x128xf32, #tpu.memory_space<vmem>> -> memref<64x128xf32, #tpu.memory_space<vmem>>
      %dma_wait3A_227 = arith.constant 0 : i32
      %dma_wait3A_228 = tpu.memref_slice %arg11[%dma_wait3A_220, %dma_wait3A_227] : memref<4x64xi32, #tpu.memory_space<vmem>> -> memref<1x64xi32, #tpu.memory_space<vmem>>
      %dma_wait3A_229 = tpu.memref_squeeze %dma_wait3A_228 : memref<1x64xi32, #tpu.memory_space<vmem>> -> memref<64xi32, #tpu.memory_space<vmem>>
      %dma_wait3A_230 = arith.constant 0 : i32
      %dma_wait3A_231 = arith.constant 0 : i32
      %dma_wait3A_232 = tpu.memref_slice %arg2[%dma_wait3A_230, %dma_wait3A_231] : memref<10000x128xf32, #tpu.memory_space<hbm>> -> memref<10000x128xf32, #tpu.memory_space<hbm>>
      %dma_wait3A_233 = tpu.memref_slice %arg21[%dma_wait3A_222] : memref<2x!tpu.dma_semaphore, #tpu.memory_space<semaphore_mem>> -> memref<1x!tpu.dma_semaphore, #tpu.memory_space<semaphore_mem>>
      %dma_wait3A_234 = tpu.memref_squeeze %dma_wait3A_233 : memref<1x!tpu.dma_semaphore, #tpu.memory_space<semaphore_mem>> -> memref<!tpu.dma_semaphore, #tpu.memory_space<semaphore_mem>>
      tpu.wait_indirect_dma semaphore(%dma_wait3A_234 : memref<!tpu.dma_semaphore, #tpu.memory_space<semaphore_mem>>) src(%dma_wait3A_232 : memref<10000x128xf32, #tpu.memory_space<hbm>>) dst(%dma_wait3A_226 : memref<64x128xf32, #tpu.memory_space<vmem>>)
      %dma_wait3A_235 = arith.constant 0 : i32
      %dma_wait3A_236 = arith.constant 0 : i32
      %dma_wait3A_237 = tpu.memref_slice %arg13[%dma_wait3A_235, %dma_wait3A_236] : memref<4x64xi32, #tpu.memory_space<vmem>> -> memref<1x64xi32, #tpu.memory_space<vmem>>
      %dma_wait3A_238 = tpu.memref_squeeze %dma_wait3A_237 : memref<1x64xi32, #tpu.memory_space<vmem>> -> memref<64xi32, #tpu.memory_space<vmem>>
      %dma_wait3A_239 = arith.constant 0 : i32
      %dma_wait3A_240 = arith.constant 0 : i32
      %dma_wait3A_241 = tpu.memref_slice %arg19[%dma_wait3A_239, %dma_wait3A_240] : memref<200x128xf32, #tpu.memory_space<vmem_shared>> -> memref<200x128xf32, #tpu.memory_space<vmem_shared>>
      tpu.wait_indirect_dma semaphore(%arg24 : memref<!tpu.dma_semaphore, #tpu.memory_space<semaphore_mem>>) src(%dma_wait3A_241 : memref<200x128xf32, #tpu.memory_space<vmem_shared>>) dst(%arg15 : memref<64x128xf32, #tpu.memory_space<vmem>>)
      %scan3A_242 = arith.constant 0 : i32
      %scan3A_243 = arith.constant 0 : i32
      %scan3A_244 = arith.constant 64 : i32
      %scan3A_245 = arith.addi %scan3A_243, %scan3A_244 : i32
      %scan3A_246 = arith.constant 1 : i32
      scf.for %scan3A_518 = %scan3A_243 to %scan3A_245 step %scan3A_246  : i32 {
        %get3A = arith.constant 0 : i32
        %get3A_519 = arith.index_cast %get3A : i32 to index
        %get3A_520 = arith.index_cast %scan3A_518 : i32 to index
        %get3A_521 = arith.constant 0 : index
        %get3A_522 = tpu.vector_load %arg14[%get3A_519, %get3A_520, %get3A_521] {strides = array<i32>} : memref<2x64x128xf32, #tpu.memory_space<vmem>>, vector<1x1x16xf32>,
        %get3A_523 = vector.shape_cast %get3A_522 : vector<1x1x16xf32> to vector<16xf32>
        %get3A_524 = arith.index_cast %scan3A_518 : i32 to index
        %get3A_525 = arith.constant 0 : index
        %get3A_526 = tpu.vector_load %arg15[%get3A_524, %get3A_525] {strides = array<i32>} : memref<64x128xf32, #tpu.memory_space<vmem>>, vector<1x16xf32>,
        %get3A_527 = vector.shape_cast %get3A_526 : vector<1x16xf32> to vector<16xf32>
        %add3A_528 = arith.addf %get3A_523, %get3A_527 : vector<16xf32>
        %swap3A = arith.constant 0 : i32
        %swap3A_529 = arith.index_cast %swap3A : i32 to index
        %swap3A_530 = arith.index_cast %scan3A_518 : i32 to index
        %swap3A_531 = arith.constant 0 : index
        %swap3A_532 = tpu.vector_load %arg14[%swap3A_529, %swap3A_530, %swap3A_531] {strides = array<i32>} : memref<2x64x128xf32, #tpu.memory_space<vmem>>, vector<1x1x16xf32>,
        %swap3A_533 = vector.shape_cast %swap3A_532 : vector<1x1x16xf32> to vector<16xf32>
        %swap3A_534 = vector.shape_cast %add3A_528 : vector<16xf32> to vector<1x1x16xf32>
        tpu.vector_store %arg14[%swap3A_529, %swap3A_530, %swap3A_531], %swap3A_534 {strides = array<i32>} : memref<2x64x128xf32, #tpu.memory_space<vmem>>, vector<1x1x16xf32>,
        %get3A_535 = arith.constant 0 : i32
        %get3A_536 = arith.index_cast %get3A_535 : i32 to index
        %get3A_537 = arith.index_cast %scan3A_518 : i32 to index
        %get3A_538 = arith.constant 16 : index
        %get3A_539 = tpu.vector_load %arg14[%get3A_536, %get3A_537, %get3A_538] {strides = array<i32>} : memref<2x64x128xf32, #tpu.memory_space<vmem>>, vector<1x1x16xf32>,
        %get3A_540 = vector.shape_cast %get3A_539 : vector<1x1x16xf32> to vector<16xf32>
        %get3A_541 = arith.index_cast %scan3A_518 : i32 to index
        %get3A_542 = arith.constant 16 : index
        %get3A_543 = tpu.vector_load %arg15[%get3A_541, %get3A_542] {strides = array<i32>} : memref<64x128xf32, #tpu.memory_space<vmem>>, vector<1x16xf32>,
        %get3A_544 = vector.shape_cast %get3A_543 : vector<1x16xf32> to vector<16xf32>
        %add3A_545 = arith.addf %get3A_540, %get3A_544 : vector<16xf32>
        %swap3A_546 = arith.constant 0 : i32
        %swap3A_547 = arith.index_cast %swap3A_546 : i32 to index
        %swap3A_548 = arith.index_cast %scan3A_518 : i32 to index
        %swap3A_549 = arith.constant 16 : index
        %swap3A_550 = tpu.vector_load %arg14[%swap3A_547, %swap3A_548, %swap3A_549] {strides = array<i32>} : memref<2x64x128xf32, #tpu.memory_space<vmem>>, vector<1x1x16xf32>,
        %swap3A_551 = vector.shape_cast %swap3A_550 : vector<1x1x16xf32> to vector<16xf32>
        %swap3A_552 = vector.shape_cast %add3A_545 : vector<16xf32> to vector<1x1x16xf32>
        tpu.vector_store %arg14[%swap3A_547, %swap3A_548, %swap3A_549], %swap3A_552 {strides = array<i32>} : memref<2x64x128xf32, #tpu.memory_space<vmem>>, vector<1x1x16xf32>,
        %get3A_553 = arith.constant 0 : i32
        %get3A_554 = arith.index_cast %get3A_553 : i32 to index
        %get3A_555 = arith.index_cast %scan3A_518 : i32 to index
        %get3A_556 = arith.constant 32 : index
        %get3A_557 = tpu.vector_load %arg14[%get3A_554, %get3A_555, %get3A_556] {strides = array<i32>} : memref<2x64x128xf32, #tpu.memory_space<vmem>>, vector<1x1x16xf32>,
        %get3A_558 = vector.shape_cast %get3A_557 : vector<1x1x16xf32> to vector<16xf32>
        %get3A_559 = arith.index_cast %scan3A_518 : i32 to index
        %get3A_560 = arith.constant 32 : index
        %get3A_561 = tpu.vector_load %arg15[%get3A_559, %get3A_560] {strides = array<i32>} : memref<64x128xf32, #tpu.memory_space<vmem>>, vector<1x16xf32>,
        %get3A_562 = vector.shape_cast %get3A_561 : vector<1x16xf32> to vector<16xf32>
        %add3A_563 = arith.addf %get3A_558, %get3A_562 : vector<16xf32>
        %swap3A_564 = arith.constant 0 : i32
        %swap3A_565 = arith.index_cast %swap3A_564 : i32 to index
        %swap3A_566 = arith.index_cast %scan3A_518 : i32 to index
        %swap3A_567 = arith.constant 32 : index
        %swap3A_568 = tpu.vector_load %arg14[%swap3A_565, %swap3A_566, %swap3A_567] {strides = array<i32>} : memref<2x64x128xf32, #tpu.memory_space<vmem>>, vector<1x1x16xf32>,
        %swap3A_569 = vector.shape_cast %swap3A_568 : vector<1x1x16xf32> to vector<16xf32>
        %swap3A_570 = vector.shape_cast %add3A_563 : vector<16xf32> to vector<1x1x16xf32>
        tpu.vector_store %arg14[%swap3A_565, %swap3A_566, %swap3A_567], %swap3A_570 {strides = array<i32>} : memref<2x64x128xf32, #tpu.memory_space<vmem>>, vector<1x1x16xf32>,
        %get3A_571 = arith.constant 0 : i32
        %get3A_572 = arith.index_cast %get3A_571 : i32 to index
        %get3A_573 = arith.index_cast %scan3A_518 : i32 to index
        %get3A_574 = arith.constant 48 : index
        %get3A_575 = tpu.vector_load %arg14[%get3A_572, %get3A_573, %get3A_574] {strides = array<i32>} : memref<2x64x128xf32, #tpu.memory_space<vmem>>, vector<1x1x16xf32>,
        %get3A_576 = vector.shape_cast %get3A_575 : vector<1x1x16xf32> to vector<16xf32>
        %get3A_577 = arith.index_cast %scan3A_518 : i32 to index
        %get3A_578 = arith.constant 48 : index
        %get3A_579 = tpu.vector_load %arg15[%get3A_577, %get3A_578] {strides = array<i32>} : memref<64x128xf32, #tpu.memory_space<vmem>>, vector<1x16xf32>,
        %get3A_580 = vector.shape_cast %get3A_579 : vector<1x16xf32> to vector<16xf32>
        %add3A_581 = arith.addf %get3A_576, %get3A_580 : vector<16xf32>
        %swap3A_582 = arith.constant 0 : i32
        %swap3A_583 = arith.index_cast %swap3A_582 : i32 to index
        %swap3A_584 = arith.index_cast %scan3A_518 : i32 to index
        %swap3A_585 = arith.constant 48 : index
        %swap3A_586 = tpu.vector_load %arg14[%swap3A_583, %swap3A_584, %swap3A_585] {strides = array<i32>} : memref<2x64x128xf32, #tpu.memory_space<vmem>>, vector<1x1x16xf32>,
        %swap3A_587 = vector.shape_cast %swap3A_586 : vector<1x1x16xf32> to vector<16xf32>
        %swap3A_588 = vector.shape_cast %add3A_581 : vector<16xf32> to vector<1x1x16xf32>
        tpu.vector_store %arg14[%swap3A_583, %swap3A_584, %swap3A_585], %swap3A_588 {strides = array<i32>} : memref<2x64x128xf32, #tpu.memory_space<vmem>>, vector<1x1x16xf32>,
        %get3A_589 = arith.constant 0 : i32
        %get3A_590 = arith.index_cast %get3A_589 : i32 to index
        %get3A_591 = arith.index_cast %scan3A_518 : i32 to index
        %get3A_592 = arith.constant 64 : index
        %get3A_593 = tpu.vector_load %arg14[%get3A_590, %get3A_591, %get3A_592] {strides = array<i32>} : memref<2x64x128xf32, #tpu.memory_space<vmem>>, vector<1x1x16xf32>,
        %get3A_594 = vector.shape_cast %get3A_593 : vector<1x1x16xf32> to vector<16xf32>
        %get3A_595 = arith.index_cast %scan3A_518 : i32 to index
        %get3A_596 = arith.constant 64 : index
        %get3A_597 = tpu.vector_load %arg15[%get3A_595, %get3A_596] {strides = array<i32>} : memref<64x128xf32, #tpu.memory_space<vmem>>, vector<1x16xf32>,
        %get3A_598 = vector.shape_cast %get3A_597 : vector<1x16xf32> to vector<16xf32>
        %add3A_599 = arith.addf %get3A_594, %get3A_598 : vector<16xf32>
        %swap3A_600 = arith.constant 0 : i32
        %swap3A_601 = arith.index_cast %swap3A_600 : i32 to index
        %swap3A_602 = arith.index_cast %scan3A_518 : i32 to index
        %swap3A_603 = arith.constant 64 : index
        %swap3A_604 = tpu.vector_load %arg14[%swap3A_601, %swap3A_602, %swap3A_603] {strides = array<i32>} : memref<2x64x128xf32, #tpu.memory_space<vmem>>, vector<1x1x16xf32>,
        %swap3A_605 = vector.shape_cast %swap3A_604 : vector<1x1x16xf32> to vector<16xf32>
        %swap3A_606 = vector.shape_cast %add3A_599 : vector<16xf32> to vector<1x1x16xf32>
        tpu.vector_store %arg14[%swap3A_601, %swap3A_602, %swap3A_603], %swap3A_606 {strides = array<i32>} : memref<2x64x128xf32, #tpu.memory_space<vmem>>, vector<1x1x16xf32>,
        %get3A_607 = arith.constant 0 : i32
        %get3A_608 = arith.index_cast %get3A_607 : i32 to index
        %get3A_609 = arith.index_cast %scan3A_518 : i32 to index
        %get3A_610 = arith.constant 80 : index
        %get3A_611 = tpu.vector_load %arg14[%get3A_608, %get3A_609, %get3A_610] {strides = array<i32>} : memref<2x64x128xf32, #tpu.memory_space<vmem>>, vector<1x1x16xf32>,
        %get3A_612 = vector.shape_cast %get3A_611 : vector<1x1x16xf32> to vector<16xf32>
        %get3A_613 = arith.index_cast %scan3A_518 : i32 to index
        %get3A_614 = arith.constant 80 : index
        %get3A_615 = tpu.vector_load %arg15[%get3A_613, %get3A_614] {strides = array<i32>} : memref<64x128xf32, #tpu.memory_space<vmem>>, vector<1x16xf32>,
        %get3A_616 = vector.shape_cast %get3A_615 : vector<1x16xf32> to vector<16xf32>
        %add3A_617 = arith.addf %get3A_612, %get3A_616 : vector<16xf32>
        %swap3A_618 = arith.constant 0 : i32
        %swap3A_619 = arith.index_cast %swap3A_618 : i32 to index
        %swap3A_620 = arith.index_cast %scan3A_518 : i32 to index
        %swap3A_621 = arith.constant 80 : index
        %swap3A_622 = tpu.vector_load %arg14[%swap3A_619, %swap3A_620, %swap3A_621] {strides = array<i32>} : memref<2x64x128xf32, #tpu.memory_space<vmem>>, vector<1x1x16xf32>,
        %swap3A_623 = vector.shape_cast %swap3A_622 : vector<1x1x16xf32> to vector<16xf32>
        %swap3A_624 = vector.shape_cast %add3A_617 : vector<16xf32> to vector<1x1x16xf32>
        tpu.vector_store %arg14[%swap3A_619, %swap3A_620, %swap3A_621], %swap3A_624 {strides = array<i32>} : memref<2x64x128xf32, #tpu.memory_space<vmem>>, vector<1x1x16xf32>,
        %get3A_625 = arith.constant 0 : i32
        %get3A_626 = arith.index_cast %get3A_625 : i32 to index
        %get3A_627 = arith.index_cast %scan3A_518 : i32 to index
        %get3A_628 = arith.constant 96 : index
        %get3A_629 = tpu.vector_load %arg14[%get3A_626, %get3A_627, %get3A_628] {strides = array<i32>} : memref<2x64x128xf32, #tpu.memory_space<vmem>>, vector<1x1x16xf32>,
        %get3A_630 = vector.shape_cast %get3A_629 : vector<1x1x16xf32> to vector<16xf32>
        %get3A_631 = arith.index_cast %scan3A_518 : i32 to index
        %get3A_632 = arith.constant 96 : index
        %get3A_633 = tpu.vector_load %arg15[%get3A_631, %get3A_632] {strides = array<i32>} : memref<64x128xf32, #tpu.memory_space<vmem>>, vector<1x16xf32>,
        %get3A_634 = vector.shape_cast %get3A_633 : vector<1x16xf32> to vector<16xf32>
        %add3A_635 = arith.addf %get3A_630, %get3A_634 : vector<16xf32>
        %swap3A_636 = arith.constant 0 : i32
        %swap3A_637 = arith.index_cast %swap3A_636 : i32 to index
        %swap3A_638 = arith.index_cast %scan3A_518 : i32 to index
        %swap3A_639 = arith.constant 96 : index
        %swap3A_640 = tpu.vector_load %arg14[%swap3A_637, %swap3A_638, %swap3A_639] {strides = array<i32>} : memref<2x64x128xf32, #tpu.memory_space<vmem>>, vector<1x1x16xf32>,
        %swap3A_641 = vector.shape_cast %swap3A_640 : vector<1x1x16xf32> to vector<16xf32>
        %swap3A_642 = vector.shape_cast %add3A_635 : vector<16xf32> to vector<1x1x16xf32>
        tpu.vector_store %arg14[%swap3A_637, %swap3A_638, %swap3A_639], %swap3A_642 {strides = array<i32>} : memref<2x64x128xf32, #tpu.memory_space<vmem>>, vector<1x1x16xf32>,
        %get3A_643 = arith.constant 0 : i32
        %get3A_644 = arith.index_cast %get3A_643 : i32 to index
        %get3A_645 = arith.index_cast %scan3A_518 : i32 to index
        %get3A_646 = arith.constant 112 : index
        %get3A_647 = tpu.vector_load %arg14[%get3A_644, %get3A_645, %get3A_646] {strides = array<i32>} : memref<2x64x128xf32, #tpu.memory_space<vmem>>, vector<1x1x16xf32>,
        %get3A_648 = vector.shape_cast %get3A_647 : vector<1x1x16xf32> to vector<16xf32>
        %get3A_649 = arith.index_cast %scan3A_518 : i32 to index
        %get3A_650 = arith.constant 112 : index
        %get3A_651 = tpu.vector_load %arg15[%get3A_649, %get3A_650] {strides = array<i32>} : memref<64x128xf32, #tpu.memory_space<vmem>>, vector<1x16xf32>,
        %get3A_652 = vector.shape_cast %get3A_651 : vector<1x16xf32> to vector<16xf32>
        %add3A_653 = arith.addf %get3A_648, %get3A_652 : vector<16xf32>
        %swap3A_654 = arith.constant 0 : i32
        %swap3A_655 = arith.index_cast %swap3A_654 : i32 to index
        %swap3A_656 = arith.index_cast %scan3A_518 : i32 to index
        %swap3A_657 = arith.constant 112 : index
        %swap3A_658 = tpu.vector_load %arg14[%swap3A_655, %swap3A_656, %swap3A_657] {strides = array<i32>} : memref<2x64x128xf32, #tpu.memory_space<vmem>>, vector<1x1x16xf32>,
        %swap3A_659 = vector.shape_cast %swap3A_658 : vector<1x1x16xf32> to vector<16xf32>
        %swap3A_660 = vector.shape_cast %add3A_653 : vector<16xf32> to vector<1x1x16xf32>
        tpu.vector_store %arg14[%swap3A_655, %swap3A_656, %swap3A_657], %swap3A_660 {strides = array<i32>} : memref<2x64x128xf32, #tpu.memory_space<vmem>>, vector<1x1x16xf32>,
      }
      %scan3A_247 = arith.constant 64 : i32
      %dma_start3A_248 = arith.constant 0 : i32
      %dma_start3A_249 = arith.constant 0 : i32
      %dma_start3A_250 = arith.constant 0 : i32
      %dma_start3A_251 = arith.constant 0 : i32
      %dma_start3A_252 = arith.constant 0 : i32
      %dma_start3A_253 = tpu.memref_slice %arg14[%dma_start3A_248, %dma_start3A_251, %dma_start3A_252] : memref<2x64x128xf32, #tpu.memory_space<vmem>> -> memref<1x64x128xf32, #tpu.memory_space<vmem>>
      %dma_start3A_254 = tpu.memref_squeeze %dma_start3A_253 : memref<1x64x128xf32, #tpu.memory_space<vmem>> -> memref<64x128xf32, #tpu.memory_space<vmem>>
      %dma_start3A_255 = arith.constant 0 : i32
      %dma_start3A_256 = tpu.memref_slice %arg12[%dma_start3A_249, %dma_start3A_255] : memref<4x64xi32, #tpu.memory_space<vmem>> -> memref<1x64xi32, #tpu.memory_space<vmem>>
      %dma_start3A_257 = tpu.memref_squeeze %dma_start3A_256 : memref<1x64xi32, #tpu.memory_space<vmem>> -> memref<64xi32, #tpu.memory_space<vmem>>
      %dma_start3A_258 = arith.constant 0 : i32
      %dma_start3A_259 = arith.constant 0 : i32
      %dma_start3A_260 = tpu.memref_slice %arg17[%dma_start3A_258, %dma_start3A_259] : memref<10112x128xf32, #tpu.memory_space<vmem_shared>> -> memref<10112x128xf32, #tpu.memory_space<vmem_shared>>
      %dma_start3A_261 = tpu.memref_slice %arg22[%dma_start3A_250] : memref<2x!tpu.dma_semaphore, #tpu.memory_space<semaphore_mem>> -> memref<1x!tpu.dma_semaphore, #tpu.memory_space<semaphore_mem>>
      %dma_start3A_262 = tpu.memref_squeeze %dma_start3A_261 : memref<1x!tpu.dma_semaphore, #tpu.memory_space<semaphore_mem>> -> memref<!tpu.dma_semaphore, #tpu.memory_space<semaphore_mem>>
      tpu.enqueue_indirect_dma source(%dma_start3A_254 : memref<64x128xf32, #tpu.memory_space<vmem>>) target(%dma_start3A_260 : memref<10112x128xf32, #tpu.memory_space<vmem_shared>>) offsets(%dma_start3A_257 : memref<64xi32, #tpu.memory_space<vmem>>) semaphore(%dma_start3A_262 : memref<!tpu.dma_semaphore, #tpu.memory_space<semaphore_mem>>) {add = true}
      %dma_start3A_263 = arith.constant 0 : i32
      %dma_start3A_264 = arith.constant 0 : i32
      %dma_start3A_265 = arith.constant 0 : i32
      %dma_start3A_266 = tpu.memref_slice %arg12[%dma_start3A_263, %dma_start3A_265] : memref<4x64xi32, #tpu.memory_space<vmem>> -> memref<1x64xi32, #tpu.memory_space<vmem>>
      %dma_start3A_267 = tpu.memref_squeeze %dma_start3A_266 : memref<1x64xi32, #tpu.memory_space<vmem>> -> memref<64xi32, #tpu.memory_space<vmem>>
      %dma_start3A_268 = arith.constant 0 : i32
      %dma_start3A_269 = tpu.memref_slice %arg18[%dma_start3A_268] : memref<12288xf32, #tpu.memory_space<vmem_shared>> -> memref<12288xf32, #tpu.memory_space<vmem_shared>>
      %dma_start3A_270 = tpu.memref_slice %arg23[%dma_start3A_264] : memref<2x!tpu.dma_semaphore, #tpu.memory_space<semaphore_mem>> -> memref<1x!tpu.dma_semaphore, #tpu.memory_space<semaphore_mem>>
      %dma_start3A_271 = tpu.memref_squeeze %dma_start3A_270 : memref<1x!tpu.dma_semaphore, #tpu.memory_space<semaphore_mem>> -> memref<!tpu.dma_semaphore, #tpu.memory_space<semaphore_mem>>
      tpu.enqueue_indirect_dma source(%arg16 : memref<64xf32, #tpu.memory_space<vmem>>) target(%dma_start3A_269 : memref<12288xf32, #tpu.memory_space<vmem_shared>>) offsets(%dma_start3A_267 : memref<64xi32, #tpu.memory_space<vmem>>) semaphore(%dma_start3A_271 : memref<!tpu.dma_semaphore, #tpu.memory_space<semaphore_mem>>) {add = true}
      %mul3A_272 = arith.constant 4 : i32
      %mul3A_273 = arith.muli %scan3A_191, %mul3A_272 : i32
      %add3A_274 = arith.constant 1 : i32
      %add3A_275 = arith.addi %mul3A_273, %add3A_274 : i32
      %gt3A_276 = arith.constant 0 : i32
      %gt3A_277 = arith.cmpi sgt, %add3A_275, %gt3A_276 : i32
      %convert_element_type3A_278 = arith.extui %gt3A_277 : i1 to i32
      %cond3A_279 = arith.constant 0 : i32
      %cond3A_280 = arith.cmpi ne, %convert_element_type3A_278, %cond3A_279 : i32
      scf.if %cond3A_280 {
        %dma_wait3A_518 = arith.constant 0 : i32
        %dma_wait3A_519 = arith.constant 0 : i32
        %dma_wait3A_520 = arith.constant 0 : i32
        %dma_wait3A_521 = arith.constant 0 : i32
        %dma_wait3A_522 = arith.constant 0 : i32
        %dma_wait3A_523 = tpu.memref_slice %arg14[%dma_wait3A_518, %dma_wait3A_521, %dma_wait3A_522] : memref<2x64x128xf32, #tpu.memory_space<vmem>> -> memref<1x64x128xf32, #tpu.memory_space<vmem>>
        %dma_wait3A_524 = tpu.memref_squeeze %dma_wait3A_523 : memref<1x64x128xf32, #tpu.memory_space<vmem>> -> memref<64x128xf32, #tpu.memory_space<vmem>>
        %dma_wait3A_525 = arith.constant 0 : i32
        %dma_wait3A_526 = tpu.memref_slice %arg12[%dma_wait3A_519, %dma_wait3A_525] : memref<4x64xi32, #tpu.memory_space<vmem>> -> memref<1x64xi32, #tpu.memory_space<vmem>>
        %dma_wait3A_527 = tpu.memref_squeeze %dma_wait3A_526 : memref<1x64xi32, #tpu.memory_space<vmem>> -> memref<64xi32, #tpu.memory_space<vmem>>
        %dma_wait3A_528 = arith.constant 0 : i32
        %dma_wait3A_529 = arith.constant 0 : i32
        %dma_wait3A_530 = tpu.memref_slice %arg17[%dma_wait3A_528, %dma_wait3A_529] : memref<10112x128xf32, #tpu.memory_space<vmem_shared>> -> memref<10112x128xf32, #tpu.memory_space<vmem_shared>>
        %dma_wait3A_531 = tpu.memref_slice %arg22[%dma_wait3A_520] : memref<2x!tpu.dma_semaphore, #tpu.memory_space<semaphore_mem>> -> memref<1x!tpu.dma_semaphore, #tpu.memory_space<semaphore_mem>>
        %dma_wait3A_532 = tpu.memref_squeeze %dma_wait3A_531 : memref<1x!tpu.dma_semaphore, #tpu.memory_space<semaphore_mem>> -> memref<!tpu.dma_semaphore, #tpu.memory_space<semaphore_mem>>
        tpu.wait_indirect_dma semaphore(%dma_wait3A_532 : memref<!tpu.dma_semaphore, #tpu.memory_space<semaphore_mem>>) src(%dma_wait3A_524 : memref<64x128xf32, #tpu.memory_space<vmem>>) dst(%dma_wait3A_530 : memref<10112x128xf32, #tpu.memory_space<vmem_shared>>)
        %dma_wait3A_533 = arith.constant 0 : i32
        %dma_wait3A_534 = arith.constant 0 : i32
        %dma_wait3A_535 = arith.constant 0 : i32
        %dma_wait3A_536 = tpu.memref_slice %arg12[%dma_wait3A_533, %dma_wait3A_535] : memref<4x64xi32, #tpu.memory_space<vmem>> -> memref<1x64xi32, #tpu.memory_space<vmem>>
        %dma_wait3A_537 = tpu.memref_squeeze %dma_wait3A_536 : memref<1x64xi32, #tpu.memory_space<vmem>> -> memref<64xi32, #tpu.memory_space<vmem>>
        %dma_wait3A_538 = arith.constant 0 : i32
        %dma_wait3A_539 = tpu.memref_slice %arg18[%dma_wait3A_538] : memref<12288xf32, #tpu.memory_space<vmem_shared>> -> memref<12288xf32, #tpu.memory_space<vmem_shared>>
        %dma_wait3A_540 = tpu.memref_slice %arg23[%dma_wait3A_534] : memref<2x!tpu.dma_semaphore, #tpu.memory_space<semaphore_mem>> -> memref<1x!tpu.dma_semaphore, #tpu.memory_space<semaphore_mem>>
        %dma_wait3A_541 = tpu.memref_squeeze %dma_wait3A_540 : memref<1x!tpu.dma_semaphore, #tpu.memory_space<semaphore_mem>> -> memref<!tpu.dma_semaphore, #tpu.memory_space<semaphore_mem>>
        tpu.wait_indirect_dma semaphore(%dma_wait3A_541 : memref<!tpu.dma_semaphore, #tpu.memory_space<semaphore_mem>>) src(%arg16 : memref<64xf32, #tpu.memory_space<vmem>>) dst(%dma_wait3A_539 : memref<12288xf32, #tpu.memory_space<vmem_shared>>)
      } else {
      }
      %add3A_281 = arith.constant 2 : i32
      %add3A_282 = arith.addi %add3A_275, %add3A_281 : i32
      %lt3A_283 = arith.constant 160 : i32
      %lt3A_284 = arith.cmpi slt, %add3A_282, %lt3A_283 : i32
      %convert_element_type3A_285 = arith.extui %lt3A_284 : i1 to i32
      %cond3A_286 = arith.constant 0 : i32
      %cond3A_287 = arith.cmpi ne, %convert_element_type3A_285, %cond3A_286 : i32
      scf.if %cond3A_287 {
        %add3A_518 = arith.constant 2 : i32
        %add3A_519 = arith.addi %add3A_275, %add3A_518 : i32
        %mul3A_520 = arith.constant 10240 : i32
        %mul3A_521 = arith.muli %add3A, %mul3A_520 : i32
        %mul3A_522 = arith.constant 64 : i32
        %mul3A_523 = arith.muli %add3A_519, %mul3A_522 : i32
        %add3A_524 = arith.addi %mul3A_521, %mul3A_523 : i32
        %dma_start3A_525 = arith.constant 3 : i32
        %dma_start3A_526 = arith.constant 3 : i32
        %dma_start3A_527 = arith.constant 0 : i32
        %dma_start3A_528 = tpu.memref_slice %arg11[%dma_start3A_525, %dma_start3A_527] : memref<4x64xi32, #tpu.memory_space<vmem>> -> memref<1x64xi32, #tpu.memory_space<vmem>>
        %dma_start3A_529 = tpu.memref_squeeze %dma_start3A_528 : memref<1x64xi32, #tpu.memory_space<vmem>> -> memref<64xi32, #tpu.memory_space<vmem>>
        %dma_start3A_530 = tpu.memref_slice %arg4[%add3A_524] : memref<327680xi32, #tpu.memory_space<hbm>> -> memref<64xi32, #tpu.memory_space<hbm>>
        %dma_start3A_531 = tpu.memref_slice %arg20[%dma_start3A_526] : memref<4x!tpu.dma_semaphore, #tpu.memory_space<semaphore_mem>> -> memref<1x!tpu.dma_semaphore, #tpu.memory_space<semaphore_mem>>
        %dma_start3A_532 = tpu.memref_squeeze %dma_start3A_531 : memref<1x!tpu.dma_semaphore, #tpu.memory_space<semaphore_mem>> -> memref<!tpu.dma_semaphore, #tpu.memory_space<semaphore_mem>>
        %dma_start3A_533 = arith.constant 0 : i32
        %dma_start3A_534 = tpu.memref_slice %arg11[%dma_start3A_525, %dma_start3A_533] : memref<4x64xi32, #tpu.memory_space<vmem>> -> memref<1x64xi32, #tpu.memory_space<vmem>>
        %dma_start3A_535 = tpu.memref_squeeze %dma_start3A_534 : memref<1x64xi32, #tpu.memory_space<vmem>> -> memref<64xi32, #tpu.memory_space<vmem>>
        %dma_start3A_536 = tpu.memref_slice %arg4[%add3A_524] : memref<327680xi32, #tpu.memory_space<hbm>> -> memref<64xi32, #tpu.memory_space<hbm>>
        tpu.enqueue_dma source(%dma_start3A_536 : memref<64xi32, #tpu.memory_space<hbm>>) target(%dma_start3A_535 : memref<64xi32, #tpu.memory_space<vmem>>) target_semaphore(%dma_start3A_532 : memref<!tpu.dma_semaphore, #tpu.memory_space<semaphore_mem>>)
        %dma_start3A_537 = arith.constant 3 : i32
        %dma_start3A_538 = arith.constant 3 : i32
        %dma_start3A_539 = arith.constant 0 : i32
        %dma_start3A_540 = tpu.memref_slice %arg12[%dma_start3A_537, %dma_start3A_539] : memref<4x64xi32, #tpu.memory_space<vmem>> -> memref<1x64xi32, #tpu.memory_space<vmem>>
        %dma_start3A_541 = tpu.memref_squeeze %dma_start3A_540 : memref<1x64xi32, #tpu.memory_space<vmem>> -> memref<64xi32, #tpu.memory_space<vmem>>
        %dma_start3A_542 = tpu.memref_slice %arg5[%add3A_524] : memref<327680xi32, #tpu.memory_space<hbm>> -> memref<64xi32, #tpu.memory_space<hbm>>
        %dma_start3A_543 = tpu.memref_slice %arg20[%dma_start3A_538] : memref<4x!tpu.dma_semaphore, #tpu.memory_space<semaphore_mem>> -> memref<1x!tpu.dma_semaphore, #tpu.memory_space<semaphore_mem>>
        %dma_start3A_544 = tpu.memref_squeeze %dma_start3A_543 : memref<1x!tpu.dma_semaphore, #tpu.memory_space<semaphore_mem>> -> memref<!tpu.dma_semaphore, #tpu.memory_space<semaphore_mem>>
        %dma_start3A_545 = arith.constant 0 : i32
        %dma_start3A_546 = tpu.memref_slice %arg12[%dma_start3A_537, %dma_start3A_545] : memref<4x64xi32, #tpu.memory_space<vmem>> -> memref<1x64xi32, #tpu.memory_space<vmem>>
        %dma_start3A_547 = tpu.memref_squeeze %dma_start3A_546 : memref<1x64xi32, #tpu.memory_space<vmem>> -> memref<64xi32, #tpu.memory_space<vmem>>
        %dma_start3A_548 = tpu.memref_slice %arg5[%add3A_524] : memref<327680xi32, #tpu.memory_space<hbm>> -> memref<64xi32, #tpu.memory_space<hbm>>
        tpu.enqueue_dma source(%dma_start3A_548 : memref<64xi32, #tpu.memory_space<hbm>>) target(%dma_start3A_547 : memref<64xi32, #tpu.memory_space<vmem>>) target_semaphore(%dma_start3A_544 : memref<!tpu.dma_semaphore, #tpu.memory_space<semaphore_mem>>)
        %dma_start3A_549 = arith.constant 3 : i32
        %dma_start3A_550 = arith.constant 3 : i32
        %dma_start3A_551 = arith.constant 0 : i32
        %dma_start3A_552 = tpu.memref_slice %arg13[%dma_start3A_549, %dma_start3A_551] : memref<4x64xi32, #tpu.memory_space<vmem>> -> memref<1x64xi32, #tpu.memory_space<vmem>>
        %dma_start3A_553 = tpu.memref_squeeze %dma_start3A_552 : memref<1x64xi32, #tpu.memory_space<vmem>> -> memref<64xi32, #tpu.memory_space<vmem>>
        %dma_start3A_554 = tpu.memref_slice %arg6[%add3A_524] : memref<327680xi32, #tpu.memory_space<hbm>> -> memref<64xi32, #tpu.memory_space<hbm>>
        %dma_start3A_555 = tpu.memref_slice %arg20[%dma_start3A_550] : memref<4x!tpu.dma_semaphore, #tpu.memory_space<semaphore_mem>> -> memref<1x!tpu.dma_semaphore, #tpu.memory_space<semaphore_mem>>
        %dma_start3A_556 = tpu.memref_squeeze %dma_start3A_555 : memref<1x!tpu.dma_semaphore, #tpu.memory_space<semaphore_mem>> -> memref<!tpu.dma_semaphore, #tpu.memory_space<semaphore_mem>>
        %dma_start3A_557 = arith.constant 0 : i32
        %dma_start3A_558 = tpu.memref_slice %arg13[%dma_start3A_549, %dma_start3A_557] : memref<4x64xi32, #tpu.memory_space<vmem>> -> memref<1x64xi32, #tpu.memory_space<vmem>>
        %dma_start3A_559 = tpu.memref_squeeze %dma_start3A_558 : memref<1x64xi32, #tpu.memory_space<vmem>> -> memref<64xi32, #tpu.memory_space<vmem>>
        %dma_start3A_560 = tpu.memref_slice %arg6[%add3A_524] : memref<327680xi32, #tpu.memory_space<hbm>> -> memref<64xi32, #tpu.memory_space<hbm>>
        tpu.enqueue_dma source(%dma_start3A_560 : memref<64xi32, #tpu.memory_space<hbm>>) target(%dma_start3A_559 : memref<64xi32, #tpu.memory_space<vmem>>) target_semaphore(%dma_start3A_556 : memref<!tpu.dma_semaphore, #tpu.memory_space<semaphore_mem>>)
      } else {
      }
      %add3A_288 = arith.constant 1 : i32
      %add3A_289 = arith.addi %add3A_275, %add3A_288 : i32
      %lt3A_290 = arith.constant 160 : i32
      %lt3A_291 = arith.cmpi slt, %add3A_289, %lt3A_290 : i32
      %convert_element_type3A_292 = arith.extui %lt3A_291 : i1 to i32
      %cond3A_293 = arith.constant 0 : i32
      %cond3A_294 = arith.cmpi ne, %convert_element_type3A_292, %cond3A_293 : i32
      scf.if %cond3A_294 {
        %dma_wait3A_518 = arith.constant 2 : i32
        %dma_wait3A_519 = arith.constant 2 : i32
        %dma_wait3A_520 = arith.constant 0 : i32
        %dma_wait3A_521 = tpu.memref_slice %arg11[%dma_wait3A_518, %dma_wait3A_520] : memref<4x64xi32, #tpu.memory_space<vmem>> -> memref<1x64xi32, #tpu.memory_space<vmem>>
        %dma_wait3A_522 = tpu.memref_squeeze %dma_wait3A_521 : memref<1x64xi32, #tpu.memory_space<vmem>> -> memref<64xi32, #tpu.memory_space<vmem>>
        %dma_wait3A_523 = arith.constant 0 : i32
        %dma_wait3A_524 = tpu.memref_slice %arg4[%dma_wait3A_523] : memref<327680xi32, #tpu.memory_space<hbm>> -> memref<64xi32, #tpu.memory_space<hbm>>
        %dma_wait3A_525 = tpu.memref_slice %arg20[%dma_wait3A_519] : memref<4x!tpu.dma_semaphore, #tpu.memory_space<semaphore_mem>> -> memref<1x!tpu.dma_semaphore, #tpu.memory_space<semaphore_mem>>
        %dma_wait3A_526 = tpu.memref_squeeze %dma_wait3A_525 : memref<1x!tpu.dma_semaphore, #tpu.memory_space<semaphore_mem>> -> memref<!tpu.dma_semaphore, #tpu.memory_space<semaphore_mem>>
        %dma_wait3A_527 = arith.constant 0 : i32
        %dma_wait3A_528 = tpu.memref_slice %arg11[%dma_wait3A_518, %dma_wait3A_527] : memref<4x64xi32, #tpu.memory_space<vmem>> -> memref<1x64xi32, #tpu.memory_space<vmem>>
        %dma_wait3A_529 = tpu.memref_squeeze %dma_wait3A_528 : memref<1x64xi32, #tpu.memory_space<vmem>> -> memref<64xi32, #tpu.memory_space<vmem>>
        %dma_wait3A_530 = arith.constant 0 : i32
        %dma_wait3A_531 = tpu.memref_slice %arg4[%dma_wait3A_530] : memref<327680xi32, #tpu.memory_space<hbm>> -> memref<64xi32, #tpu.memory_space<hbm>>
        tpu.wait_dma2 semaphore(%dma_wait3A_526 : memref<!tpu.dma_semaphore, #tpu.memory_space<semaphore_mem>>) src(%dma_wait3A_531 : memref<64xi32, #tpu.memory_space<hbm>>) dst(%dma_wait3A_529 : memref<64xi32, #tpu.memory_space<vmem>>)
        %dma_wait3A_532 = arith.constant 2 : i32
        %dma_wait3A_533 = arith.constant 2 : i32
        %dma_wait3A_534 = arith.constant 0 : i32
        %dma_wait3A_535 = tpu.memref_slice %arg12[%dma_wait3A_532, %dma_wait3A_534] : memref<4x64xi32, #tpu.memory_space<vmem>> -> memref<1x64xi32, #tpu.memory_space<vmem>>
        %dma_wait3A_536 = tpu.memref_squeeze %dma_wait3A_535 : memref<1x64xi32, #tpu.memory_space<vmem>> -> memref<64xi32, #tpu.memory_space<vmem>>
        %dma_wait3A_537 = arith.constant 0 : i32
        %dma_wait3A_538 = tpu.memref_slice %arg5[%dma_wait3A_537] : memref<327680xi32, #tpu.memory_space<hbm>> -> memref<64xi32, #tpu.memory_space<hbm>>
        %dma_wait3A_539 = tpu.memref_slice %arg20[%dma_wait3A_533] : memref<4x!tpu.dma_semaphore, #tpu.memory_space<semaphore_mem>> -> memref<1x!tpu.dma_semaphore, #tpu.memory_space<semaphore_mem>>
        %dma_wait3A_540 = tpu.memref_squeeze %dma_wait3A_539 : memref<1x!tpu.dma_semaphore, #tpu.memory_space<semaphore_mem>> -> memref<!tpu.dma_semaphore, #tpu.memory_space<semaphore_mem>>
        %dma_wait3A_541 = arith.constant 0 : i32
        %dma_wait3A_542 = tpu.memref_slice %arg12[%dma_wait3A_532, %dma_wait3A_541] : memref<4x64xi32, #tpu.memory_space<vmem>> -> memref<1x64xi32, #tpu.memory_space<vmem>>
        %dma_wait3A_543 = tpu.memref_squeeze %dma_wait3A_542 : memref<1x64xi32, #tpu.memory_space<vmem>> -> memref<64xi32, #tpu.memory_space<vmem>>
        %dma_wait3A_544 = arith.constant 0 : i32
        %dma_wait3A_545 = tpu.memref_slice %arg5[%dma_wait3A_544] : memref<327680xi32, #tpu.memory_space<hbm>> -> memref<64xi32, #tpu.memory_space<hbm>>
        tpu.wait_dma2 semaphore(%dma_wait3A_540 : memref<!tpu.dma_semaphore, #tpu.memory_space<semaphore_mem>>) src(%dma_wait3A_545 : memref<64xi32, #tpu.memory_space<hbm>>) dst(%dma_wait3A_543 : memref<64xi32, #tpu.memory_space<vmem>>)
        %dma_wait3A_546 = arith.constant 2 : i32
        %dma_wait3A_547 = arith.constant 2 : i32
        %dma_wait3A_548 = arith.constant 0 : i32
        %dma_wait3A_549 = tpu.memref_slice %arg13[%dma_wait3A_546, %dma_wait3A_548] : memref<4x64xi32, #tpu.memory_space<vmem>> -> memref<1x64xi32, #tpu.memory_space<vmem>>
        %dma_wait3A_550 = tpu.memref_squeeze %dma_wait3A_549 : memref<1x64xi32, #tpu.memory_space<vmem>> -> memref<64xi32, #tpu.memory_space<vmem>>
        %dma_wait3A_551 = arith.constant 0 : i32
        %dma_wait3A_552 = tpu.memref_slice %arg6[%dma_wait3A_551] : memref<327680xi32, #tpu.memory_space<hbm>> -> memref<64xi32, #tpu.memory_space<hbm>>
        %dma_wait3A_553 = tpu.memref_slice %arg20[%dma_wait3A_547] : memref<4x!tpu.dma_semaphore, #tpu.memory_space<semaphore_mem>> -> memref<1x!tpu.dma_semaphore, #tpu.memory_space<semaphore_mem>>
        %dma_wait3A_554 = tpu.memref_squeeze %dma_wait3A_553 : memref<1x!tpu.dma_semaphore, #tpu.memory_space<semaphore_mem>> -> memref<!tpu.dma_semaphore, #tpu.memory_space<semaphore_mem>>
        %dma_wait3A_555 = arith.constant 0 : i32
        %dma_wait3A_556 = tpu.memref_slice %arg13[%dma_wait3A_546, %dma_wait3A_555] : memref<4x64xi32, #tpu.memory_space<vmem>> -> memref<1x64xi32, #tpu.memory_space<vmem>>
        %dma_wait3A_557 = tpu.memref_squeeze %dma_wait3A_556 : memref<1x64xi32, #tpu.memory_space<vmem>> -> memref<64xi32, #tpu.memory_space<vmem>>
        %dma_wait3A_558 = arith.constant 0 : i32
        %dma_wait3A_559 = tpu.memref_slice %arg6[%dma_wait3A_558] : memref<327680xi32, #tpu.memory_space<hbm>> -> memref<64xi32, #tpu.memory_space<hbm>>
        tpu.wait_dma2 semaphore(%dma_wait3A_554 : memref<!tpu.dma_semaphore, #tpu.memory_space<semaphore_mem>>) src(%dma_wait3A_559 : memref<64xi32, #tpu.memory_space<hbm>>) dst(%dma_wait3A_557 : memref<64xi32, #tpu.memory_space<vmem>>)
        %dma_start3A_560 = arith.constant 2 : i32
        %dma_start3A_561 = arith.constant 0 : i32
        %dma_start3A_562 = arith.constant 0 : i32
        %dma_start3A_563 = arith.constant 0 : i32
        %dma_start3A_564 = arith.constant 0 : i32
        %dma_start3A_565 = tpu.memref_slice %arg14[%dma_start3A_561, %dma_start3A_563, %dma_start3A_564] : memref<2x64x128xf32, #tpu.memory_space<vmem>> -> memref<1x64x128xf32, #tpu.memory_space<vmem>>
        %dma_start3A_566 = tpu.memref_squeeze %dma_start3A_565 : memref<1x64x128xf32, #tpu.memory_space<vmem>> -> memref<64x128xf32, #tpu.memory_space<vmem>>
        %dma_start3A_567 = arith.constant 0 : i32
        %dma_start3A_568 = tpu.memref_slice %arg11[%dma_start3A_560, %dma_start3A_567] : memref<4x64xi32, #tpu.memory_space<vmem>> -> memref<1x64xi32, #tpu.memory_space<vmem>>
        %dma_start3A_569 = tpu.memref_squeeze %dma_start3A_568 : memref<1x64xi32, #tpu.memory_space<vmem>> -> memref<64xi32, #tpu.memory_space<vmem>>
        %dma_start3A_570 = arith.constant 0 : i32
        %dma_start3A_571 = arith.constant 0 : i32
        %dma_start3A_572 = tpu.memref_slice %arg2[%dma_start3A_570, %dma_start3A_571] : memref<10000x128xf32, #tpu.memory_space<hbm>> -> memref<10000x128xf32, #tpu.memory_space<hbm>>
        %dma_start3A_573 = tpu.memref_slice %arg21[%dma_start3A_562] : memref<2x!tpu.dma_semaphore, #tpu.memory_space<semaphore_mem>> -> memref<1x!tpu.dma_semaphore, #tpu.memory_space<semaphore_mem>>
        %dma_start3A_574 = tpu.memref_squeeze %dma_start3A_573 : memref<1x!tpu.dma_semaphore, #tpu.memory_space<semaphore_mem>> -> memref<!tpu.dma_semaphore, #tpu.memory_space<semaphore_mem>>
        tpu.enqueue_indirect_dma source(%dma_start3A_572 : memref<10000x128xf32, #tpu.memory_space<hbm>>) target(%dma_start3A_566 : memref<64x128xf32, #tpu.memory_space<vmem>>) offsets(%dma_start3A_569 : memref<64xi32, #tpu.memory_space<vmem>>) semaphore(%dma_start3A_574 : memref<!tpu.dma_semaphore, #tpu.memory_space<semaphore_mem>>)
      } else {
      }
      %dma_start3A_295 = arith.constant 1 : i32
      %dma_start3A_296 = arith.constant 0 : i32
      %dma_start3A_297 = tpu.memref_slice %arg13[%dma_start3A_295, %dma_start3A_296] : memref<4x64xi32, #tpu.memory_space<vmem>> -> memref<1x64xi32, #tpu.memory_space<vmem>>
      %dma_start3A_298 = tpu.memref_squeeze %dma_start3A_297 : memref<1x64xi32, #tpu.memory_space<vmem>> -> memref<64xi32, #tpu.memory_space<vmem>>
      %dma_start3A_299 = arith.constant 0 : i32
      %dma_start3A_300 = arith.constant 0 : i32
      %dma_start3A_301 = tpu.memref_slice %arg19[%dma_start3A_299, %dma_start3A_300] : memref<200x128xf32, #tpu.memory_space<vmem_shared>> -> memref<200x128xf32, #tpu.memory_space<vmem_shared>>
      tpu.enqueue_indirect_dma source(%dma_start3A_301 : memref<200x128xf32, #tpu.memory_space<vmem_shared>>) target(%arg15 : memref<64x128xf32, #tpu.memory_space<vmem>>) offsets(%dma_start3A_298 : memref<64xi32, #tpu.memory_space<vmem>>) semaphore(%arg24 : memref<!tpu.dma_semaphore, #tpu.memory_space<semaphore_mem>>)
      %dma_wait3A_302 = arith.constant 0 : i32
      %dma_wait3A_303 = arith.constant 1 : i32
      %dma_wait3A_304 = arith.constant 1 : i32
      %dma_wait3A_305 = arith.constant 0 : i32
      %dma_wait3A_306 = arith.constant 0 : i32
      %dma_wait3A_307 = tpu.memref_slice %arg14[%dma_wait3A_303, %dma_wait3A_305, %dma_wait3A_306] : memref<2x64x128xf32, #tpu.memory_space<vmem>> -> memref<1x64x128xf32, #tpu.memory_space<vmem>>
      %dma_wait3A_308 = tpu.memref_squeeze %dma_wait3A_307 : memref<1x64x128xf32, #tpu.memory_space<vmem>> -> memref<64x128xf32, #tpu.memory_space<vmem>>
      %dma_wait3A_309 = arith.constant 0 : i32
      %dma_wait3A_310 = tpu.memref_slice %arg11[%dma_wait3A_302, %dma_wait3A_309] : memref<4x64xi32, #tpu.memory_space<vmem>> -> memref<1x64xi32, #tpu.memory_space<vmem>>
      %dma_wait3A_311 = tpu.memref_squeeze %dma_wait3A_310 : memref<1x64xi32, #tpu.memory_space<vmem>> -> memref<64xi32, #tpu.memory_space<vmem>>
      %dma_wait3A_312 = arith.constant 0 : i32
      %dma_wait3A_313 = arith.constant 0 : i32
      %dma_wait3A_314 = tpu.memref_slice %arg2[%dma_wait3A_312, %dma_wait3A_313] : memref<10000x128xf32, #tpu.memory_space<hbm>> -> memref<10000x128xf32, #tpu.memory_space<hbm>>
      %dma_wait3A_315 = tpu.memref_slice %arg21[%dma_wait3A_304] : memref<2x!tpu.dma_semaphore, #tpu.memory_space<semaphore_mem>> -> memref<1x!tpu.dma_semaphore, #tpu.memory_space<semaphore_mem>>
      %dma_wait3A_316 = tpu.memref_squeeze %dma_wait3A_315 : memref<1x!tpu.dma_semaphore, #tpu.memory_space<semaphore_mem>> -> memref<!tpu.dma_semaphore, #tpu.memory_space<semaphore_mem>>
      tpu.wait_indirect_dma semaphore(%dma_wait3A_316 : memref<!tpu.dma_semaphore, #tpu.memory_space<semaphore_mem>>) src(%dma_wait3A_314 : memref<10000x128xf32, #tpu.memory_space<hbm>>) dst(%dma_wait3A_308 : memref<64x128xf32, #tpu.memory_space<vmem>>)
      %dma_wait3A_317 = arith.constant 0 : i32
      %dma_wait3A_318 = arith.constant 0 : i32
      %dma_wait3A_319 = tpu.memref_slice %arg13[%dma_wait3A_317, %dma_wait3A_318] : memref<4x64xi32, #tpu.memory_space<vmem>> -> memref<1x64xi32, #tpu.memory_space<vmem>>
      %dma_wait3A_320 = tpu.memref_squeeze %dma_wait3A_319 : memref<1x64xi32, #tpu.memory_space<vmem>> -> memref<64xi32, #tpu.memory_space<vmem>>
      %dma_wait3A_321 = arith.constant 0 : i32
      %dma_wait3A_322 = arith.constant 0 : i32
      %dma_wait3A_323 = tpu.memref_slice %arg19[%dma_wait3A_321, %dma_wait3A_322] : memref<200x128xf32, #tpu.memory_space<vmem_shared>> -> memref<200x128xf32, #tpu.memory_space<vmem_shared>>
      tpu.wait_indirect_dma semaphore(%arg24 : memref<!tpu.dma_semaphore, #tpu.memory_space<semaphore_mem>>) src(%dma_wait3A_323 : memref<200x128xf32, #tpu.memory_space<vmem_shared>>) dst(%arg15 : memref<64x128xf32, #tpu.memory_space<vmem>>)
      %scan3A_324 = arith.constant 0 : i32
      %scan3A_325 = arith.constant 0 : i32
      %scan3A_326 = arith.constant 64 : i32
      %scan3A_327 = arith.addi %scan3A_325, %scan3A_326 : i32
      %scan3A_328 = arith.constant 1 : i32
      scf.for %scan3A_518 = %scan3A_325 to %scan3A_327 step %scan3A_328  : i32 {
        %get3A = arith.constant 1 : i32
        %get3A_519 = arith.index_cast %get3A : i32 to index
        %get3A_520 = arith.index_cast %scan3A_518 : i32 to index
        %get3A_521 = arith.constant 0 : index
        %get3A_522 = tpu.vector_load %arg14[%get3A_519, %get3A_520, %get3A_521] {strides = array<i32>} : memref<2x64x128xf32, #tpu.memory_space<vmem>>, vector<1x1x16xf32>,
        %get3A_523 = vector.shape_cast %get3A_522 : vector<1x1x16xf32> to vector<16xf32>
        %get3A_524 = arith.index_cast %scan3A_518 : i32 to index
        %get3A_525 = arith.constant 0 : index
        %get3A_526 = tpu.vector_load %arg15[%get3A_524, %get3A_525] {strides = array<i32>} : memref<64x128xf32, #tpu.memory_space<vmem>>, vector<1x16xf32>,
        %get3A_527 = vector.shape_cast %get3A_526 : vector<1x16xf32> to vector<16xf32>
        %add3A_528 = arith.addf %get3A_523, %get3A_527 : vector<16xf32>
        %swap3A = arith.constant 1 : i32
        %swap3A_529 = arith.index_cast %swap3A : i32 to index
        %swap3A_530 = arith.index_cast %scan3A_518 : i32 to index
        %swap3A_531 = arith.constant 0 : index
        %swap3A_532 = tpu.vector_load %arg14[%swap3A_529, %swap3A_530, %swap3A_531] {strides = array<i32>} : memref<2x64x128xf32, #tpu.memory_space<vmem>>, vector<1x1x16xf32>,
        %swap3A_533 = vector.shape_cast %swap3A_532 : vector<1x1x16xf32> to vector<16xf32>
        %swap3A_534 = vector.shape_cast %add3A_528 : vector<16xf32> to vector<1x1x16xf32>
        tpu.vector_store %arg14[%swap3A_529, %swap3A_530, %swap3A_531], %swap3A_534 {strides = array<i32>} : memref<2x64x128xf32, #tpu.memory_space<vmem>>, vector<1x1x16xf32>,
        %get3A_535 = arith.constant 1 : i32
        %get3A_536 = arith.index_cast %get3A_535 : i32 to index
        %get3A_537 = arith.index_cast %scan3A_518 : i32 to index
        %get3A_538 = arith.constant 16 : index
        %get3A_539 = tpu.vector_load %arg14[%get3A_536, %get3A_537, %get3A_538] {strides = array<i32>} : memref<2x64x128xf32, #tpu.memory_space<vmem>>, vector<1x1x16xf32>,
        %get3A_540 = vector.shape_cast %get3A_539 : vector<1x1x16xf32> to vector<16xf32>
        %get3A_541 = arith.index_cast %scan3A_518 : i32 to index
        %get3A_542 = arith.constant 16 : index
        %get3A_543 = tpu.vector_load %arg15[%get3A_541, %get3A_542] {strides = array<i32>} : memref<64x128xf32, #tpu.memory_space<vmem>>, vector<1x16xf32>,
        %get3A_544 = vector.shape_cast %get3A_543 : vector<1x16xf32> to vector<16xf32>
        %add3A_545 = arith.addf %get3A_540, %get3A_544 : vector<16xf32>
        %swap3A_546 = arith.constant 1 : i32
        %swap3A_547 = arith.index_cast %swap3A_546 : i32 to index
        %swap3A_548 = arith.index_cast %scan3A_518 : i32 to index
        %swap3A_549 = arith.constant 16 : index
        %swap3A_550 = tpu.vector_load %arg14[%swap3A_547, %swap3A_548, %swap3A_549] {strides = array<i32>} : memref<2x64x128xf32, #tpu.memory_space<vmem>>, vector<1x1x16xf32>,
        %swap3A_551 = vector.shape_cast %swap3A_550 : vector<1x1x16xf32> to vector<16xf32>
        %swap3A_552 = vector.shape_cast %add3A_545 : vector<16xf32> to vector<1x1x16xf32>
        tpu.vector_store %arg14[%swap3A_547, %swap3A_548, %swap3A_549], %swap3A_552 {strides = array<i32>} : memref<2x64x128xf32, #tpu.memory_space<vmem>>, vector<1x1x16xf32>,
        %get3A_553 = arith.constant 1 : i32
        %get3A_554 = arith.index_cast %get3A_553 : i32 to index
        %get3A_555 = arith.index_cast %scan3A_518 : i32 to index
        %get3A_556 = arith.constant 32 : index
        %get3A_557 = tpu.vector_load %arg14[%get3A_554, %get3A_555, %get3A_556] {strides = array<i32>} : memref<2x64x128xf32, #tpu.memory_space<vmem>>, vector<1x1x16xf32>,
        %get3A_558 = vector.shape_cast %get3A_557 : vector<1x1x16xf32> to vector<16xf32>
        %get3A_559 = arith.index_cast %scan3A_518 : i32 to index
        %get3A_560 = arith.constant 32 : index
        %get3A_561 = tpu.vector_load %arg15[%get3A_559, %get3A_560] {strides = array<i32>} : memref<64x128xf32, #tpu.memory_space<vmem>>, vector<1x16xf32>,
        %get3A_562 = vector.shape_cast %get3A_561 : vector<1x16xf32> to vector<16xf32>
        %add3A_563 = arith.addf %get3A_558, %get3A_562 : vector<16xf32>
        %swap3A_564 = arith.constant 1 : i32
        %swap3A_565 = arith.index_cast %swap3A_564 : i32 to index
        %swap3A_566 = arith.index_cast %scan3A_518 : i32 to index
        %swap3A_567 = arith.constant 32 : index
        %swap3A_568 = tpu.vector_load %arg14[%swap3A_565, %swap3A_566, %swap3A_567] {strides = array<i32>} : memref<2x64x128xf32, #tpu.memory_space<vmem>>, vector<1x1x16xf32>,
        %swap3A_569 = vector.shape_cast %swap3A_568 : vector<1x1x16xf32> to vector<16xf32>
        %swap3A_570 = vector.shape_cast %add3A_563 : vector<16xf32> to vector<1x1x16xf32>
        tpu.vector_store %arg14[%swap3A_565, %swap3A_566, %swap3A_567], %swap3A_570 {strides = array<i32>} : memref<2x64x128xf32, #tpu.memory_space<vmem>>, vector<1x1x16xf32>,
        %get3A_571 = arith.constant 1 : i32
        %get3A_572 = arith.index_cast %get3A_571 : i32 to index
        %get3A_573 = arith.index_cast %scan3A_518 : i32 to index
        %get3A_574 = arith.constant 48 : index
        %get3A_575 = tpu.vector_load %arg14[%get3A_572, %get3A_573, %get3A_574] {strides = array<i32>} : memref<2x64x128xf32, #tpu.memory_space<vmem>>, vector<1x1x16xf32>,
        %get3A_576 = vector.shape_cast %get3A_575 : vector<1x1x16xf32> to vector<16xf32>
        %get3A_577 = arith.index_cast %scan3A_518 : i32 to index
        %get3A_578 = arith.constant 48 : index
        %get3A_579 = tpu.vector_load %arg15[%get3A_577, %get3A_578] {strides = array<i32>} : memref<64x128xf32, #tpu.memory_space<vmem>>, vector<1x16xf32>,
        %get3A_580 = vector.shape_cast %get3A_579 : vector<1x16xf32> to vector<16xf32>
        %add3A_581 = arith.addf %get3A_576, %get3A_580 : vector<16xf32>
        %swap3A_582 = arith.constant 1 : i32
        %swap3A_583 = arith.index_cast %swap3A_582 : i32 to index
        %swap3A_584 = arith.index_cast %scan3A_518 : i32 to index
        %swap3A_585 = arith.constant 48 : index
        %swap3A_586 = tpu.vector_load %arg14[%swap3A_583, %swap3A_584, %swap3A_585] {strides = array<i32>} : memref<2x64x128xf32, #tpu.memory_space<vmem>>, vector<1x1x16xf32>,
        %swap3A_587 = vector.shape_cast %swap3A_586 : vector<1x1x16xf32> to vector<16xf32>
        %swap3A_588 = vector.shape_cast %add3A_581 : vector<16xf32> to vector<1x1x16xf32>
        tpu.vector_store %arg14[%swap3A_583, %swap3A_584, %swap3A_585], %swap3A_588 {strides = array<i32>} : memref<2x64x128xf32, #tpu.memory_space<vmem>>, vector<1x1x16xf32>,
        %get3A_589 = arith.constant 1 : i32
        %get3A_590 = arith.index_cast %get3A_589 : i32 to index
        %get3A_591 = arith.index_cast %scan3A_518 : i32 to index
        %get3A_592 = arith.constant 64 : index
        %get3A_593 = tpu.vector_load %arg14[%get3A_590, %get3A_591, %get3A_592] {strides = array<i32>} : memref<2x64x128xf32, #tpu.memory_space<vmem>>, vector<1x1x16xf32>,
        %get3A_594 = vector.shape_cast %get3A_593 : vector<1x1x16xf32> to vector<16xf32>
        %get3A_595 = arith.index_cast %scan3A_518 : i32 to index
        %get3A_596 = arith.constant 64 : index
        %get3A_597 = tpu.vector_load %arg15[%get3A_595, %get3A_596] {strides = array<i32>} : memref<64x128xf32, #tpu.memory_space<vmem>>, vector<1x16xf32>,
        %get3A_598 = vector.shape_cast %get3A_597 : vector<1x16xf32> to vector<16xf32>
        %add3A_599 = arith.addf %get3A_594, %get3A_598 : vector<16xf32>
        %swap3A_600 = arith.constant 1 : i32
        %swap3A_601 = arith.index_cast %swap3A_600 : i32 to index
        %swap3A_602 = arith.index_cast %scan3A_518 : i32 to index
        %swap3A_603 = arith.constant 64 : index
        %swap3A_604 = tpu.vector_load %arg14[%swap3A_601, %swap3A_602, %swap3A_603] {strides = array<i32>} : memref<2x64x128xf32, #tpu.memory_space<vmem>>, vector<1x1x16xf32>,
        %swap3A_605 = vector.shape_cast %swap3A_604 : vector<1x1x16xf32> to vector<16xf32>
        %swap3A_606 = vector.shape_cast %add3A_599 : vector<16xf32> to vector<1x1x16xf32>
        tpu.vector_store %arg14[%swap3A_601, %swap3A_602, %swap3A_603], %swap3A_606 {strides = array<i32>} : memref<2x64x128xf32, #tpu.memory_space<vmem>>, vector<1x1x16xf32>,
        %get3A_607 = arith.constant 1 : i32
        %get3A_608 = arith.index_cast %get3A_607 : i32 to index
        %get3A_609 = arith.index_cast %scan3A_518 : i32 to index
        %get3A_610 = arith.constant 80 : index
        %get3A_611 = tpu.vector_load %arg14[%get3A_608, %get3A_609, %get3A_610] {strides = array<i32>} : memref<2x64x128xf32, #tpu.memory_space<vmem>>, vector<1x1x16xf32>,
        %get3A_612 = vector.shape_cast %get3A_611 : vector<1x1x16xf32> to vector<16xf32>
        %get3A_613 = arith.index_cast %scan3A_518 : i32 to index
        %get3A_614 = arith.constant 80 : index
        %get3A_615 = tpu.vector_load %arg15[%get3A_613, %get3A_614] {strides = array<i32>} : memref<64x128xf32, #tpu.memory_space<vmem>>, vector<1x16xf32>,
        %get3A_616 = vector.shape_cast %get3A_615 : vector<1x16xf32> to vector<16xf32>
        %add3A_617 = arith.addf %get3A_612, %get3A_616 : vector<16xf32>
        %swap3A_618 = arith.constant 1 : i32
        %swap3A_619 = arith.index_cast %swap3A_618 : i32 to index
        %swap3A_620 = arith.index_cast %scan3A_518 : i32 to index
        %swap3A_621 = arith.constant 80 : index
        %swap3A_622 = tpu.vector_load %arg14[%swap3A_619, %swap3A_620, %swap3A_621] {strides = array<i32>} : memref<2x64x128xf32, #tpu.memory_space<vmem>>, vector<1x1x16xf32>,
        %swap3A_623 = vector.shape_cast %swap3A_622 : vector<1x1x16xf32> to vector<16xf32>
        %swap3A_624 = vector.shape_cast %add3A_617 : vector<16xf32> to vector<1x1x16xf32>
        tpu.vector_store %arg14[%swap3A_619, %swap3A_620, %swap3A_621], %swap3A_624 {strides = array<i32>} : memref<2x64x128xf32, #tpu.memory_space<vmem>>, vector<1x1x16xf32>,
        %get3A_625 = arith.constant 1 : i32
        %get3A_626 = arith.index_cast %get3A_625 : i32 to index
        %get3A_627 = arith.index_cast %scan3A_518 : i32 to index
        %get3A_628 = arith.constant 96 : index
        %get3A_629 = tpu.vector_load %arg14[%get3A_626, %get3A_627, %get3A_628] {strides = array<i32>} : memref<2x64x128xf32, #tpu.memory_space<vmem>>, vector<1x1x16xf32>,
        %get3A_630 = vector.shape_cast %get3A_629 : vector<1x1x16xf32> to vector<16xf32>
        %get3A_631 = arith.index_cast %scan3A_518 : i32 to index
        %get3A_632 = arith.constant 96 : index
        %get3A_633 = tpu.vector_load %arg15[%get3A_631, %get3A_632] {strides = array<i32>} : memref<64x128xf32, #tpu.memory_space<vmem>>, vector<1x16xf32>,
        %get3A_634 = vector.shape_cast %get3A_633 : vector<1x16xf32> to vector<16xf32>
        %add3A_635 = arith.addf %get3A_630, %get3A_634 : vector<16xf32>
        %swap3A_636 = arith.constant 1 : i32
        %swap3A_637 = arith.index_cast %swap3A_636 : i32 to index
        %swap3A_638 = arith.index_cast %scan3A_518 : i32 to index
        %swap3A_639 = arith.constant 96 : index
        %swap3A_640 = tpu.vector_load %arg14[%swap3A_637, %swap3A_638, %swap3A_639] {strides = array<i32>} : memref<2x64x128xf32, #tpu.memory_space<vmem>>, vector<1x1x16xf32>,
        %swap3A_641 = vector.shape_cast %swap3A_640 : vector<1x1x16xf32> to vector<16xf32>
        %swap3A_642 = vector.shape_cast %add3A_635 : vector<16xf32> to vector<1x1x16xf32>
        tpu.vector_store %arg14[%swap3A_637, %swap3A_638, %swap3A_639], %swap3A_642 {strides = array<i32>} : memref<2x64x128xf32, #tpu.memory_space<vmem>>, vector<1x1x16xf32>,
        %get3A_643 = arith.constant 1 : i32
        %get3A_644 = arith.index_cast %get3A_643 : i32 to index
        %get3A_645 = arith.index_cast %scan3A_518 : i32 to index
        %get3A_646 = arith.constant 112 : index
        %get3A_647 = tpu.vector_load %arg14[%get3A_644, %get3A_645, %get3A_646] {strides = array<i32>} : memref<2x64x128xf32, #tpu.memory_space<vmem>>, vector<1x1x16xf32>,
        %get3A_648 = vector.shape_cast %get3A_647 : vector<1x1x16xf32> to vector<16xf32>
        %get3A_649 = arith.index_cast %scan3A_518 : i32 to index
        %get3A_650 = arith.constant 112 : index
        %get3A_651 = tpu.vector_load %arg15[%get3A_649, %get3A_650] {strides = array<i32>} : memref<64x128xf32, #tpu.memory_space<vmem>>, vector<1x16xf32>,
        %get3A_652 = vector.shape_cast %get3A_651 : vector<1x16xf32> to vector<16xf32>
        %add3A_653 = arith.addf %get3A_648, %get3A_652 : vector<16xf32>
        %swap3A_654 = arith.constant 1 : i32
        %swap3A_655 = arith.index_cast %swap3A_654 : i32 to index
        %swap3A_656 = arith.index_cast %scan3A_518 : i32 to index
        %swap3A_657 = arith.constant 112 : index
        %swap3A_658 = tpu.vector_load %arg14[%swap3A_655, %swap3A_656, %swap3A_657] {strides = array<i32>} : memref<2x64x128xf32, #tpu.memory_space<vmem>>, vector<1x1x16xf32>,
        %swap3A_659 = vector.shape_cast %swap3A_658 : vector<1x1x16xf32> to vector<16xf32>
        %swap3A_660 = vector.shape_cast %add3A_653 : vector<16xf32> to vector<1x1x16xf32>
        tpu.vector_store %arg14[%swap3A_655, %swap3A_656, %swap3A_657], %swap3A_660 {strides = array<i32>} : memref<2x64x128xf32, #tpu.memory_space<vmem>>, vector<1x1x16xf32>,
      }
      %scan3A_329 = arith.constant 64 : i32
      %dma_start3A_330 = arith.constant 1 : i32
      %dma_start3A_331 = arith.constant 1 : i32
      %dma_start3A_332 = arith.constant 1 : i32
      %dma_start3A_333 = arith.constant 0 : i32
      %dma_start3A_334 = arith.constant 0 : i32
      %dma_start3A_335 = tpu.memref_slice %arg14[%dma_start3A_330, %dma_start3A_333, %dma_start3A_334] : memref<2x64x128xf32, #tpu.memory_space<vmem>> -> memref<1x64x128xf32, #tpu.memory_space<vmem>>
      %dma_start3A_336 = tpu.memref_squeeze %dma_start3A_335 : memref<1x64x128xf32, #tpu.memory_space<vmem>> -> memref<64x128xf32, #tpu.memory_space<vmem>>
      %dma_start3A_337 = arith.constant 0 : i32
      %dma_start3A_338 = tpu.memref_slice %arg12[%dma_start3A_331, %dma_start3A_337] : memref<4x64xi32, #tpu.memory_space<vmem>> -> memref<1x64xi32, #tpu.memory_space<vmem>>
      %dma_start3A_339 = tpu.memref_squeeze %dma_start3A_338 : memref<1x64xi32, #tpu.memory_space<vmem>> -> memref<64xi32, #tpu.memory_space<vmem>>
      %dma_start3A_340 = arith.constant 0 : i32
      %dma_start3A_341 = arith.constant 0 : i32
      %dma_start3A_342 = tpu.memref_slice %arg17[%dma_start3A_340, %dma_start3A_341] : memref<10112x128xf32, #tpu.memory_space<vmem_shared>> -> memref<10112x128xf32, #tpu.memory_space<vmem_shared>>
      %dma_start3A_343 = tpu.memref_slice %arg22[%dma_start3A_332] : memref<2x!tpu.dma_semaphore, #tpu.memory_space<semaphore_mem>> -> memref<1x!tpu.dma_semaphore, #tpu.memory_space<semaphore_mem>>
      %dma_start3A_344 = tpu.memref_squeeze %dma_start3A_343 : memref<1x!tpu.dma_semaphore, #tpu.memory_space<semaphore_mem>> -> memref<!tpu.dma_semaphore, #tpu.memory_space<semaphore_mem>>
      tpu.enqueue_indirect_dma source(%dma_start3A_336 : memref<64x128xf32, #tpu.memory_space<vmem>>) target(%dma_start3A_342 : memref<10112x128xf32, #tpu.memory_space<vmem_shared>>) offsets(%dma_start3A_339 : memref<64xi32, #tpu.memory_space<vmem>>) semaphore(%dma_start3A_344 : memref<!tpu.dma_semaphore, #tpu.memory_space<semaphore_mem>>) {add = true}
      %dma_start3A_345 = arith.constant 1 : i32
      %dma_start3A_346 = arith.constant 1 : i32
      %dma_start3A_347 = arith.constant 0 : i32
      %dma_start3A_348 = tpu.memref_slice %arg12[%dma_start3A_345, %dma_start3A_347] : memref<4x64xi32, #tpu.memory_space<vmem>> -> memref<1x64xi32, #tpu.memory_space<vmem>>
      %dma_start3A_349 = tpu.memref_squeeze %dma_start3A_348 : memref<1x64xi32, #tpu.memory_space<vmem>> -> memref<64xi32, #tpu.memory_space<vmem>>
      %dma_start3A_350 = arith.constant 0 : i32
      %dma_start3A_351 = tpu.memref_slice %arg18[%dma_start3A_350] : memref<12288xf32, #tpu.memory_space<vmem_shared>> -> memref<12288xf32, #tpu.memory_space<vmem_shared>>
      %dma_start3A_352 = tpu.memref_slice %arg23[%dma_start3A_346] : memref<2x!tpu.dma_semaphore, #tpu.memory_space<semaphore_mem>> -> memref<1x!tpu.dma_semaphore, #tpu.memory_space<semaphore_mem>>
      %dma_start3A_353 = tpu.memref_squeeze %dma_start3A_352 : memref<1x!tpu.dma_semaphore, #tpu.memory_space<semaphore_mem>> -> memref<!tpu.dma_semaphore, #tpu.memory_space<semaphore_mem>>
      tpu.enqueue_indirect_dma source(%arg16 : memref<64xf32, #tpu.memory_space<vmem>>) target(%dma_start3A_351 : memref<12288xf32, #tpu.memory_space<vmem_shared>>) offsets(%dma_start3A_349 : memref<64xi32, #tpu.memory_space<vmem>>) semaphore(%dma_start3A_353 : memref<!tpu.dma_semaphore, #tpu.memory_space<semaphore_mem>>) {add = true}
      %mul3A_354 = arith.constant 4 : i32
      %mul3A_355 = arith.muli %scan3A_191, %mul3A_354 : i32
      %add3A_356 = arith.constant 2 : i32
      %add3A_357 = arith.addi %mul3A_355, %add3A_356 : i32
      %gt3A_358 = arith.constant 0 : i32
      %gt3A_359 = arith.cmpi sgt, %add3A_357, %gt3A_358 : i32
      %convert_element_type3A_360 = arith.extui %gt3A_359 : i1 to i32
      %cond3A_361 = arith.constant 0 : i32
      %cond3A_362 = arith.cmpi ne, %convert_element_type3A_360, %cond3A_361 : i32
      scf.if %cond3A_362 {
        %dma_wait3A_518 = arith.constant 1 : i32
        %dma_wait3A_519 = arith.constant 0 : i32
        %dma_wait3A_520 = arith.constant 1 : i32
        %dma_wait3A_521 = arith.constant 0 : i32
        %dma_wait3A_522 = arith.constant 0 : i32
        %dma_wait3A_523 = tpu.memref_slice %arg14[%dma_wait3A_518, %dma_wait3A_521, %dma_wait3A_522] : memref<2x64x128xf32, #tpu.memory_space<vmem>> -> memref<1x64x128xf32, #tpu.memory_space<vmem>>
        %dma_wait3A_524 = tpu.memref_squeeze %dma_wait3A_523 : memref<1x64x128xf32, #tpu.memory_space<vmem>> -> memref<64x128xf32, #tpu.memory_space<vmem>>
        %dma_wait3A_525 = arith.constant 0 : i32
        %dma_wait3A_526 = tpu.memref_slice %arg12[%dma_wait3A_519, %dma_wait3A_525] : memref<4x64xi32, #tpu.memory_space<vmem>> -> memref<1x64xi32, #tpu.memory_space<vmem>>
        %dma_wait3A_527 = tpu.memref_squeeze %dma_wait3A_526 : memref<1x64xi32, #tpu.memory_space<vmem>> -> memref<64xi32, #tpu.memory_space<vmem>>
        %dma_wait3A_528 = arith.constant 0 : i32
        %dma_wait3A_529 = arith.constant 0 : i32
        %dma_wait3A_530 = tpu.memref_slice %arg17[%dma_wait3A_528, %dma_wait3A_529] : memref<10112x128xf32, #tpu.memory_space<vmem_shared>> -> memref<10112x128xf32, #tpu.memory_space<vmem_shared>>
        %dma_wait3A_531 = tpu.memref_slice %arg22[%dma_wait3A_520] : memref<2x!tpu.dma_semaphore, #tpu.memory_space<semaphore_mem>> -> memref<1x!tpu.dma_semaphore, #tpu.memory_space<semaphore_mem>>
        %dma_wait3A_532 = tpu.memref_squeeze %dma_wait3A_531 : memref<1x!tpu.dma_semaphore, #tpu.memory_space<semaphore_mem>> -> memref<!tpu.dma_semaphore, #tpu.memory_space<semaphore_mem>>
        tpu.wait_indirect_dma semaphore(%dma_wait3A_532 : memref<!tpu.dma_semaphore, #tpu.memory_space<semaphore_mem>>) src(%dma_wait3A_524 : memref<64x128xf32, #tpu.memory_space<vmem>>) dst(%dma_wait3A_530 : memref<10112x128xf32, #tpu.memory_space<vmem_shared>>)
        %dma_wait3A_533 = arith.constant 0 : i32
        %dma_wait3A_534 = arith.constant 1 : i32
        %dma_wait3A_535 = arith.constant 0 : i32
        %dma_wait3A_536 = tpu.memref_slice %arg12[%dma_wait3A_533, %dma_wait3A_535] : memref<4x64xi32, #tpu.memory_space<vmem>> -> memref<1x64xi32, #tpu.memory_space<vmem>>
        %dma_wait3A_537 = tpu.memref_squeeze %dma_wait3A_536 : memref<1x64xi32, #tpu.memory_space<vmem>> -> memref<64xi32, #tpu.memory_space<vmem>>
        %dma_wait3A_538 = arith.constant 0 : i32
        %dma_wait3A_539 = tpu.memref_slice %arg18[%dma_wait3A_538] : memref<12288xf32, #tpu.memory_space<vmem_shared>> -> memref<12288xf32, #tpu.memory_space<vmem_shared>>
        %dma_wait3A_540 = tpu.memref_slice %arg23[%dma_wait3A_534] : memref<2x!tpu.dma_semaphore, #tpu.memory_space<semaphore_mem>> -> memref<1x!tpu.dma_semaphore, #tpu.memory_space<semaphore_mem>>
        %dma_wait3A_541 = tpu.memref_squeeze %dma_wait3A_540 : memref<1x!tpu.dma_semaphore, #tpu.memory_space<semaphore_mem>> -> memref<!tpu.dma_semaphore, #tpu.memory_space<semaphore_mem>>
        tpu.wait_indirect_dma semaphore(%dma_wait3A_541 : memref<!tpu.dma_semaphore, #tpu.memory_space<semaphore_mem>>) src(%arg16 : memref<64xf32, #tpu.memory_space<vmem>>) dst(%dma_wait3A_539 : memref<12288xf32, #tpu.memory_space<vmem_shared>>)
      } else {
      }
      %add3A_363 = arith.constant 2 : i32
      %add3A_364 = arith.addi %add3A_357, %add3A_363 : i32
      %lt3A_365 = arith.constant 160 : i32
      %lt3A_366 = arith.cmpi slt, %add3A_364, %lt3A_365 : i32
      %convert_element_type3A_367 = arith.extui %lt3A_366 : i1 to i32
      %cond3A_368 = arith.constant 0 : i32
      %cond3A_369 = arith.cmpi ne, %convert_element_type3A_367, %cond3A_368 : i32
      scf.if %cond3A_369 {
        %add3A_518 = arith.constant 2 : i32
        %add3A_519 = arith.addi %add3A_357, %add3A_518 : i32
        %mul3A_520 = arith.constant 10240 : i32
        %mul3A_521 = arith.muli %add3A, %mul3A_520 : i32
        %mul3A_522 = arith.constant 64 : i32
        %mul3A_523 = arith.muli %add3A_519, %mul3A_522 : i32
        %add3A_524 = arith.addi %mul3A_521, %mul3A_523 : i32
        %dma_start3A_525 = arith.constant 0 : i32
        %dma_start3A_526 = arith.constant 0 : i32
        %dma_start3A_527 = arith.constant 0 : i32
        %dma_start3A_528 = tpu.memref_slice %arg11[%dma_start3A_525, %dma_start3A_527] : memref<4x64xi32, #tpu.memory_space<vmem>> -> memref<1x64xi32, #tpu.memory_space<vmem>>
        %dma_start3A_529 = tpu.memref_squeeze %dma_start3A_528 : memref<1x64xi32, #tpu.memory_space<vmem>> -> memref<64xi32, #tpu.memory_space<vmem>>
        %dma_start3A_530 = tpu.memref_slice %arg4[%add3A_524] : memref<327680xi32, #tpu.memory_space<hbm>> -> memref<64xi32, #tpu.memory_space<hbm>>
        %dma_start3A_531 = tpu.memref_slice %arg20[%dma_start3A_526] : memref<4x!tpu.dma_semaphore, #tpu.memory_space<semaphore_mem>> -> memref<1x!tpu.dma_semaphore, #tpu.memory_space<semaphore_mem>>
        %dma_start3A_532 = tpu.memref_squeeze %dma_start3A_531 : memref<1x!tpu.dma_semaphore, #tpu.memory_space<semaphore_mem>> -> memref<!tpu.dma_semaphore, #tpu.memory_space<semaphore_mem>>
        %dma_start3A_533 = arith.constant 0 : i32
        %dma_start3A_534 = tpu.memref_slice %arg11[%dma_start3A_525, %dma_start3A_533] : memref<4x64xi32, #tpu.memory_space<vmem>> -> memref<1x64xi32, #tpu.memory_space<vmem>>
        %dma_start3A_535 = tpu.memref_squeeze %dma_start3A_534 : memref<1x64xi32, #tpu.memory_space<vmem>> -> memref<64xi32, #tpu.memory_space<vmem>>
        %dma_start3A_536 = tpu.memref_slice %arg4[%add3A_524] : memref<327680xi32, #tpu.memory_space<hbm>> -> memref<64xi32, #tpu.memory_space<hbm>>
        tpu.enqueue_dma source(%dma_start3A_536 : memref<64xi32, #tpu.memory_space<hbm>>) target(%dma_start3A_535 : memref<64xi32, #tpu.memory_space<vmem>>) target_semaphore(%dma_start3A_532 : memref<!tpu.dma_semaphore, #tpu.memory_space<semaphore_mem>>)
        %dma_start3A_537 = arith.constant 0 : i32
        %dma_start3A_538 = arith.constant 0 : i32
        %dma_start3A_539 = arith.constant 0 : i32
        %dma_start3A_540 = tpu.memref_slice %arg12[%dma_start3A_537, %dma_start3A_539] : memref<4x64xi32, #tpu.memory_space<vmem>> -> memref<1x64xi32, #tpu.memory_space<vmem>>
        %dma_start3A_541 = tpu.memref_squeeze %dma_start3A_540 : memref<1x64xi32, #tpu.memory_space<vmem>> -> memref<64xi32, #tpu.memory_space<vmem>>
        %dma_start3A_542 = tpu.memref_slice %arg5[%add3A_524] : memref<327680xi32, #tpu.memory_space<hbm>> -> memref<64xi32, #tpu.memory_space<hbm>>
        %dma_start3A_543 = tpu.memref_slice %arg20[%dma_start3A_538] : memref<4x!tpu.dma_semaphore, #tpu.memory_space<semaphore_mem>> -> memref<1x!tpu.dma_semaphore, #tpu.memory_space<semaphore_mem>>
        %dma_start3A_544 = tpu.memref_squeeze %dma_start3A_543 : memref<1x!tpu.dma_semaphore, #tpu.memory_space<semaphore_mem>> -> memref<!tpu.dma_semaphore, #tpu.memory_space<semaphore_mem>>
        %dma_start3A_545 = arith.constant 0 : i32
        %dma_start3A_546 = tpu.memref_slice %arg12[%dma_start3A_537, %dma_start3A_545] : memref<4x64xi32, #tpu.memory_space<vmem>> -> memref<1x64xi32, #tpu.memory_space<vmem>>
        %dma_start3A_547 = tpu.memref_squeeze %dma_start3A_546 : memref<1x64xi32, #tpu.memory_space<vmem>> -> memref<64xi32, #tpu.memory_space<vmem>>
        %dma_start3A_548 = tpu.memref_slice %arg5[%add3A_524] : memref<327680xi32, #tpu.memory_space<hbm>> -> memref<64xi32, #tpu.memory_space<hbm>>
        tpu.enqueue_dma source(%dma_start3A_548 : memref<64xi32, #tpu.memory_space<hbm>>) target(%dma_start3A_547 : memref<64xi32, #tpu.memory_space<vmem>>) target_semaphore(%dma_start3A_544 : memref<!tpu.dma_semaphore, #tpu.memory_space<semaphore_mem>>)
        %dma_start3A_549 = arith.constant 0 : i32
        %dma_start3A_550 = arith.constant 0 : i32
        %dma_start3A_551 = arith.constant 0 : i32
        %dma_start3A_552 = tpu.memref_slice %arg13[%dma_start3A_549, %dma_start3A_551] : memref<4x64xi32, #tpu.memory_space<vmem>> -> memref<1x64xi32, #tpu.memory_space<vmem>>
        %dma_start3A_553 = tpu.memref_squeeze %dma_start3A_552 : memref<1x64xi32, #tpu.memory_space<vmem>> -> memref<64xi32, #tpu.memory_space<vmem>>
        %dma_start3A_554 = tpu.memref_slice %arg6[%add3A_524] : memref<327680xi32, #tpu.memory_space<hbm>> -> memref<64xi32, #tpu.memory_space<hbm>>
        %dma_start3A_555 = tpu.memref_slice %arg20[%dma_start3A_550] : memref<4x!tpu.dma_semaphore, #tpu.memory_space<semaphore_mem>> -> memref<1x!tpu.dma_semaphore, #tpu.memory_space<semaphore_mem>>
        %dma_start3A_556 = tpu.memref_squeeze %dma_start3A_555 : memref<1x!tpu.dma_semaphore, #tpu.memory_space<semaphore_mem>> -> memref<!tpu.dma_semaphore, #tpu.memory_space<semaphore_mem>>
        %dma_start3A_557 = arith.constant 0 : i32
        %dma_start3A_558 = tpu.memref_slice %arg13[%dma_start3A_549, %dma_start3A_557] : memref<4x64xi32, #tpu.memory_space<vmem>> -> memref<1x64xi32, #tpu.memory_space<vmem>>
        %dma_start3A_559 = tpu.memref_squeeze %dma_start3A_558 : memref<1x64xi32, #tpu.memory_space<vmem>> -> memref<64xi32, #tpu.memory_space<vmem>>
        %dma_start3A_560 = tpu.memref_slice %arg6[%add3A_524] : memref<327680xi32, #tpu.memory_space<hbm>> -> memref<64xi32, #tpu.memory_space<hbm>>
        tpu.enqueue_dma source(%dma_start3A_560 : memref<64xi32, #tpu.memory_space<hbm>>) target(%dma_start3A_559 : memref<64xi32, #tpu.memory_space<vmem>>) target_semaphore(%dma_start3A_556 : memref<!tpu.dma_semaphore, #tpu.memory_space<semaphore_mem>>)
      } else {
      }
      %add3A_370 = arith.constant 1 : i32
      %add3A_371 = arith.addi %add3A_357, %add3A_370 : i32
      %lt3A_372 = arith.constant 160 : i32
      %lt3A_373 = arith.cmpi slt, %add3A_371, %lt3A_372 : i32
      %convert_element_type3A_374 = arith.extui %lt3A_373 : i1 to i32
      %cond3A_375 = arith.constant 0 : i32
      %cond3A_376 = arith.cmpi ne, %convert_element_type3A_374, %cond3A_375 : i32
      scf.if %cond3A_376 {
        %dma_wait3A_518 = arith.constant 3 : i32
        %dma_wait3A_519 = arith.constant 3 : i32
        %dma_wait3A_520 = arith.constant 0 : i32
        %dma_wait3A_521 = tpu.memref_slice %arg11[%dma_wait3A_518, %dma_wait3A_520] : memref<4x64xi32, #tpu.memory_space<vmem>> -> memref<1x64xi32, #tpu.memory_space<vmem>>
        %dma_wait3A_522 = tpu.memref_squeeze %dma_wait3A_521 : memref<1x64xi32, #tpu.memory_space<vmem>> -> memref<64xi32, #tpu.memory_space<vmem>>
        %dma_wait3A_523 = arith.constant 0 : i32
        %dma_wait3A_524 = tpu.memref_slice %arg4[%dma_wait3A_523] : memref<327680xi32, #tpu.memory_space<hbm>> -> memref<64xi32, #tpu.memory_space<hbm>>
        %dma_wait3A_525 = tpu.memref_slice %arg20[%dma_wait3A_519] : memref<4x!tpu.dma_semaphore, #tpu.memory_space<semaphore_mem>> -> memref<1x!tpu.dma_semaphore, #tpu.memory_space<semaphore_mem>>
        %dma_wait3A_526 = tpu.memref_squeeze %dma_wait3A_525 : memref<1x!tpu.dma_semaphore, #tpu.memory_space<semaphore_mem>> -> memref<!tpu.dma_semaphore, #tpu.memory_space<semaphore_mem>>
        %dma_wait3A_527 = arith.constant 0 : i32
        %dma_wait3A_528 = tpu.memref_slice %arg11[%dma_wait3A_518, %dma_wait3A_527] : memref<4x64xi32, #tpu.memory_space<vmem>> -> memref<1x64xi32, #tpu.memory_space<vmem>>
        %dma_wait3A_529 = tpu.memref_squeeze %dma_wait3A_528 : memref<1x64xi32, #tpu.memory_space<vmem>> -> memref<64xi32, #tpu.memory_space<vmem>>
        %dma_wait3A_530 = arith.constant 0 : i32
        %dma_wait3A_531 = tpu.memref_slice %arg4[%dma_wait3A_530] : memref<327680xi32, #tpu.memory_space<hbm>> -> memref<64xi32, #tpu.memory_space<hbm>>
        tpu.wait_dma2 semaphore(%dma_wait3A_526 : memref<!tpu.dma_semaphore, #tpu.memory_space<semaphore_mem>>) src(%dma_wait3A_531 : memref<64xi32, #tpu.memory_space<hbm>>) dst(%dma_wait3A_529 : memref<64xi32, #tpu.memory_space<vmem>>)
        %dma_wait3A_532 = arith.constant 3 : i32
        %dma_wait3A_533 = arith.constant 3 : i32
        %dma_wait3A_534 = arith.constant 0 : i32
        %dma_wait3A_535 = tpu.memref_slice %arg12[%dma_wait3A_532, %dma_wait3A_534] : memref<4x64xi32, #tpu.memory_space<vmem>> -> memref<1x64xi32, #tpu.memory_space<vmem>>
        %dma_wait3A_536 = tpu.memref_squeeze %dma_wait3A_535 : memref<1x64xi32, #tpu.memory_space<vmem>> -> memref<64xi32, #tpu.memory_space<vmem>>
        %dma_wait3A_537 = arith.constant 0 : i32
        %dma_wait3A_538 = tpu.memref_slice %arg5[%dma_wait3A_537] : memref<327680xi32, #tpu.memory_space<hbm>> -> memref<64xi32, #tpu.memory_space<hbm>>
        %dma_wait3A_539 = tpu.memref_slice %arg20[%dma_wait3A_533] : memref<4x!tpu.dma_semaphore, #tpu.memory_space<semaphore_mem>> -> memref<1x!tpu.dma_semaphore, #tpu.memory_space<semaphore_mem>>
        %dma_wait3A_540 = tpu.memref_squeeze %dma_wait3A_539 : memref<1x!tpu.dma_semaphore, #tpu.memory_space<semaphore_mem>> -> memref<!tpu.dma_semaphore, #tpu.memory_space<semaphore_mem>>
        %dma_wait3A_541 = arith.constant 0 : i32
        %dma_wait3A_542 = tpu.memref_slice %arg12[%dma_wait3A_532, %dma_wait3A_541] : memref<4x64xi32, #tpu.memory_space<vmem>> -> memref<1x64xi32, #tpu.memory_space<vmem>>
        %dma_wait3A_543 = tpu.memref_squeeze %dma_wait3A_542 : memref<1x64xi32, #tpu.memory_space<vmem>> -> memref<64xi32, #tpu.memory_space<vmem>>
        %dma_wait3A_544 = arith.constant 0 : i32
        %dma_wait3A_545 = tpu.memref_slice %arg5[%dma_wait3A_544] : memref<327680xi32, #tpu.memory_space<hbm>> -> memref<64xi32, #tpu.memory_space<hbm>>
        tpu.wait_dma2 semaphore(%dma_wait3A_540 : memref<!tpu.dma_semaphore, #tpu.memory_space<semaphore_mem>>) src(%dma_wait3A_545 : memref<64xi32, #tpu.memory_space<hbm>>) dst(%dma_wait3A_543 : memref<64xi32, #tpu.memory_space<vmem>>)
        %dma_wait3A_546 = arith.constant 3 : i32
        %dma_wait3A_547 = arith.constant 3 : i32
        %dma_wait3A_548 = arith.constant 0 : i32
        %dma_wait3A_549 = tpu.memref_slice %arg13[%dma_wait3A_546, %dma_wait3A_548] : memref<4x64xi32, #tpu.memory_space<vmem>> -> memref<1x64xi32, #tpu.memory_space<vmem>>
        %dma_wait3A_550 = tpu.memref_squeeze %dma_wait3A_549 : memref<1x64xi32, #tpu.memory_space<vmem>> -> memref<64xi32, #tpu.memory_space<vmem>>
        %dma_wait3A_551 = arith.constant 0 : i32
        %dma_wait3A_552 = tpu.memref_slice %arg6[%dma_wait3A_551] : memref<327680xi32, #tpu.memory_space<hbm>> -> memref<64xi32, #tpu.memory_space<hbm>>
        %dma_wait3A_553 = tpu.memref_slice %arg20[%dma_wait3A_547] : memref<4x!tpu.dma_semaphore, #tpu.memory_space<semaphore_mem>> -> memref<1x!tpu.dma_semaphore, #tpu.memory_space<semaphore_mem>>
        %dma_wait3A_554 = tpu.memref_squeeze %dma_wait3A_553 : memref<1x!tpu.dma_semaphore, #tpu.memory_space<semaphore_mem>> -> memref<!tpu.dma_semaphore, #tpu.memory_space<semaphore_mem>>
        %dma_wait3A_555 = arith.constant 0 : i32
        %dma_wait3A_556 = tpu.memref_slice %arg13[%dma_wait3A_546, %dma_wait3A_555] : memref<4x64xi32, #tpu.memory_space<vmem>> -> memref<1x64xi32, #tpu.memory_space<vmem>>
        %dma_wait3A_557 = tpu.memref_squeeze %dma_wait3A_556 : memref<1x64xi32, #tpu.memory_space<vmem>> -> memref<64xi32, #tpu.memory_space<vmem>>
        %dma_wait3A_558 = arith.constant 0 : i32
        %dma_wait3A_559 = tpu.memref_slice %arg6[%dma_wait3A_558] : memref<327680xi32, #tpu.memory_space<hbm>> -> memref<64xi32, #tpu.memory_space<hbm>>
        tpu.wait_dma2 semaphore(%dma_wait3A_554 : memref<!tpu.dma_semaphore, #tpu.memory_space<semaphore_mem>>) src(%dma_wait3A_559 : memref<64xi32, #tpu.memory_space<hbm>>) dst(%dma_wait3A_557 : memref<64xi32, #tpu.memory_space<vmem>>)
        %dma_start3A_560 = arith.constant 3 : i32
        %dma_start3A_561 = arith.constant 1 : i32
        %dma_start3A_562 = arith.constant 1 : i32
        %dma_start3A_563 = arith.constant 0 : i32
        %dma_start3A_564 = arith.constant 0 : i32
        %dma_start3A_565 = tpu.memref_slice %arg14[%dma_start3A_561, %dma_start3A_563, %dma_start3A_564] : memref<2x64x128xf32, #tpu.memory_space<vmem>> -> memref<1x64x128xf32, #tpu.memory_space<vmem>>
        %dma_start3A_566 = tpu.memref_squeeze %dma_start3A_565 : memref<1x64x128xf32, #tpu.memory_space<vmem>> -> memref<64x128xf32, #tpu.memory_space<vmem>>
        %dma_start3A_567 = arith.constant 0 : i32
        %dma_start3A_568 = tpu.memref_slice %arg11[%dma_start3A_560, %dma_start3A_567] : memref<4x64xi32, #tpu.memory_space<vmem>> -> memref<1x64xi32, #tpu.memory_space<vmem>>
        %dma_start3A_569 = tpu.memref_squeeze %dma_start3A_568 : memref<1x64xi32, #tpu.memory_space<vmem>> -> memref<64xi32, #tpu.memory_space<vmem>>
        %dma_start3A_570 = arith.constant 0 : i32
        %dma_start3A_571 = arith.constant 0 : i32
        %dma_start3A_572 = tpu.memref_slice %arg2[%dma_start3A_570, %dma_start3A_571] : memref<10000x128xf32, #tpu.memory_space<hbm>> -> memref<10000x128xf32, #tpu.memory_space<hbm>>
        %dma_start3A_573 = tpu.memref_slice %arg21[%dma_start3A_562] : memref<2x!tpu.dma_semaphore, #tpu.memory_space<semaphore_mem>> -> memref<1x!tpu.dma_semaphore, #tpu.memory_space<semaphore_mem>>
        %dma_start3A_574 = tpu.memref_squeeze %dma_start3A_573 : memref<1x!tpu.dma_semaphore, #tpu.memory_space<semaphore_mem>> -> memref<!tpu.dma_semaphore, #tpu.memory_space<semaphore_mem>>
        tpu.enqueue_indirect_dma source(%dma_start3A_572 : memref<10000x128xf32, #tpu.memory_space<hbm>>) target(%dma_start3A_566 : memref<64x128xf32, #tpu.memory_space<vmem>>) offsets(%dma_start3A_569 : memref<64xi32, #tpu.memory_space<vmem>>) semaphore(%dma_start3A_574 : memref<!tpu.dma_semaphore, #tpu.memory_space<semaphore_mem>>)
      } else {
      }
      %dma_start3A_377 = arith.constant 2 : i32
      %dma_start3A_378 = arith.constant 0 : i32
      %dma_start3A_379 = tpu.memref_slice %arg13[%dma_start3A_377, %dma_start3A_378] : memref<4x64xi32, #tpu.memory_space<vmem>> -> memref<1x64xi32, #tpu.memory_space<vmem>>
      %dma_start3A_380 = tpu.memref_squeeze %dma_start3A_379 : memref<1x64xi32, #tpu.memory_space<vmem>> -> memref<64xi32, #tpu.memory_space<vmem>>
      %dma_start3A_381 = arith.constant 0 : i32
      %dma_start3A_382 = arith.constant 0 : i32
      %dma_start3A_383 = tpu.memref_slice %arg19[%dma_start3A_381, %dma_start3A_382] : memref<200x128xf32, #tpu.memory_space<vmem_shared>> -> memref<200x128xf32, #tpu.memory_space<vmem_shared>>
      tpu.enqueue_indirect_dma source(%dma_start3A_383 : memref<200x128xf32, #tpu.memory_space<vmem_shared>>) target(%arg15 : memref<64x128xf32, #tpu.memory_space<vmem>>) offsets(%dma_start3A_380 : memref<64xi32, #tpu.memory_space<vmem>>) semaphore(%arg24 : memref<!tpu.dma_semaphore, #tpu.memory_space<semaphore_mem>>)
      %dma_wait3A_384 = arith.constant 0 : i32
      %dma_wait3A_385 = arith.constant 0 : i32
      %dma_wait3A_386 = arith.constant 0 : i32
      %dma_wait3A_387 = arith.constant 0 : i32
      %dma_wait3A_388 = arith.constant 0 : i32
      %dma_wait3A_389 = tpu.memref_slice %arg14[%dma_wait3A_385, %dma_wait3A_387, %dma_wait3A_388] : memref<2x64x128xf32, #tpu.memory_space<vmem>> -> memref<1x64x128xf32, #tpu.memory_space<vmem>>
      %dma_wait3A_390 = tpu.memref_squeeze %dma_wait3A_389 : memref<1x64x128xf32, #tpu.memory_space<vmem>> -> memref<64x128xf32, #tpu.memory_space<vmem>>
      %dma_wait3A_391 = arith.constant 0 : i32
      %dma_wait3A_392 = tpu.memref_slice %arg11[%dma_wait3A_384, %dma_wait3A_391] : memref<4x64xi32, #tpu.memory_space<vmem>> -> memref<1x64xi32, #tpu.memory_space<vmem>>
      %dma_wait3A_393 = tpu.memref_squeeze %dma_wait3A_392 : memref<1x64xi32, #tpu.memory_space<vmem>> -> memref<64xi32, #tpu.memory_space<vmem>>
      %dma_wait3A_394 = arith.constant 0 : i32
      %dma_wait3A_395 = arith.constant 0 : i32
      %dma_wait3A_396 = tpu.memref_slice %arg2[%dma_wait3A_394, %dma_wait3A_395] : memref<10000x128xf32, #tpu.memory_space<hbm>> -> memref<10000x128xf32, #tpu.memory_space<hbm>>
      %dma_wait3A_397 = tpu.memref_slice %arg21[%dma_wait3A_386] : memref<2x!tpu.dma_semaphore, #tpu.memory_space<semaphore_mem>> -> memref<1x!tpu.dma_semaphore, #tpu.memory_space<semaphore_mem>>
      %dma_wait3A_398 = tpu.memref_squeeze %dma_wait3A_397 : memref<1x!tpu.dma_semaphore, #tpu.memory_space<semaphore_mem>> -> memref<!tpu.dma_semaphore, #tpu.memory_space<semaphore_mem>>
      tpu.wait_indirect_dma semaphore(%dma_wait3A_398 : memref<!tpu.dma_semaphore, #tpu.memory_space<semaphore_mem>>) src(%dma_wait3A_396 : memref<10000x128xf32, #tpu.memory_space<hbm>>) dst(%dma_wait3A_390 : memref<64x128xf32, #tpu.memory_space<vmem>>)
      %dma_wait3A_399 = arith.constant 0 : i32
      %dma_wait3A_400 = arith.constant 0 : i32
      %dma_wait3A_401 = tpu.memref_slice %arg13[%dma_wait3A_399, %dma_wait3A_400] : memref<4x64xi32, #tpu.memory_space<vmem>> -> memref<1x64xi32, #tpu.memory_space<vmem>>
      %dma_wait3A_402 = tpu.memref_squeeze %dma_wait3A_401 : memref<1x64xi32, #tpu.memory_space<vmem>> -> memref<64xi32, #tpu.memory_space<vmem>>
      %dma_wait3A_403 = arith.constant 0 : i32
      %dma_wait3A_404 = arith.constant 0 : i32
      %dma_wait3A_405 = tpu.memref_slice %arg19[%dma_wait3A_403, %dma_wait3A_404] : memref<200x128xf32, #tpu.memory_space<vmem_shared>> -> memref<200x128xf32, #tpu.memory_space<vmem_shared>>
      tpu.wait_indirect_dma semaphore(%arg24 : memref<!tpu.dma_semaphore, #tpu.memory_space<semaphore_mem>>) src(%dma_wait3A_405 : memref<200x128xf32, #tpu.memory_space<vmem_shared>>) dst(%arg15 : memref<64x128xf32, #tpu.memory_space<vmem>>)
      %scan3A_406 = arith.constant 0 : i32
      %scan3A_407 = arith.constant 0 : i32
      %scan3A_408 = arith.constant 64 : i32
      %scan3A_409 = arith.addi %scan3A_407, %scan3A_408 : i32
      %scan3A_410 = arith.constant 1 : i32
      scf.for %scan3A_518 = %scan3A_407 to %scan3A_409 step %scan3A_410  : i32 {
        %get3A = arith.constant 0 : i32
        %get3A_519 = arith.index_cast %get3A : i32 to index
        %get3A_520 = arith.index_cast %scan3A_518 : i32 to index
        %get3A_521 = arith.constant 0 : index
        %get3A_522 = tpu.vector_load %arg14[%get3A_519, %get3A_520, %get3A_521] {strides = array<i32>} : memref<2x64x128xf32, #tpu.memory_space<vmem>>, vector<1x1x16xf32>,
        %get3A_523 = vector.shape_cast %get3A_522 : vector<1x1x16xf32> to vector<16xf32>
        %get3A_524 = arith.index_cast %scan3A_518 : i32 to index
        %get3A_525 = arith.constant 0 : index
        %get3A_526 = tpu.vector_load %arg15[%get3A_524, %get3A_525] {strides = array<i32>} : memref<64x128xf32, #tpu.memory_space<vmem>>, vector<1x16xf32>,
        %get3A_527 = vector.shape_cast %get3A_526 : vector<1x16xf32> to vector<16xf32>
        %add3A_528 = arith.addf %get3A_523, %get3A_527 : vector<16xf32>
        %swap3A = arith.constant 0 : i32
        %swap3A_529 = arith.index_cast %swap3A : i32 to index
        %swap3A_530 = arith.index_cast %scan3A_518 : i32 to index
        %swap3A_531 = arith.constant 0 : index
        %swap3A_532 = tpu.vector_load %arg14[%swap3A_529, %swap3A_530, %swap3A_531] {strides = array<i32>} : memref<2x64x128xf32, #tpu.memory_space<vmem>>, vector<1x1x16xf32>,
        %swap3A_533 = vector.shape_cast %swap3A_532 : vector<1x1x16xf32> to vector<16xf32>
        %swap3A_534 = vector.shape_cast %add3A_528 : vector<16xf32> to vector<1x1x16xf32>
        tpu.vector_store %arg14[%swap3A_529, %swap3A_530, %swap3A_531], %swap3A_534 {strides = array<i32>} : memref<2x64x128xf32, #tpu.memory_space<vmem>>, vector<1x1x16xf32>,
        %get3A_535 = arith.constant 0 : i32
        %get3A_536 = arith.index_cast %get3A_535 : i32 to index
        %get3A_537 = arith.index_cast %scan3A_518 : i32 to index
        %get3A_538 = arith.constant 16 : index
        %get3A_539 = tpu.vector_load %arg14[%get3A_536, %get3A_537, %get3A_538] {strides = array<i32>} : memref<2x64x128xf32, #tpu.memory_space<vmem>>, vector<1x1x16xf32>,
        %get3A_540 = vector.shape_cast %get3A_539 : vector<1x1x16xf32> to vector<16xf32>
        %get3A_541 = arith.index_cast %scan3A_518 : i32 to index
        %get3A_542 = arith.constant 16 : index
        %get3A_543 = tpu.vector_load %arg15[%get3A_541, %get3A_542] {strides = array<i32>} : memref<64x128xf32, #tpu.memory_space<vmem>>, vector<1x16xf32>,
        %get3A_544 = vector.shape_cast %get3A_543 : vector<1x16xf32> to vector<16xf32>
        %add3A_545 = arith.addf %get3A_540, %get3A_544 : vector<16xf32>
        %swap3A_546 = arith.constant 0 : i32
        %swap3A_547 = arith.index_cast %swap3A_546 : i32 to index
        %swap3A_548 = arith.index_cast %scan3A_518 : i32 to index
        %swap3A_549 = arith.constant 16 : index
        %swap3A_550 = tpu.vector_load %arg14[%swap3A_547, %swap3A_548, %swap3A_549] {strides = array<i32>} : memref<2x64x128xf32, #tpu.memory_space<vmem>>, vector<1x1x16xf32>,
        %swap3A_551 = vector.shape_cast %swap3A_550 : vector<1x1x16xf32> to vector<16xf32>
        %swap3A_552 = vector.shape_cast %add3A_545 : vector<16xf32> to vector<1x1x16xf32>
        tpu.vector_store %arg14[%swap3A_547, %swap3A_548, %swap3A_549], %swap3A_552 {strides = array<i32>} : memref<2x64x128xf32, #tpu.memory_space<vmem>>, vector<1x1x16xf32>,
        %get3A_553 = arith.constant 0 : i32
        %get3A_554 = arith.index_cast %get3A_553 : i32 to index
        %get3A_555 = arith.index_cast %scan3A_518 : i32 to index
        %get3A_556 = arith.constant 32 : index
        %get3A_557 = tpu.vector_load %arg14[%get3A_554, %get3A_555, %get3A_556] {strides = array<i32>} : memref<2x64x128xf32, #tpu.memory_space<vmem>>, vector<1x1x16xf32>,
        %get3A_558 = vector.shape_cast %get3A_557 : vector<1x1x16xf32> to vector<16xf32>
        %get3A_559 = arith.index_cast %scan3A_518 : i32 to index
        %get3A_560 = arith.constant 32 : index
        %get3A_561 = tpu.vector_load %arg15[%get3A_559, %get3A_560] {strides = array<i32>} : memref<64x128xf32, #tpu.memory_space<vmem>>, vector<1x16xf32>,
        %get3A_562 = vector.shape_cast %get3A_561 : vector<1x16xf32> to vector<16xf32>
        %add3A_563 = arith.addf %get3A_558, %get3A_562 : vector<16xf32>
        %swap3A_564 = arith.constant 0 : i32
        %swap3A_565 = arith.index_cast %swap3A_564 : i32 to index
        %swap3A_566 = arith.index_cast %scan3A_518 : i32 to index
        %swap3A_567 = arith.constant 32 : index
        %swap3A_568 = tpu.vector_load %arg14[%swap3A_565, %swap3A_566, %swap3A_567] {strides = array<i32>} : memref<2x64x128xf32, #tpu.memory_space<vmem>>, vector<1x1x16xf32>,
        %swap3A_569 = vector.shape_cast %swap3A_568 : vector<1x1x16xf32> to vector<16xf32>
        %swap3A_570 = vector.shape_cast %add3A_563 : vector<16xf32> to vector<1x1x16xf32>
        tpu.vector_store %arg14[%swap3A_565, %swap3A_566, %swap3A_567], %swap3A_570 {strides = array<i32>} : memref<2x64x128xf32, #tpu.memory_space<vmem>>, vector<1x1x16xf32>,
        %get3A_571 = arith.constant 0 : i32
        %get3A_572 = arith.index_cast %get3A_571 : i32 to index
        %get3A_573 = arith.index_cast %scan3A_518 : i32 to index
        %get3A_574 = arith.constant 48 : index
        %get3A_575 = tpu.vector_load %arg14[%get3A_572, %get3A_573, %get3A_574] {strides = array<i32>} : memref<2x64x128xf32, #tpu.memory_space<vmem>>, vector<1x1x16xf32>,
        %get3A_576 = vector.shape_cast %get3A_575 : vector<1x1x16xf32> to vector<16xf32>
        %get3A_577 = arith.index_cast %scan3A_518 : i32 to index
        %get3A_578 = arith.constant 48 : index
        %get3A_579 = tpu.vector_load %arg15[%get3A_577, %get3A_578] {strides = array<i32>} : memref<64x128xf32, #tpu.memory_space<vmem>>, vector<1x16xf32>,
        %get3A_580 = vector.shape_cast %get3A_579 : vector<1x16xf32> to vector<16xf32>
        %add3A_581 = arith.addf %get3A_576, %get3A_580 : vector<16xf32>
        %swap3A_582 = arith.constant 0 : i32
        %swap3A_583 = arith.index_cast %swap3A_582 : i32 to index
        %swap3A_584 = arith.index_cast %scan3A_518 : i32 to index
        %swap3A_585 = arith.constant 48 : index
        %swap3A_586 = tpu.vector_load %arg14[%swap3A_583, %swap3A_584, %swap3A_585] {strides = array<i32>} : memref<2x64x128xf32, #tpu.memory_space<vmem>>, vector<1x1x16xf32>,
        %swap3A_587 = vector.shape_cast %swap3A_586 : vector<1x1x16xf32> to vector<16xf32>
        %swap3A_588 = vector.shape_cast %add3A_581 : vector<16xf32> to vector<1x1x16xf32>
        tpu.vector_store %arg14[%swap3A_583, %swap3A_584, %swap3A_585], %swap3A_588 {strides = array<i32>} : memref<2x64x128xf32, #tpu.memory_space<vmem>>, vector<1x1x16xf32>,
        %get3A_589 = arith.constant 0 : i32
        %get3A_590 = arith.index_cast %get3A_589 : i32 to index
        %get3A_591 = arith.index_cast %scan3A_518 : i32 to index
        %get3A_592 = arith.constant 64 : index
        %get3A_593 = tpu.vector_load %arg14[%get3A_590, %get3A_591, %get3A_592] {strides = array<i32>} : memref<2x64x128xf32, #tpu.memory_space<vmem>>, vector<1x1x16xf32>,
        %get3A_594 = vector.shape_cast %get3A_593 : vector<1x1x16xf32> to vector<16xf32>
        %get3A_595 = arith.index_cast %scan3A_518 : i32 to index
        %get3A_596 = arith.constant 64 : index
        %get3A_597 = tpu.vector_load %arg15[%get3A_595, %get3A_596] {strides = array<i32>} : memref<64x128xf32, #tpu.memory_space<vmem>>, vector<1x16xf32>,
        %get3A_598 = vector.shape_cast %get3A_597 : vector<1x16xf32> to vector<16xf32>
        %add3A_599 = arith.addf %get3A_594, %get3A_598 : vector<16xf32>
        %swap3A_600 = arith.constant 0 : i32
        %swap3A_601 = arith.index_cast %swap3A_600 : i32 to index
        %swap3A_602 = arith.index_cast %scan3A_518 : i32 to index
        %swap3A_603 = arith.constant 64 : index
        %swap3A_604 = tpu.vector_load %arg14[%swap3A_601, %swap3A_602, %swap3A_603] {strides = array<i32>} : memref<2x64x128xf32, #tpu.memory_space<vmem>>, vector<1x1x16xf32>,
        %swap3A_605 = vector.shape_cast %swap3A_604 : vector<1x1x16xf32> to vector<16xf32>
        %swap3A_606 = vector.shape_cast %add3A_599 : vector<16xf32> to vector<1x1x16xf32>
        tpu.vector_store %arg14[%swap3A_601, %swap3A_602, %swap3A_603], %swap3A_606 {strides = array<i32>} : memref<2x64x128xf32, #tpu.memory_space<vmem>>, vector<1x1x16xf32>,
        %get3A_607 = arith.constant 0 : i32
        %get3A_608 = arith.index_cast %get3A_607 : i32 to index
        %get3A_609 = arith.index_cast %scan3A_518 : i32 to index
        %get3A_610 = arith.constant 80 : index
        %get3A_611 = tpu.vector_load %arg14[%get3A_608, %get3A_609, %get3A_610] {strides = array<i32>} : memref<2x64x128xf32, #tpu.memory_space<vmem>>, vector<1x1x16xf32>,
        %get3A_612 = vector.shape_cast %get3A_611 : vector<1x1x16xf32> to vector<16xf32>
        %get3A_613 = arith.index_cast %scan3A_518 : i32 to index
        %get3A_614 = arith.constant 80 : index
        %get3A_615 = tpu.vector_load %arg15[%get3A_613, %get3A_614] {strides = array<i32>} : memref<64x128xf32, #tpu.memory_space<vmem>>, vector<1x16xf32>,
        %get3A_616 = vector.shape_cast %get3A_615 : vector<1x16xf32> to vector<16xf32>
        %add3A_617 = arith.addf %get3A_612, %get3A_616 : vector<16xf32>
        %swap3A_618 = arith.constant 0 : i32
        %swap3A_619 = arith.index_cast %swap3A_618 : i32 to index
        %swap3A_620 = arith.index_cast %scan3A_518 : i32 to index
        %swap3A_621 = arith.constant 80 : index
        %swap3A_622 = tpu.vector_load %arg14[%swap3A_619, %swap3A_620, %swap3A_621] {strides = array<i32>} : memref<2x64x128xf32, #tpu.memory_space<vmem>>, vector<1x1x16xf32>,
        %swap3A_623 = vector.shape_cast %swap3A_622 : vector<1x1x16xf32> to vector<16xf32>
        %swap3A_624 = vector.shape_cast %add3A_617 : vector<16xf32> to vector<1x1x16xf32>
        tpu.vector_store %arg14[%swap3A_619, %swap3A_620, %swap3A_621], %swap3A_624 {strides = array<i32>} : memref<2x64x128xf32, #tpu.memory_space<vmem>>, vector<1x1x16xf32>,
        %get3A_625 = arith.constant 0 : i32
        %get3A_626 = arith.index_cast %get3A_625 : i32 to index
        %get3A_627 = arith.index_cast %scan3A_518 : i32 to index
        %get3A_628 = arith.constant 96 : index
        %get3A_629 = tpu.vector_load %arg14[%get3A_626, %get3A_627, %get3A_628] {strides = array<i32>} : memref<2x64x128xf32, #tpu.memory_space<vmem>>, vector<1x1x16xf32>,
        %get3A_630 = vector.shape_cast %get3A_629 : vector<1x1x16xf32> to vector<16xf32>
        %get3A_631 = arith.index_cast %scan3A_518 : i32 to index
        %get3A_632 = arith.constant 96 : index
        %get3A_633 = tpu.vector_load %arg15[%get3A_631, %get3A_632] {strides = array<i32>} : memref<64x128xf32, #tpu.memory_space<vmem>>, vector<1x16xf32>,
        %get3A_634 = vector.shape_cast %get3A_633 : vector<1x16xf32> to vector<16xf32>
        %add3A_635 = arith.addf %get3A_630, %get3A_634 : vector<16xf32>
        %swap3A_636 = arith.constant 0 : i32
        %swap3A_637 = arith.index_cast %swap3A_636 : i32 to index
        %swap3A_638 = arith.index_cast %scan3A_518 : i32 to index
        %swap3A_639 = arith.constant 96 : index
        %swap3A_640 = tpu.vector_load %arg14[%swap3A_637, %swap3A_638, %swap3A_639] {strides = array<i32>} : memref<2x64x128xf32, #tpu.memory_space<vmem>>, vector<1x1x16xf32>,
        %swap3A_641 = vector.shape_cast %swap3A_640 : vector<1x1x16xf32> to vector<16xf32>
        %swap3A_642 = vector.shape_cast %add3A_635 : vector<16xf32> to vector<1x1x16xf32>
        tpu.vector_store %arg14[%swap3A_637, %swap3A_638, %swap3A_639], %swap3A_642 {strides = array<i32>} : memref<2x64x128xf32, #tpu.memory_space<vmem>>, vector<1x1x16xf32>,
        %get3A_643 = arith.constant 0 : i32
        %get3A_644 = arith.index_cast %get3A_643 : i32 to index
        %get3A_645 = arith.index_cast %scan3A_518 : i32 to index
        %get3A_646 = arith.constant 112 : index
        %get3A_647 = tpu.vector_load %arg14[%get3A_644, %get3A_645, %get3A_646] {strides = array<i32>} : memref<2x64x128xf32, #tpu.memory_space<vmem>>, vector<1x1x16xf32>,
        %get3A_648 = vector.shape_cast %get3A_647 : vector<1x1x16xf32> to vector<16xf32>
        %get3A_649 = arith.index_cast %scan3A_518 : i32 to index
        %get3A_650 = arith.constant 112 : index
        %get3A_651 = tpu.vector_load %arg15[%get3A_649, %get3A_650] {strides = array<i32>} : memref<64x128xf32, #tpu.memory_space<vmem>>, vector<1x16xf32>,
        %get3A_652 = vector.shape_cast %get3A_651 : vector<1x16xf32> to vector<16xf32>
        %add3A_653 = arith.addf %get3A_648, %get3A_652 : vector<16xf32>
        %swap3A_654 = arith.constant 0 : i32
        %swap3A_655 = arith.index_cast %swap3A_654 : i32 to index
        %swap3A_656 = arith.index_cast %scan3A_518 : i32 to index
        %swap3A_657 = arith.constant 112 : index
        %swap3A_658 = tpu.vector_load %arg14[%swap3A_655, %swap3A_656, %swap3A_657] {strides = array<i32>} : memref<2x64x128xf32, #tpu.memory_space<vmem>>, vector<1x1x16xf32>,
        %swap3A_659 = vector.shape_cast %swap3A_658 : vector<1x1x16xf32> to vector<16xf32>
        %swap3A_660 = vector.shape_cast %add3A_653 : vector<16xf32> to vector<1x1x16xf32>
        tpu.vector_store %arg14[%swap3A_655, %swap3A_656, %swap3A_657], %swap3A_660 {strides = array<i32>} : memref<2x64x128xf32, #tpu.memory_space<vmem>>, vector<1x1x16xf32>,
      }
      %scan3A_411 = arith.constant 64 : i32
      %dma_start3A_412 = arith.constant 0 : i32
      %dma_start3A_413 = arith.constant 2 : i32
      %dma_start3A_414 = arith.constant 0 : i32
      %dma_start3A_415 = arith.constant 0 : i32
      %dma_start3A_416 = arith.constant 0 : i32
      %dma_start3A_417 = tpu.memref_slice %arg14[%dma_start3A_412, %dma_start3A_415, %dma_start3A_416] : memref<2x64x128xf32, #tpu.memory_space<vmem>> -> memref<1x64x128xf32, #tpu.memory_space<vmem>>
      %dma_start3A_418 = tpu.memref_squeeze %dma_start3A_417 : memref<1x64x128xf32, #tpu.memory_space<vmem>> -> memref<64x128xf32, #tpu.memory_space<vmem>>
      %dma_start3A_419 = arith.constant 0 : i32
      %dma_start3A_420 = tpu.memref_slice %arg12[%dma_start3A_413, %dma_start3A_419] : memref<4x64xi32, #tpu.memory_space<vmem>> -> memref<1x64xi32, #tpu.memory_space<vmem>>
      %dma_start3A_421 = tpu.memref_squeeze %dma_start3A_420 : memref<1x64xi32, #tpu.memory_space<vmem>> -> memref<64xi32, #tpu.memory_space<vmem>>
      %dma_start3A_422 = arith.constant 0 : i32
      %dma_start3A_423 = arith.constant 0 : i32
      %dma_start3A_424 = tpu.memref_slice %arg17[%dma_start3A_422, %dma_start3A_423] : memref<10112x128xf32, #tpu.memory_space<vmem_shared>> -> memref<10112x128xf32, #tpu.memory_space<vmem_shared>>
      %dma_start3A_425 = tpu.memref_slice %arg22[%dma_start3A_414] : memref<2x!tpu.dma_semaphore, #tpu.memory_space<semaphore_mem>> -> memref<1x!tpu.dma_semaphore, #tpu.memory_space<semaphore_mem>>
      %dma_start3A_426 = tpu.memref_squeeze %dma_start3A_425 : memref<1x!tpu.dma_semaphore, #tpu.memory_space<semaphore_mem>> -> memref<!tpu.dma_semaphore, #tpu.memory_space<semaphore_mem>>
      tpu.enqueue_indirect_dma source(%dma_start3A_418 : memref<64x128xf32, #tpu.memory_space<vmem>>) target(%dma_start3A_424 : memref<10112x128xf32, #tpu.memory_space<vmem_shared>>) offsets(%dma_start3A_421 : memref<64xi32, #tpu.memory_space<vmem>>) semaphore(%dma_start3A_426 : memref<!tpu.dma_semaphore, #tpu.memory_space<semaphore_mem>>) {add = true}
      %dma_start3A_427 = arith.constant 2 : i32
      %dma_start3A_428 = arith.constant 0 : i32
      %dma_start3A_429 = arith.constant 0 : i32
      %dma_start3A_430 = tpu.memref_slice %arg12[%dma_start3A_427, %dma_start3A_429] : memref<4x64xi32, #tpu.memory_space<vmem>> -> memref<1x64xi32, #tpu.memory_space<vmem>>
      %dma_start3A_431 = tpu.memref_squeeze %dma_start3A_430 : memref<1x64xi32, #tpu.memory_space<vmem>> -> memref<64xi32, #tpu.memory_space<vmem>>
      %dma_start3A_432 = arith.constant 0 : i32
      %dma_start3A_433 = tpu.memref_slice %arg18[%dma_start3A_432] : memref<12288xf32, #tpu.memory_space<vmem_shared>> -> memref<12288xf32, #tpu.memory_space<vmem_shared>>
      %dma_start3A_434 = tpu.memref_slice %arg23[%dma_start3A_428] : memref<2x!tpu.dma_semaphore, #tpu.memory_space<semaphore_mem>> -> memref<1x!tpu.dma_semaphore, #tpu.memory_space<semaphore_mem>>
      %dma_start3A_435 = tpu.memref_squeeze %dma_start3A_434 : memref<1x!tpu.dma_semaphore, #tpu.memory_space<semaphore_mem>> -> memref<!tpu.dma_semaphore, #tpu.memory_space<semaphore_mem>>
      tpu.enqueue_indirect_dma source(%arg16 : memref<64xf32, #tpu.memory_space<vmem>>) target(%dma_start3A_433 : memref<12288xf32, #tpu.memory_space<vmem_shared>>) offsets(%dma_start3A_431 : memref<64xi32, #tpu.memory_space<vmem>>) semaphore(%dma_start3A_435 : memref<!tpu.dma_semaphore, #tpu.memory_space<semaphore_mem>>) {add = true}
      %mul3A_436 = arith.constant 4 : i32
      %mul3A_437 = arith.muli %scan3A_191, %mul3A_436 : i32
      %add3A_438 = arith.constant 3 : i32
      %add3A_439 = arith.addi %mul3A_437, %add3A_438 : i32
      %gt3A_440 = arith.constant 0 : i32
      %gt3A_441 = arith.cmpi sgt, %add3A_439, %gt3A_440 : i32
      %convert_element_type3A_442 = arith.extui %gt3A_441 : i1 to i32
      %cond3A_443 = arith.constant 0 : i32
      %cond3A_444 = arith.cmpi ne, %convert_element_type3A_442, %cond3A_443 : i32
      scf.if %cond3A_444 {
        %dma_wait3A_518 = arith.constant 0 : i32
        %dma_wait3A_519 = arith.constant 0 : i32
        %dma_wait3A_520 = arith.constant 0 : i32
        %dma_wait3A_521 = arith.constant 0 : i32
        %dma_wait3A_522 = arith.constant 0 : i32
        %dma_wait3A_523 = tpu.memref_slice %arg14[%dma_wait3A_518, %dma_wait3A_521, %dma_wait3A_522] : memref<2x64x128xf32, #tpu.memory_space<vmem>> -> memref<1x64x128xf32, #tpu.memory_space<vmem>>
        %dma_wait3A_524 = tpu.memref_squeeze %dma_wait3A_523 : memref<1x64x128xf32, #tpu.memory_space<vmem>> -> memref<64x128xf32, #tpu.memory_space<vmem>>
        %dma_wait3A_525 = arith.constant 0 : i32
        %dma_wait3A_526 = tpu.memref_slice %arg12[%dma_wait3A_519, %dma_wait3A_525] : memref<4x64xi32, #tpu.memory_space<vmem>> -> memref<1x64xi32, #tpu.memory_space<vmem>>
        %dma_wait3A_527 = tpu.memref_squeeze %dma_wait3A_526 : memref<1x64xi32, #tpu.memory_space<vmem>> -> memref<64xi32, #tpu.memory_space<vmem>>
        %dma_wait3A_528 = arith.constant 0 : i32
        %dma_wait3A_529 = arith.constant 0 : i32
        %dma_wait3A_530 = tpu.memref_slice %arg17[%dma_wait3A_528, %dma_wait3A_529] : memref<10112x128xf32, #tpu.memory_space<vmem_shared>> -> memref<10112x128xf32, #tpu.memory_space<vmem_shared>>
        %dma_wait3A_531 = tpu.memref_slice %arg22[%dma_wait3A_520] : memref<2x!tpu.dma_semaphore, #tpu.memory_space<semaphore_mem>> -> memref<1x!tpu.dma_semaphore, #tpu.memory_space<semaphore_mem>>
        %dma_wait3A_532 = tpu.memref_squeeze %dma_wait3A_531 : memref<1x!tpu.dma_semaphore, #tpu.memory_space<semaphore_mem>> -> memref<!tpu.dma_semaphore, #tpu.memory_space<semaphore_mem>>
        tpu.wait_indirect_dma semaphore(%dma_wait3A_532 : memref<!tpu.dma_semaphore, #tpu.memory_space<semaphore_mem>>) src(%dma_wait3A_524 : memref<64x128xf32, #tpu.memory_space<vmem>>) dst(%dma_wait3A_530 : memref<10112x128xf32, #tpu.memory_space<vmem_shared>>)
        %dma_wait3A_533 = arith.constant 0 : i32
        %dma_wait3A_534 = arith.constant 0 : i32
        %dma_wait3A_535 = arith.constant 0 : i32
        %dma_wait3A_536 = tpu.memref_slice %arg12[%dma_wait3A_533, %dma_wait3A_535] : memref<4x64xi32, #tpu.memory_space<vmem>> -> memref<1x64xi32, #tpu.memory_space<vmem>>
        %dma_wait3A_537 = tpu.memref_squeeze %dma_wait3A_536 : memref<1x64xi32, #tpu.memory_space<vmem>> -> memref<64xi32, #tpu.memory_space<vmem>>
        %dma_wait3A_538 = arith.constant 0 : i32
        %dma_wait3A_539 = tpu.memref_slice %arg18[%dma_wait3A_538] : memref<12288xf32, #tpu.memory_space<vmem_shared>> -> memref<12288xf32, #tpu.memory_space<vmem_shared>>
        %dma_wait3A_540 = tpu.memref_slice %arg23[%dma_wait3A_534] : memref<2x!tpu.dma_semaphore, #tpu.memory_space<semaphore_mem>> -> memref<1x!tpu.dma_semaphore, #tpu.memory_space<semaphore_mem>>
        %dma_wait3A_541 = tpu.memref_squeeze %dma_wait3A_540 : memref<1x!tpu.dma_semaphore, #tpu.memory_space<semaphore_mem>> -> memref<!tpu.dma_semaphore, #tpu.memory_space<semaphore_mem>>
        tpu.wait_indirect_dma semaphore(%dma_wait3A_541 : memref<!tpu.dma_semaphore, #tpu.memory_space<semaphore_mem>>) src(%arg16 : memref<64xf32, #tpu.memory_space<vmem>>) dst(%dma_wait3A_539 : memref<12288xf32, #tpu.memory_space<vmem_shared>>)
      } else {
      }
      %add3A_445 = arith.constant 2 : i32
      %add3A_446 = arith.addi %add3A_439, %add3A_445 : i32
      %lt3A_447 = arith.constant 160 : i32
      %lt3A_448 = arith.cmpi slt, %add3A_446, %lt3A_447 : i32
      %convert_element_type3A_449 = arith.extui %lt3A_448 : i1 to i32
      %cond3A_450 = arith.constant 0 : i32
      %cond3A_451 = arith.cmpi ne, %convert_element_type3A_449, %cond3A_450 : i32
      scf.if %cond3A_451 {
        %add3A_518 = arith.constant 2 : i32
        %add3A_519 = arith.addi %add3A_439, %add3A_518 : i32
        %mul3A_520 = arith.constant 10240 : i32
        %mul3A_521 = arith.muli %add3A, %mul3A_520 : i32
        %mul3A_522 = arith.constant 64 : i32
        %mul3A_523 = arith.muli %add3A_519, %mul3A_522 : i32
        %add3A_524 = arith.addi %mul3A_521, %mul3A_523 : i32
        %dma_start3A_525 = arith.constant 1 : i32
        %dma_start3A_526 = arith.constant 1 : i32
        %dma_start3A_527 = arith.constant 0 : i32
        %dma_start3A_528 = tpu.memref_slice %arg11[%dma_start3A_525, %dma_start3A_527] : memref<4x64xi32, #tpu.memory_space<vmem>> -> memref<1x64xi32, #tpu.memory_space<vmem>>
        %dma_start3A_529 = tpu.memref_squeeze %dma_start3A_528 : memref<1x64xi32, #tpu.memory_space<vmem>> -> memref<64xi32, #tpu.memory_space<vmem>>
        %dma_start3A_530 = tpu.memref_slice %arg4[%add3A_524] : memref<327680xi32, #tpu.memory_space<hbm>> -> memref<64xi32, #tpu.memory_space<hbm>>
        %dma_start3A_531 = tpu.memref_slice %arg20[%dma_start3A_526] : memref<4x!tpu.dma_semaphore, #tpu.memory_space<semaphore_mem>> -> memref<1x!tpu.dma_semaphore, #tpu.memory_space<semaphore_mem>>
        %dma_start3A_532 = tpu.memref_squeeze %dma_start3A_531 : memref<1x!tpu.dma_semaphore, #tpu.memory_space<semaphore_mem>> -> memref<!tpu.dma_semaphore, #tpu.memory_space<semaphore_mem>>
        %dma_start3A_533 = arith.constant 0 : i32
        %dma_start3A_534 = tpu.memref_slice %arg11[%dma_start3A_525, %dma_start3A_533] : memref<4x64xi32, #tpu.memory_space<vmem>> -> memref<1x64xi32, #tpu.memory_space<vmem>>
        %dma_start3A_535 = tpu.memref_squeeze %dma_start3A_534 : memref<1x64xi32, #tpu.memory_space<vmem>> -> memref<64xi32, #tpu.memory_space<vmem>>
        %dma_start3A_536 = tpu.memref_slice %arg4[%add3A_524] : memref<327680xi32, #tpu.memory_space<hbm>> -> memref<64xi32, #tpu.memory_space<hbm>>
        tpu.enqueue_dma source(%dma_start3A_536 : memref<64xi32, #tpu.memory_space<hbm>>) target(%dma_start3A_535 : memref<64xi32, #tpu.memory_space<vmem>>) target_semaphore(%dma_start3A_532 : memref<!tpu.dma_semaphore, #tpu.memory_space<semaphore_mem>>)
        %dma_start3A_537 = arith.constant 1 : i32
        %dma_start3A_538 = arith.constant 1 : i32
        %dma_start3A_539 = arith.constant 0 : i32
        %dma_start3A_540 = tpu.memref_slice %arg12[%dma_start3A_537, %dma_start3A_539] : memref<4x64xi32, #tpu.memory_space<vmem>> -> memref<1x64xi32, #tpu.memory_space<vmem>>
        %dma_start3A_541 = tpu.memref_squeeze %dma_start3A_540 : memref<1x64xi32, #tpu.memory_space<vmem>> -> memref<64xi32, #tpu.memory_space<vmem>>
        %dma_start3A_542 = tpu.memref_slice %arg5[%add3A_524] : memref<327680xi32, #tpu.memory_space<hbm>> -> memref<64xi32, #tpu.memory_space<hbm>>
        %dma_start3A_543 = tpu.memref_slice %arg20[%dma_start3A_538] : memref<4x!tpu.dma_semaphore, #tpu.memory_space<semaphore_mem>> -> memref<1x!tpu.dma_semaphore, #tpu.memory_space<semaphore_mem>>
        %dma_start3A_544 = tpu.memref_squeeze %dma_start3A_543 : memref<1x!tpu.dma_semaphore, #tpu.memory_space<semaphore_mem>> -> memref<!tpu.dma_semaphore, #tpu.memory_space<semaphore_mem>>
        %dma_start3A_545 = arith.constant 0 : i32
        %dma_start3A_546 = tpu.memref_slice %arg12[%dma_start3A_537, %dma_start3A_545] : memref<4x64xi32, #tpu.memory_space<vmem>> -> memref<1x64xi32, #tpu.memory_space<vmem>>
        %dma_start3A_547 = tpu.memref_squeeze %dma_start3A_546 : memref<1x64xi32, #tpu.memory_space<vmem>> -> memref<64xi32, #tpu.memory_space<vmem>>
        %dma_start3A_548 = tpu.memref_slice %arg5[%add3A_524] : memref<327680xi32, #tpu.memory_space<hbm>> -> memref<64xi32, #tpu.memory_space<hbm>>
        tpu.enqueue_dma source(%dma_start3A_548 : memref<64xi32, #tpu.memory_space<hbm>>) target(%dma_start3A_547 : memref<64xi32, #tpu.memory_space<vmem>>) target_semaphore(%dma_start3A_544 : memref<!tpu.dma_semaphore, #tpu.memory_space<semaphore_mem>>)
        %dma_start3A_549 = arith.constant 1 : i32
        %dma_start3A_550 = arith.constant 1 : i32
        %dma_start3A_551 = arith.constant 0 : i32
        %dma_start3A_552 = tpu.memref_slice %arg13[%dma_start3A_549, %dma_start3A_551] : memref<4x64xi32, #tpu.memory_space<vmem>> -> memref<1x64xi32, #tpu.memory_space<vmem>>
        %dma_start3A_553 = tpu.memref_squeeze %dma_start3A_552 : memref<1x64xi32, #tpu.memory_space<vmem>> -> memref<64xi32, #tpu.memory_space<vmem>>
        %dma_start3A_554 = tpu.memref_slice %arg6[%add3A_524] : memref<327680xi32, #tpu.memory_space<hbm>> -> memref<64xi32, #tpu.memory_space<hbm>>
        %dma_start3A_555 = tpu.memref_slice %arg20[%dma_start3A_550] : memref<4x!tpu.dma_semaphore, #tpu.memory_space<semaphore_mem>> -> memref<1x!tpu.dma_semaphore, #tpu.memory_space<semaphore_mem>>
        %dma_start3A_556 = tpu.memref_squeeze %dma_start3A_555 : memref<1x!tpu.dma_semaphore, #tpu.memory_space<semaphore_mem>> -> memref<!tpu.dma_semaphore, #tpu.memory_space<semaphore_mem>>
        %dma_start3A_557 = arith.constant 0 : i32
        %dma_start3A_558 = tpu.memref_slice %arg13[%dma_start3A_549, %dma_start3A_557] : memref<4x64xi32, #tpu.memory_space<vmem>> -> memref<1x64xi32, #tpu.memory_space<vmem>>
        %dma_start3A_559 = tpu.memref_squeeze %dma_start3A_558 : memref<1x64xi32, #tpu.memory_space<vmem>> -> memref<64xi32, #tpu.memory_space<vmem>>
        %dma_start3A_560 = tpu.memref_slice %arg6[%add3A_524] : memref<327680xi32, #tpu.memory_space<hbm>> -> memref<64xi32, #tpu.memory_space<hbm>>
        tpu.enqueue_dma source(%dma_start3A_560 : memref<64xi32, #tpu.memory_space<hbm>>) target(%dma_start3A_559 : memref<64xi32, #tpu.memory_space<vmem>>) target_semaphore(%dma_start3A_556 : memref<!tpu.dma_semaphore, #tpu.memory_space<semaphore_mem>>)
      } else {
      }
      %add3A_452 = arith.constant 1 : i32
      %add3A_453 = arith.addi %add3A_439, %add3A_452 : i32
      %lt3A_454 = arith.constant 160 : i32
      %lt3A_455 = arith.cmpi slt, %add3A_453, %lt3A_454 : i32
      %convert_element_type3A_456 = arith.extui %lt3A_455 : i1 to i32
      %cond3A_457 = arith.constant 0 : i32
      %cond3A_458 = arith.cmpi ne, %convert_element_type3A_456, %cond3A_457 : i32
      scf.if %cond3A_458 {
        %dma_wait3A_518 = arith.constant 0 : i32
        %dma_wait3A_519 = arith.constant 0 : i32
        %dma_wait3A_520 = arith.constant 0 : i32
        %dma_wait3A_521 = tpu.memref_slice %arg11[%dma_wait3A_518, %dma_wait3A_520] : memref<4x64xi32, #tpu.memory_space<vmem>> -> memref<1x64xi32, #tpu.memory_space<vmem>>
        %dma_wait3A_522 = tpu.memref_squeeze %dma_wait3A_521 : memref<1x64xi32, #tpu.memory_space<vmem>> -> memref<64xi32, #tpu.memory_space<vmem>>
        %dma_wait3A_523 = arith.constant 0 : i32
        %dma_wait3A_524 = tpu.memref_slice %arg4[%dma_wait3A_523] : memref<327680xi32, #tpu.memory_space<hbm>> -> memref<64xi32, #tpu.memory_space<hbm>>
        %dma_wait3A_525 = tpu.memref_slice %arg20[%dma_wait3A_519] : memref<4x!tpu.dma_semaphore, #tpu.memory_space<semaphore_mem>> -> memref<1x!tpu.dma_semaphore, #tpu.memory_space<semaphore_mem>>
        %dma_wait3A_526 = tpu.memref_squeeze %dma_wait3A_525 : memref<1x!tpu.dma_semaphore, #tpu.memory_space<semaphore_mem>> -> memref<!tpu.dma_semaphore, #tpu.memory_space<semaphore_mem>>
        %dma_wait3A_527 = arith.constant 0 : i32
        %dma_wait3A_528 = tpu.memref_slice %arg11[%dma_wait3A_518, %dma_wait3A_527] : memref<4x64xi32, #tpu.memory_space<vmem>> -> memref<1x64xi32, #tpu.memory_space<vmem>>
        %dma_wait3A_529 = tpu.memref_squeeze %dma_wait3A_528 : memref<1x64xi32, #tpu.memory_space<vmem>> -> memref<64xi32, #tpu.memory_space<vmem>>
        %dma_wait3A_530 = arith.constant 0 : i32
        %dma_wait3A_531 = tpu.memref_slice %arg4[%dma_wait3A_530] : memref<327680xi32, #tpu.memory_space<hbm>> -> memref<64xi32, #tpu.memory_space<hbm>>
        tpu.wait_dma2 semaphore(%dma_wait3A_526 : memref<!tpu.dma_semaphore, #tpu.memory_space<semaphore_mem>>) src(%dma_wait3A_531 : memref<64xi32, #tpu.memory_space<hbm>>) dst(%dma_wait3A_529 : memref<64xi32, #tpu.memory_space<vmem>>)
        %dma_wait3A_532 = arith.constant 0 : i32
        %dma_wait3A_533 = arith.constant 0 : i32
        %dma_wait3A_534 = arith.constant 0 : i32
        %dma_wait3A_535 = tpu.memref_slice %arg12[%dma_wait3A_532, %dma_wait3A_534] : memref<4x64xi32, #tpu.memory_space<vmem>> -> memref<1x64xi32, #tpu.memory_space<vmem>>
        %dma_wait3A_536 = tpu.memref_squeeze %dma_wait3A_535 : memref<1x64xi32, #tpu.memory_space<vmem>> -> memref<64xi32, #tpu.memory_space<vmem>>
        %dma_wait3A_537 = arith.constant 0 : i32
        %dma_wait3A_538 = tpu.memref_slice %arg5[%dma_wait3A_537] : memref<327680xi32, #tpu.memory_space<hbm>> -> memref<64xi32, #tpu.memory_space<hbm>>
        %dma_wait3A_539 = tpu.memref_slice %arg20[%dma_wait3A_533] : memref<4x!tpu.dma_semaphore, #tpu.memory_space<semaphore_mem>> -> memref<1x!tpu.dma_semaphore, #tpu.memory_space<semaphore_mem>>
        %dma_wait3A_540 = tpu.memref_squeeze %dma_wait3A_539 : memref<1x!tpu.dma_semaphore, #tpu.memory_space<semaphore_mem>> -> memref<!tpu.dma_semaphore, #tpu.memory_space<semaphore_mem>>
        %dma_wait3A_541 = arith.constant 0 : i32
        %dma_wait3A_542 = tpu.memref_slice %arg12[%dma_wait3A_532, %dma_wait3A_541] : memref<4x64xi32, #tpu.memory_space<vmem>> -> memref<1x64xi32, #tpu.memory_space<vmem>>
        %dma_wait3A_543 = tpu.memref_squeeze %dma_wait3A_542 : memref<1x64xi32, #tpu.memory_space<vmem>> -> memref<64xi32, #tpu.memory_space<vmem>>
        %dma_wait3A_544 = arith.constant 0 : i32
        %dma_wait3A_545 = tpu.memref_slice %arg5[%dma_wait3A_544] : memref<327680xi32, #tpu.memory_space<hbm>> -> memref<64xi32, #tpu.memory_space<hbm>>
        tpu.wait_dma2 semaphore(%dma_wait3A_540 : memref<!tpu.dma_semaphore, #tpu.memory_space<semaphore_mem>>) src(%dma_wait3A_545 : memref<64xi32, #tpu.memory_space<hbm>>) dst(%dma_wait3A_543 : memref<64xi32, #tpu.memory_space<vmem>>)
        %dma_wait3A_546 = arith.constant 0 : i32
        %dma_wait3A_547 = arith.constant 0 : i32
        %dma_wait3A_548 = arith.constant 0 : i32
        %dma_wait3A_549 = tpu.memref_slice %arg13[%dma_wait3A_546, %dma_wait3A_548] : memref<4x64xi32, #tpu.memory_space<vmem>> -> memref<1x64xi32, #tpu.memory_space<vmem>>
        %dma_wait3A_550 = tpu.memref_squeeze %dma_wait3A_549 : memref<1x64xi32, #tpu.memory_space<vmem>> -> memref<64xi32, #tpu.memory_space<vmem>>
        %dma_wait3A_551 = arith.constant 0 : i32
        %dma_wait3A_552 = tpu.memref_slice %arg6[%dma_wait3A_551] : memref<327680xi32, #tpu.memory_space<hbm>> -> memref<64xi32, #tpu.memory_space<hbm>>
        %dma_wait3A_553 = tpu.memref_slice %arg20[%dma_wait3A_547] : memref<4x!tpu.dma_semaphore, #tpu.memory_space<semaphore_mem>> -> memref<1x!tpu.dma_semaphore, #tpu.memory_space<semaphore_mem>>
        %dma_wait3A_554 = tpu.memref_squeeze %dma_wait3A_553 : memref<1x!tpu.dma_semaphore, #tpu.memory_space<semaphore_mem>> -> memref<!tpu.dma_semaphore, #tpu.memory_space<semaphore_mem>>
        %dma_wait3A_555 = arith.constant 0 : i32
        %dma_wait3A_556 = tpu.memref_slice %arg13[%dma_wait3A_546, %dma_wait3A_555] : memref<4x64xi32, #tpu.memory_space<vmem>> -> memref<1x64xi32, #tpu.memory_space<vmem>>
        %dma_wait3A_557 = tpu.memref_squeeze %dma_wait3A_556 : memref<1x64xi32, #tpu.memory_space<vmem>> -> memref<64xi32, #tpu.memory_space<vmem>>
        %dma_wait3A_558 = arith.constant 0 : i32
        %dma_wait3A_559 = tpu.memref_slice %arg6[%dma_wait3A_558] : memref<327680xi32, #tpu.memory_space<hbm>> -> memref<64xi32, #tpu.memory_space<hbm>>
        tpu.wait_dma2 semaphore(%dma_wait3A_554 : memref<!tpu.dma_semaphore, #tpu.memory_space<semaphore_mem>>) src(%dma_wait3A_559 : memref<64xi32, #tpu.memory_space<hbm>>) dst(%dma_wait3A_557 : memref<64xi32, #tpu.memory_space<vmem>>)
        %dma_start3A_560 = arith.constant 0 : i32
        %dma_start3A_561 = arith.constant 0 : i32
        %dma_start3A_562 = arith.constant 0 : i32
        %dma_start3A_563 = arith.constant 0 : i32
        %dma_start3A_564 = arith.constant 0 : i32
        %dma_start3A_565 = tpu.memref_slice %arg14[%dma_start3A_561, %dma_start3A_563, %dma_start3A_564] : memref<2x64x128xf32, #tpu.memory_space<vmem>> -> memref<1x64x128xf32, #tpu.memory_space<vmem>>
        %dma_start3A_566 = tpu.memref_squeeze %dma_start3A_565 : memref<1x64x128xf32, #tpu.memory_space<vmem>> -> memref<64x128xf32, #tpu.memory_space<vmem>>
        %dma_start3A_567 = arith.constant 0 : i32
        %dma_start3A_568 = tpu.memref_slice %arg11[%dma_start3A_560, %dma_start3A_567] : memref<4x64xi32, #tpu.memory_space<vmem>> -> memref<1x64xi32, #tpu.memory_space<vmem>>
        %dma_start3A_569 = tpu.memref_squeeze %dma_start3A_568 : memref<1x64xi32, #tpu.memory_space<vmem>> -> memref<64xi32, #tpu.memory_space<vmem>>
        %dma_start3A_570 = arith.constant 0 : i32
        %dma_start3A_571 = arith.constant 0 : i32
        %dma_start3A_572 = tpu.memref_slice %arg2[%dma_start3A_570, %dma_start3A_571] : memref<10000x128xf32, #tpu.memory_space<hbm>> -> memref<10000x128xf32, #tpu.memory_space<hbm>>
        %dma_start3A_573 = tpu.memref_slice %arg21[%dma_start3A_562] : memref<2x!tpu.dma_semaphore, #tpu.memory_space<semaphore_mem>> -> memref<1x!tpu.dma_semaphore, #tpu.memory_space<semaphore_mem>>
        %dma_start3A_574 = tpu.memref_squeeze %dma_start3A_573 : memref<1x!tpu.dma_semaphore, #tpu.memory_space<semaphore_mem>> -> memref<!tpu.dma_semaphore, #tpu.memory_space<semaphore_mem>>
        tpu.enqueue_indirect_dma source(%dma_start3A_572 : memref<10000x128xf32, #tpu.memory_space<hbm>>) target(%dma_start3A_566 : memref<64x128xf32, #tpu.memory_space<vmem>>) offsets(%dma_start3A_569 : memref<64xi32, #tpu.memory_space<vmem>>) semaphore(%dma_start3A_574 : memref<!tpu.dma_semaphore, #tpu.memory_space<semaphore_mem>>)
      } else {
      }
      %dma_start3A_459 = arith.constant 3 : i32
      %dma_start3A_460 = arith.constant 0 : i32
      %dma_start3A_461 = tpu.memref_slice %arg13[%dma_start3A_459, %dma_start3A_460] : memref<4x64xi32, #tpu.memory_space<vmem>> -> memref<1x64xi32, #tpu.memory_space<vmem>>
      %dma_start3A_462 = tpu.memref_squeeze %dma_start3A_461 : memref<1x64xi32, #tpu.memory_space<vmem>> -> memref<64xi32, #tpu.memory_space<vmem>>
      %dma_start3A_463 = arith.constant 0 : i32
      %dma_start3A_464 = arith.constant 0 : i32
      %dma_start3A_465 = tpu.memref_slice %arg19[%dma_start3A_463, %dma_start3A_464] : memref<200x128xf32, #tpu.memory_space<vmem_shared>> -> memref<200x128xf32, #tpu.memory_space<vmem_shared>>
      tpu.enqueue_indirect_dma source(%dma_start3A_465 : memref<200x128xf32, #tpu.memory_space<vmem_shared>>) target(%arg15 : memref<64x128xf32, #tpu.memory_space<vmem>>) offsets(%dma_start3A_462 : memref<64xi32, #tpu.memory_space<vmem>>) semaphore(%arg24 : memref<!tpu.dma_semaphore, #tpu.memory_space<semaphore_mem>>)
      %dma_wait3A_466 = arith.constant 0 : i32
      %dma_wait3A_467 = arith.constant 1 : i32
      %dma_wait3A_468 = arith.constant 1 : i32
      %dma_wait3A_469 = arith.constant 0 : i32
      %dma_wait3A_470 = arith.constant 0 : i32
      %dma_wait3A_471 = tpu.memref_slice %arg14[%dma_wait3A_467, %dma_wait3A_469, %dma_wait3A_470] : memref<2x64x128xf32, #tpu.memory_space<vmem>> -> memref<1x64x128xf32, #tpu.memory_space<vmem>>
      %dma_wait3A_472 = tpu.memref_squeeze %dma_wait3A_471 : memref<1x64x128xf32, #tpu.memory_space<vmem>> -> memref<64x128xf32, #tpu.memory_space<vmem>>
      %dma_wait3A_473 = arith.constant 0 : i32
      %dma_wait3A_474 = tpu.memref_slice %arg11[%dma_wait3A_466, %dma_wait3A_473] : memref<4x64xi32, #tpu.memory_space<vmem>> -> memref<1x64xi32, #tpu.memory_space<vmem>>
      %dma_wait3A_475 = tpu.memref_squeeze %dma_wait3A_474 : memref<1x64xi32, #tpu.memory_space<vmem>> -> memref<64xi32, #tpu.memory_space<vmem>>
      %dma_wait3A_476 = arith.constant 0 : i32
      %dma_wait3A_477 = arith.constant 0 : i32
      %dma_wait3A_478 = tpu.memref_slice %arg2[%dma_wait3A_476, %dma_wait3A_477] : memref<10000x128xf32, #tpu.memory_space<hbm>> -> memref<10000x128xf32, #tpu.memory_space<hbm>>
      %dma_wait3A_479 = tpu.memref_slice %arg21[%dma_wait3A_468] : memref<2x!tpu.dma_semaphore, #tpu.memory_space<semaphore_mem>> -> memref<1x!tpu.dma_semaphore, #tpu.memory_space<semaphore_mem>>
      %dma_wait3A_480 = tpu.memref_squeeze %dma_wait3A_479 : memref<1x!tpu.dma_semaphore, #tpu.memory_space<semaphore_mem>> -> memref<!tpu.dma_semaphore, #tpu.memory_space<semaphore_mem>>
      tpu.wait_indirect_dma semaphore(%dma_wait3A_480 : memref<!tpu.dma_semaphore, #tpu.memory_space<semaphore_mem>>) src(%dma_wait3A_478 : memref<10000x128xf32, #tpu.memory_space<hbm>>) dst(%dma_wait3A_472 : memref<64x128xf32, #tpu.memory_space<vmem>>)
      %dma_wait3A_481 = arith.constant 0 : i32
      %dma_wait3A_482 = arith.constant 0 : i32
      %dma_wait3A_483 = tpu.memref_slice %arg13[%dma_wait3A_481, %dma_wait3A_482] : memref<4x64xi32, #tpu.memory_space<vmem>> -> memref<1x64xi32, #tpu.memory_space<vmem>>
      %dma_wait3A_484 = tpu.memref_squeeze %dma_wait3A_483 : memref<1x64xi32, #tpu.memory_space<vmem>> -> memref<64xi32, #tpu.memory_space<vmem>>
      %dma_wait3A_485 = arith.constant 0 : i32
      %dma_wait3A_486 = arith.constant 0 : i32
      %dma_wait3A_487 = tpu.memref_slice %arg19[%dma_wait3A_485, %dma_wait3A_486] : memref<200x128xf32, #tpu.memory_space<vmem_shared>> -> memref<200x128xf32, #tpu.memory_space<vmem_shared>>
      tpu.wait_indirect_dma semaphore(%arg24 : memref<!tpu.dma_semaphore, #tpu.memory_space<semaphore_mem>>) src(%dma_wait3A_487 : memref<200x128xf32, #tpu.memory_space<vmem_shared>>) dst(%arg15 : memref<64x128xf32, #tpu.memory_space<vmem>>)
      %scan3A_488 = arith.constant 0 : i32
      %scan3A_489 = arith.constant 0 : i32
      %scan3A_490 = arith.constant 64 : i32
      %scan3A_491 = arith.addi %scan3A_489, %scan3A_490 : i32
      %scan3A_492 = arith.constant 1 : i32
      scf.for %scan3A_518 = %scan3A_489 to %scan3A_491 step %scan3A_492  : i32 {
        %get3A = arith.constant 1 : i32
        %get3A_519 = arith.index_cast %get3A : i32 to index
        %get3A_520 = arith.index_cast %scan3A_518 : i32 to index
        %get3A_521 = arith.constant 0 : index
        %get3A_522 = tpu.vector_load %arg14[%get3A_519, %get3A_520, %get3A_521] {strides = array<i32>} : memref<2x64x128xf32, #tpu.memory_space<vmem>>, vector<1x1x16xf32>,
        %get3A_523 = vector.shape_cast %get3A_522 : vector<1x1x16xf32> to vector<16xf32>
        %get3A_524 = arith.index_cast %scan3A_518 : i32 to index
        %get3A_525 = arith.constant 0 : index
        %get3A_526 = tpu.vector_load %arg15[%get3A_524, %get3A_525] {strides = array<i32>} : memref<64x128xf32, #tpu.memory_space<vmem>>, vector<1x16xf32>,
        %get3A_527 = vector.shape_cast %get3A_526 : vector<1x16xf32> to vector<16xf32>
        %add3A_528 = arith.addf %get3A_523, %get3A_527 : vector<16xf32>
        %swap3A = arith.constant 1 : i32
        %swap3A_529 = arith.index_cast %swap3A : i32 to index
        %swap3A_530 = arith.index_cast %scan3A_518 : i32 to index
        %swap3A_531 = arith.constant 0 : index
        %swap3A_532 = tpu.vector_load %arg14[%swap3A_529, %swap3A_530, %swap3A_531] {strides = array<i32>} : memref<2x64x128xf32, #tpu.memory_space<vmem>>, vector<1x1x16xf32>,
        %swap3A_533 = vector.shape_cast %swap3A_532 : vector<1x1x16xf32> to vector<16xf32>
        %swap3A_534 = vector.shape_cast %add3A_528 : vector<16xf32> to vector<1x1x16xf32>
        tpu.vector_store %arg14[%swap3A_529, %swap3A_530, %swap3A_531], %swap3A_534 {strides = array<i32>} : memref<2x64x128xf32, #tpu.memory_space<vmem>>, vector<1x1x16xf32>,
        %get3A_535 = arith.constant 1 : i32
        %get3A_536 = arith.index_cast %get3A_535 : i32 to index
        %get3A_537 = arith.index_cast %scan3A_518 : i32 to index
        %get3A_538 = arith.constant 16 : index
        %get3A_539 = tpu.vector_load %arg14[%get3A_536, %get3A_537, %get3A_538] {strides = array<i32>} : memref<2x64x128xf32, #tpu.memory_space<vmem>>, vector<1x1x16xf32>,
        %get3A_540 = vector.shape_cast %get3A_539 : vector<1x1x16xf32> to vector<16xf32>
        %get3A_541 = arith.index_cast %scan3A_518 : i32 to index
        %get3A_542 = arith.constant 16 : index
        %get3A_543 = tpu.vector_load %arg15[%get3A_541, %get3A_542] {strides = array<i32>} : memref<64x128xf32, #tpu.memory_space<vmem>>, vector<1x16xf32>,
        %get3A_544 = vector.shape_cast %get3A_543 : vector<1x16xf32> to vector<16xf32>
        %add3A_545 = arith.addf %get3A_540, %get3A_544 : vector<16xf32>
        %swap3A_546 = arith.constant 1 : i32
        %swap3A_547 = arith.index_cast %swap3A_546 : i32 to index
        %swap3A_548 = arith.index_cast %scan3A_518 : i32 to index
        %swap3A_549 = arith.constant 16 : index
        %swap3A_550 = tpu.vector_load %arg14[%swap3A_547, %swap3A_548, %swap3A_549] {strides = array<i32>} : memref<2x64x128xf32, #tpu.memory_space<vmem>>, vector<1x1x16xf32>,
        %swap3A_551 = vector.shape_cast %swap3A_550 : vector<1x1x16xf32> to vector<16xf32>
        %swap3A_552 = vector.shape_cast %add3A_545 : vector<16xf32> to vector<1x1x16xf32>
        tpu.vector_store %arg14[%swap3A_547, %swap3A_548, %swap3A_549], %swap3A_552 {strides = array<i32>} : memref<2x64x128xf32, #tpu.memory_space<vmem>>, vector<1x1x16xf32>,
        %get3A_553 = arith.constant 1 : i32
        %get3A_554 = arith.index_cast %get3A_553 : i32 to index
        %get3A_555 = arith.index_cast %scan3A_518 : i32 to index
        %get3A_556 = arith.constant 32 : index
        %get3A_557 = tpu.vector_load %arg14[%get3A_554, %get3A_555, %get3A_556] {strides = array<i32>} : memref<2x64x128xf32, #tpu.memory_space<vmem>>, vector<1x1x16xf32>,
        %get3A_558 = vector.shape_cast %get3A_557 : vector<1x1x16xf32> to vector<16xf32>
        %get3A_559 = arith.index_cast %scan3A_518 : i32 to index
        %get3A_560 = arith.constant 32 : index
        %get3A_561 = tpu.vector_load %arg15[%get3A_559, %get3A_560] {strides = array<i32>} : memref<64x128xf32, #tpu.memory_space<vmem>>, vector<1x16xf32>,
        %get3A_562 = vector.shape_cast %get3A_561 : vector<1x16xf32> to vector<16xf32>
        %add3A_563 = arith.addf %get3A_558, %get3A_562 : vector<16xf32>
        %swap3A_564 = arith.constant 1 : i32
        %swap3A_565 = arith.index_cast %swap3A_564 : i32 to index
        %swap3A_566 = arith.index_cast %scan3A_518 : i32 to index
        %swap3A_567 = arith.constant 32 : index
        %swap3A_568 = tpu.vector_load %arg14[%swap3A_565, %swap3A_566, %swap3A_567] {strides = array<i32>} : memref<2x64x128xf32, #tpu.memory_space<vmem>>, vector<1x1x16xf32>,
        %swap3A_569 = vector.shape_cast %swap3A_568 : vector<1x1x16xf32> to vector<16xf32>
        %swap3A_570 = vector.shape_cast %add3A_563 : vector<16xf32> to vector<1x1x16xf32>
        tpu.vector_store %arg14[%swap3A_565, %swap3A_566, %swap3A_567], %swap3A_570 {strides = array<i32>} : memref<2x64x128xf32, #tpu.memory_space<vmem>>, vector<1x1x16xf32>,
        %get3A_571 = arith.constant 1 : i32
        %get3A_572 = arith.index_cast %get3A_571 : i32 to index
        %get3A_573 = arith.index_cast %scan3A_518 : i32 to index
        %get3A_574 = arith.constant 48 : index
        %get3A_575 = tpu.vector_load %arg14[%get3A_572, %get3A_573, %get3A_574] {strides = array<i32>} : memref<2x64x128xf32, #tpu.memory_space<vmem>>, vector<1x1x16xf32>,
        %get3A_576 = vector.shape_cast %get3A_575 : vector<1x1x16xf32> to vector<16xf32>
        %get3A_577 = arith.index_cast %scan3A_518 : i32 to index
        %get3A_578 = arith.constant 48 : index
        %get3A_579 = tpu.vector_load %arg15[%get3A_577, %get3A_578] {strides = array<i32>} : memref<64x128xf32, #tpu.memory_space<vmem>>, vector<1x16xf32>,
        %get3A_580 = vector.shape_cast %get3A_579 : vector<1x16xf32> to vector<16xf32>
        %add3A_581 = arith.addf %get3A_576, %get3A_580 : vector<16xf32>
        %swap3A_582 = arith.constant 1 : i32
        %swap3A_583 = arith.index_cast %swap3A_582 : i32 to index
        %swap3A_584 = arith.index_cast %scan3A_518 : i32 to index
        %swap3A_585 = arith.constant 48 : index
        %swap3A_586 = tpu.vector_load %arg14[%swap3A_583, %swap3A_584, %swap3A_585] {strides = array<i32>} : memref<2x64x128xf32, #tpu.memory_space<vmem>>, vector<1x1x16xf32>,
        %swap3A_587 = vector.shape_cast %swap3A_586 : vector<1x1x16xf32> to vector<16xf32>
        %swap3A_588 = vector.shape_cast %add3A_581 : vector<16xf32> to vector<1x1x16xf32>
        tpu.vector_store %arg14[%swap3A_583, %swap3A_584, %swap3A_585], %swap3A_588 {strides = array<i32>} : memref<2x64x128xf32, #tpu.memory_space<vmem>>, vector<1x1x16xf32>,
        %get3A_589 = arith.constant 1 : i32
        %get3A_590 = arith.index_cast %get3A_589 : i32 to index
        %get3A_591 = arith.index_cast %scan3A_518 : i32 to index
        %get3A_592 = arith.constant 64 : index
        %get3A_593 = tpu.vector_load %arg14[%get3A_590, %get3A_591, %get3A_592] {strides = array<i32>} : memref<2x64x128xf32, #tpu.memory_space<vmem>>, vector<1x1x16xf32>,
        %get3A_594 = vector.shape_cast %get3A_593 : vector<1x1x16xf32> to vector<16xf32>
        %get3A_595 = arith.index_cast %scan3A_518 : i32 to index
        %get3A_596 = arith.constant 64 : index
        %get3A_597 = tpu.vector_load %arg15[%get3A_595, %get3A_596] {strides = array<i32>} : memref<64x128xf32, #tpu.memory_space<vmem>>, vector<1x16xf32>,
        %get3A_598 = vector.shape_cast %get3A_597 : vector<1x16xf32> to vector<16xf32>
        %add3A_599 = arith.addf %get3A_594, %get3A_598 : vector<16xf32>
        %swap3A_600 = arith.constant 1 : i32
        %swap3A_601 = arith.index_cast %swap3A_600 : i32 to index
        %swap3A_602 = arith.index_cast %scan3A_518 : i32 to index
        %swap3A_603 = arith.constant 64 : index
        %swap3A_604 = tpu.vector_load %arg14[%swap3A_601, %swap3A_602, %swap3A_603] {strides = array<i32>} : memref<2x64x128xf32, #tpu.memory_space<vmem>>, vector<1x1x16xf32>,
        %swap3A_605 = vector.shape_cast %swap3A_604 : vector<1x1x16xf32> to vector<16xf32>
        %swap3A_606 = vector.shape_cast %add3A_599 : vector<16xf32> to vector<1x1x16xf32>
        tpu.vector_store %arg14[%swap3A_601, %swap3A_602, %swap3A_603], %swap3A_606 {strides = array<i32>} : memref<2x64x128xf32, #tpu.memory_space<vmem>>, vector<1x1x16xf32>,
        %get3A_607 = arith.constant 1 : i32
        %get3A_608 = arith.index_cast %get3A_607 : i32 to index
        %get3A_609 = arith.index_cast %scan3A_518 : i32 to index
        %get3A_610 = arith.constant 80 : index
        %get3A_611 = tpu.vector_load %arg14[%get3A_608, %get3A_609, %get3A_610] {strides = array<i32>} : memref<2x64x128xf32, #tpu.memory_space<vmem>>, vector<1x1x16xf32>,
        %get3A_612 = vector.shape_cast %get3A_611 : vector<1x1x16xf32> to vector<16xf32>
        %get3A_613 = arith.index_cast %scan3A_518 : i32 to index
        %get3A_614 = arith.constant 80 : index
        %get3A_615 = tpu.vector_load %arg15[%get3A_613, %get3A_614] {strides = array<i32>} : memref<64x128xf32, #tpu.memory_space<vmem>>, vector<1x16xf32>,
        %get3A_616 = vector.shape_cast %get3A_615 : vector<1x16xf32> to vector<16xf32>
        %add3A_617 = arith.addf %get3A_612, %get3A_616 : vector<16xf32>
        %swap3A_618 = arith.constant 1 : i32
        %swap3A_619 = arith.index_cast %swap3A_618 : i32 to index
        %swap3A_620 = arith.index_cast %scan3A_518 : i32 to index
        %swap3A_621 = arith.constant 80 : index
        %swap3A_622 = tpu.vector_load %arg14[%swap3A_619, %swap3A_620, %swap3A_621] {strides = array<i32>} : memref<2x64x128xf32, #tpu.memory_space<vmem>>, vector<1x1x16xf32>,
        %swap3A_623 = vector.shape_cast %swap3A_622 : vector<1x1x16xf32> to vector<16xf32>
        %swap3A_624 = vector.shape_cast %add3A_617 : vector<16xf32> to vector<1x1x16xf32>
        tpu.vector_store %arg14[%swap3A_619, %swap3A_620, %swap3A_621], %swap3A_624 {strides = array<i32>} : memref<2x64x128xf32, #tpu.memory_space<vmem>>, vector<1x1x16xf32>,
        %get3A_625 = arith.constant 1 : i32
        %get3A_626 = arith.index_cast %get3A_625 : i32 to index
        %get3A_627 = arith.index_cast %scan3A_518 : i32 to index
        %get3A_628 = arith.constant 96 : index
        %get3A_629 = tpu.vector_load %arg14[%get3A_626, %get3A_627, %get3A_628] {strides = array<i32>} : memref<2x64x128xf32, #tpu.memory_space<vmem>>, vector<1x1x16xf32>,
        %get3A_630 = vector.shape_cast %get3A_629 : vector<1x1x16xf32> to vector<16xf32>
        %get3A_631 = arith.index_cast %scan3A_518 : i32 to index
        %get3A_632 = arith.constant 96 : index
        %get3A_633 = tpu.vector_load %arg15[%get3A_631, %get3A_632] {strides = array<i32>} : memref<64x128xf32, #tpu.memory_space<vmem>>, vector<1x16xf32>,
        %get3A_634 = vector.shape_cast %get3A_633 : vector<1x16xf32> to vector<16xf32>
        %add3A_635 = arith.addf %get3A_630, %get3A_634 : vector<16xf32>
        %swap3A_636 = arith.constant 1 : i32
        %swap3A_637 = arith.index_cast %swap3A_636 : i32 to index
        %swap3A_638 = arith.index_cast %scan3A_518 : i32 to index
        %swap3A_639 = arith.constant 96 : index
        %swap3A_640 = tpu.vector_load %arg14[%swap3A_637, %swap3A_638, %swap3A_639] {strides = array<i32>} : memref<2x64x128xf32, #tpu.memory_space<vmem>>, vector<1x1x16xf32>,
        %swap3A_641 = vector.shape_cast %swap3A_640 : vector<1x1x16xf32> to vector<16xf32>
        %swap3A_642 = vector.shape_cast %add3A_635 : vector<16xf32> to vector<1x1x16xf32>
        tpu.vector_store %arg14[%swap3A_637, %swap3A_638, %swap3A_639], %swap3A_642 {strides = array<i32>} : memref<2x64x128xf32, #tpu.memory_space<vmem>>, vector<1x1x16xf32>,
        %get3A_643 = arith.constant 1 : i32
        %get3A_644 = arith.index_cast %get3A_643 : i32 to index
        %get3A_645 = arith.index_cast %scan3A_518 : i32 to index
        %get3A_646 = arith.constant 112 : index
        %get3A_647 = tpu.vector_load %arg14[%get3A_644, %get3A_645, %get3A_646] {strides = array<i32>} : memref<2x64x128xf32, #tpu.memory_space<vmem>>, vector<1x1x16xf32>,
        %get3A_648 = vector.shape_cast %get3A_647 : vector<1x1x16xf32> to vector<16xf32>
        %get3A_649 = arith.index_cast %scan3A_518 : i32 to index
        %get3A_650 = arith.constant 112 : index
        %get3A_651 = tpu.vector_load %arg15[%get3A_649, %get3A_650] {strides = array<i32>} : memref<64x128xf32, #tpu.memory_space<vmem>>, vector<1x16xf32>,
        %get3A_652 = vector.shape_cast %get3A_651 : vector<1x16xf32> to vector<16xf32>
        %add3A_653 = arith.addf %get3A_648, %get3A_652 : vector<16xf32>
        %swap3A_654 = arith.constant 1 : i32
        %swap3A_655 = arith.index_cast %swap3A_654 : i32 to index
        %swap3A_656 = arith.index_cast %scan3A_518 : i32 to index
        %swap3A_657 = arith.constant 112 : index
        %swap3A_658 = tpu.vector_load %arg14[%swap3A_655, %swap3A_656, %swap3A_657] {strides = array<i32>} : memref<2x64x128xf32, #tpu.memory_space<vmem>>, vector<1x1x16xf32>,
        %swap3A_659 = vector.shape_cast %swap3A_658 : vector<1x1x16xf32> to vector<16xf32>
        %swap3A_660 = vector.shape_cast %add3A_653 : vector<16xf32> to vector<1x1x16xf32>
        tpu.vector_store %arg14[%swap3A_655, %swap3A_656, %swap3A_657], %swap3A_660 {strides = array<i32>} : memref<2x64x128xf32, #tpu.memory_space<vmem>>, vector<1x1x16xf32>,
      }
      %scan3A_493 = arith.constant 64 : i32
      %dma_start3A_494 = arith.constant 1 : i32
      %dma_start3A_495 = arith.constant 3 : i32
      %dma_start3A_496 = arith.constant 1 : i32
      %dma_start3A_497 = arith.constant 0 : i32
      %dma_start3A_498 = arith.constant 0 : i32
      %dma_start3A_499 = tpu.memref_slice %arg14[%dma_start3A_494, %dma_start3A_497, %dma_start3A_498] : memref<2x64x128xf32, #tpu.memory_space<vmem>> -> memref<1x64x128xf32, #tpu.memory_space<vmem>>
      %dma_start3A_500 = tpu.memref_squeeze %dma_start3A_499 : memref<1x64x128xf32, #tpu.memory_space<vmem>> -> memref<64x128xf32, #tpu.memory_space<vmem>>
      %dma_start3A_501 = arith.constant 0 : i32
      %dma_start3A_502 = tpu.memref_slice %arg12[%dma_start3A_495, %dma_start3A_501] : memref<4x64xi32, #tpu.memory_space<vmem>> -> memref<1x64xi32, #tpu.memory_space<vmem>>
      %dma_start3A_503 = tpu.memref_squeeze %dma_start3A_502 : memref<1x64xi32, #tpu.memory_space<vmem>> -> memref<64xi32, #tpu.memory_space<vmem>>
      %dma_start3A_504 = arith.constant 0 : i32
      %dma_start3A_505 = arith.constant 0 : i32
      %dma_start3A_506 = tpu.memref_slice %arg17[%dma_start3A_504, %dma_start3A_505] : memref<10112x128xf32, #tpu.memory_space<vmem_shared>> -> memref<10112x128xf32, #tpu.memory_space<vmem_shared>>
      %dma_start3A_507 = tpu.memref_slice %arg22[%dma_start3A_496] : memref<2x!tpu.dma_semaphore, #tpu.memory_space<semaphore_mem>> -> memref<1x!tpu.dma_semaphore, #tpu.memory_space<semaphore_mem>>
      %dma_start3A_508 = tpu.memref_squeeze %dma_start3A_507 : memref<1x!tpu.dma_semaphore, #tpu.memory_space<semaphore_mem>> -> memref<!tpu.dma_semaphore, #tpu.memory_space<semaphore_mem>>
      tpu.enqueue_indirect_dma source(%dma_start3A_500 : memref<64x128xf32, #tpu.memory_space<vmem>>) target(%dma_start3A_506 : memref<10112x128xf32, #tpu.memory_space<vmem_shared>>) offsets(%dma_start3A_503 : memref<64xi32, #tpu.memory_space<vmem>>) semaphore(%dma_start3A_508 : memref<!tpu.dma_semaphore, #tpu.memory_space<semaphore_mem>>) {add = true}
      %dma_start3A_509 = arith.constant 3 : i32
      %dma_start3A_510 = arith.constant 1 : i32
      %dma_start3A_511 = arith.constant 0 : i32
      %dma_start3A_512 = tpu.memref_slice %arg12[%dma_start3A_509, %dma_start3A_511] : memref<4x64xi32, #tpu.memory_space<vmem>> -> memref<1x64xi32, #tpu.memory_space<vmem>>
      %dma_start3A_513 = tpu.memref_squeeze %dma_start3A_512 : memref<1x64xi32, #tpu.memory_space<vmem>> -> memref<64xi32, #tpu.memory_space<vmem>>
      %dma_start3A_514 = arith.constant 0 : i32
      %dma_start3A_515 = tpu.memref_slice %arg18[%dma_start3A_514] : memref<12288xf32, #tpu.memory_space<vmem_shared>> -> memref<12288xf32, #tpu.memory_space<vmem_shared>>
      %dma_start3A_516 = tpu.memref_slice %arg23[%dma_start3A_510] : memref<2x!tpu.dma_semaphore, #tpu.memory_space<semaphore_mem>> -> memref<1x!tpu.dma_semaphore, #tpu.memory_space<semaphore_mem>>
      %dma_start3A_517 = tpu.memref_squeeze %dma_start3A_516 : memref<1x!tpu.dma_semaphore, #tpu.memory_space<semaphore_mem>> -> memref<!tpu.dma_semaphore, #tpu.memory_space<semaphore_mem>>
      tpu.enqueue_indirect_dma source(%arg16 : memref<64xf32, #tpu.memory_space<vmem>>) target(%dma_start3A_515 : memref<12288xf32, #tpu.memory_space<vmem_shared>>) offsets(%dma_start3A_513 : memref<64xi32, #tpu.memory_space<vmem>>) semaphore(%dma_start3A_517 : memref<!tpu.dma_semaphore, #tpu.memory_space<semaphore_mem>>) {add = true}
    }
    %scan3A_157 = arith.constant 40 : i32
    %dma_wait3A_158 = arith.constant 1 : i32
    %dma_wait3A_159 = arith.constant 0 : i32
    %dma_wait3A_160 = arith.constant 1 : i32
    %dma_wait3A_161 = arith.constant 0 : i32
    %dma_wait3A_162 = arith.constant 0 : i32
    %dma_wait3A_163 = tpu.memref_slice %arg14[%dma_wait3A_158, %dma_wait3A_161, %dma_wait3A_162] : memref<2x64x128xf32, #tpu.memory_space<vmem>> -> memref<1x64x128xf32, #tpu.memory_space<vmem>>
    %dma_wait3A_164 = tpu.memref_squeeze %dma_wait3A_163 : memref<1x64x128xf32, #tpu.memory_space<vmem>> -> memref<64x128xf32, #tpu.memory_space<vmem>>
    %dma_wait3A_165 = arith.constant 0 : i32
    %dma_wait3A_166 = tpu.memref_slice %arg12[%dma_wait3A_159, %dma_wait3A_165] : memref<4x64xi32, #tpu.memory_space<vmem>> -> memref<1x64xi32, #tpu.memory_space<vmem>>
    %dma_wait3A_167 = tpu.memref_squeeze %dma_wait3A_166 : memref<1x64xi32, #tpu.memory_space<vmem>> -> memref<64xi32, #tpu.memory_space<vmem>>
    %dma_wait3A_168 = arith.constant 0 : i32
    %dma_wait3A_169 = arith.constant 0 : i32
    %dma_wait3A_170 = tpu.memref_slice %arg17[%dma_wait3A_168, %dma_wait3A_169] : memref<10112x128xf32, #tpu.memory_space<vmem_shared>> -> memref<10112x128xf32, #tpu.memory_space<vmem_shared>>
    %dma_wait3A_171 = tpu.memref_slice %arg22[%dma_wait3A_160] : memref<2x!tpu.dma_semaphore, #tpu.memory_space<semaphore_mem>> -> memref<1x!tpu.dma_semaphore, #tpu.memory_space<semaphore_mem>>
    %dma_wait3A_172 = tpu.memref_squeeze %dma_wait3A_171 : memref<1x!tpu.dma_semaphore, #tpu.memory_space<semaphore_mem>> -> memref<!tpu.dma_semaphore, #tpu.memory_space<semaphore_mem>>
    tpu.wait_indirect_dma semaphore(%dma_wait3A_172 : memref<!tpu.dma_semaphore, #tpu.memory_space<semaphore_mem>>) src(%dma_wait3A_164 : memref<64x128xf32, #tpu.memory_space<vmem>>) dst(%dma_wait3A_170 : memref<10112x128xf32, #tpu.memory_space<vmem_shared>>)
    %dma_wait3A_173 = arith.constant 0 : i32
    %dma_wait3A_174 = arith.constant 1 : i32
    %dma_wait3A_175 = arith.constant 0 : i32
    %dma_wait3A_176 = tpu.memref_slice %arg12[%dma_wait3A_173, %dma_wait3A_175] : memref<4x64xi32, #tpu.memory_space<vmem>> -> memref<1x64xi32, #tpu.memory_space<vmem>>
    %dma_wait3A_177 = tpu.memref_squeeze %dma_wait3A_176 : memref<1x64xi32, #tpu.memory_space<vmem>> -> memref<64xi32, #tpu.memory_space<vmem>>
    %dma_wait3A_178 = arith.constant 0 : i32
    %dma_wait3A_179 = tpu.memref_slice %arg18[%dma_wait3A_178] : memref<12288xf32, #tpu.memory_space<vmem_shared>> -> memref<12288xf32, #tpu.memory_space<vmem_shared>>
    %dma_wait3A_180 = tpu.memref_slice %arg23[%dma_wait3A_174] : memref<2x!tpu.dma_semaphore, #tpu.memory_space<semaphore_mem>> -> memref<1x!tpu.dma_semaphore, #tpu.memory_space<semaphore_mem>>
    %dma_wait3A_181 = tpu.memref_squeeze %dma_wait3A_180 : memref<1x!tpu.dma_semaphore, #tpu.memory_space<semaphore_mem>> -> memref<!tpu.dma_semaphore, #tpu.memory_space<semaphore_mem>>
    tpu.wait_indirect_dma semaphore(%dma_wait3A_181 : memref<!tpu.dma_semaphore, #tpu.memory_space<semaphore_mem>>) src(%arg16 : memref<64xf32, #tpu.memory_space<vmem>>) dst(%dma_wait3A_179 : memref<12288xf32, #tpu.memory_space<vmem_shared>>)
    %barrier3A_182 = arith.constant 0 : index
    tpu.barrier barrier_id(%barrier3A_182)
    %mul3A_183 = arith.constant 632 : i32
    %mul3A_184 = arith.muli %arg1, %mul3A_183 : i32
    %mul3A_185 = arith.constant 632 : i32
    %mul3A_186 = arith.muli %arg1, %mul3A_185 : i32
    "tpu.region"() ({
      %run_scoped3A = tpu.sem_alloc : memref<!tpu.dma_semaphore, #tpu.memory_space<semaphore_mem>>
      %dma_start3A_191 = arith.constant 0 : i32
      %dma_start3A_192 = tpu.memref_slice %arg9[%arg0, %mul3A_186, %dma_start3A_191] : memref<2x10112x128xf32, #tpu.memory_space<hbm>> -> memref<1x632x128xf32, #tpu.memory_space<hbm>>
      %dma_start3A_193 = tpu.memref_squeeze %dma_start3A_192 : memref<1x632x128xf32, #tpu.memory_space<hbm>> -> memref<632x128xf32, #tpu.memory_space<hbm>>
      %dma_start3A_194 = arith.constant 0 : i32
      %dma_start3A_195 = tpu.memref_slice %arg17[%mul3A_184, %dma_start3A_194] : memref<10112x128xf32, #tpu.memory_space<vmem_shared>> -> memref<632x128xf32, #tpu.memory_space<vmem_shared>>
      tpu.enqueue_dma source(%dma_start3A_195 : memref<632x128xf32, #tpu.memory_space<vmem_shared>>) target(%dma_start3A_193 : memref<632x128xf32, #tpu.memory_space<hbm>>) target_semaphore(%run_scoped3A : memref<!tpu.dma_semaphore, #tpu.memory_space<semaphore_mem>>)
      %dma_wait3A_196 = arith.constant 0 : i32
      %dma_wait3A_197 = tpu.memref_slice %arg9[%arg0, %mul3A_186, %dma_wait3A_196] : memref<2x10112x128xf32, #tpu.memory_space<hbm>> -> memref<1x632x128xf32, #tpu.memory_space<hbm>>
      %dma_wait3A_198 = tpu.memref_squeeze %dma_wait3A_197 : memref<1x632x128xf32, #tpu.memory_space<hbm>> -> memref<632x128xf32, #tpu.memory_space<hbm>>
      %dma_wait3A_199 = arith.constant 0 : i32
      %dma_wait3A_200 = tpu.memref_slice %arg17[%mul3A_184, %dma_wait3A_199] : memref<10112x128xf32, #tpu.memory_space<vmem_shared>> -> memref<632x128xf32, #tpu.memory_space<vmem_shared>>
      tpu.wait_dma2 semaphore(%run_scoped3A : memref<!tpu.dma_semaphore, #tpu.memory_space<semaphore_mem>>) src(%dma_wait3A_200 : memref<632x128xf32, #tpu.memory_space<vmem_shared>>) dst(%dma_wait3A_198 : memref<632x128xf32, #tpu.memory_space<hbm>>)
      tpu.yield
    }) : () -> ()
    %mul3A_187 = arith.constant 768 : i32
    %mul3A_188 = arith.muli %arg1, %mul3A_187 : i32
    %mul3A_189 = arith.constant 768 : i32
    %mul3A_190 = arith.muli %arg1, %mul3A_189 : i32
    "tpu.region"() ({
      %run_scoped3A = tpu.sem_alloc : memref<!tpu.dma_semaphore, #tpu.memory_space<semaphore_mem>>
      %dma_start3A_191 = tpu.memref_slice %arg10[%arg0, %mul3A_190] : memref<2x12288xf32, #tpu.memory_space<hbm>> -> memref<1x768xf32, #tpu.memory_space<hbm>>
      %dma_start3A_192 = tpu.memref_squeeze %dma_start3A_191 : memref<1x768xf32, #tpu.memory_space<hbm>> -> memref<768xf32, #tpu.memory_space<hbm>>
      %dma_start3A_193 = tpu.memref_slice %arg18[%mul3A_188] : memref<12288xf32, #tpu.memory_space<vmem_shared>> -> memref<768xf32, #tpu.memory_space<vmem_shared>>
      tpu.enqueue_dma source(%dma_start3A_193 : memref<768xf32, #tpu.memory_space<vmem_shared>>) target(%dma_start3A_192 : memref<768xf32, #tpu.memory_space<hbm>>) target_semaphore(%run_scoped3A : memref<!tpu.dma_semaphore, #tpu.memory_space<semaphore_mem>>)
      %dma_wait3A_194 = tpu.memref_slice %arg10[%arg0, %mul3A_190] : memref<2x12288xf32, #tpu.memory_space<hbm>> -> memref<1x768xf32, #tpu.memory_space<hbm>>
      %dma_wait3A_195 = tpu.memref_squeeze %dma_wait3A_194 : memref<1x768xf32, #tpu.memory_space<hbm>> -> memref<768xf32, #tpu.memory_space<hbm>>
      %dma_wait3A_196 = tpu.memref_slice %arg18[%mul3A_188] : memref<12288xf32, #tpu.memory_space<vmem_shared>> -> memref<768xf32, #tpu.memory_space<vmem_shared>>
      tpu.wait_dma2 semaphore(%run_scoped3A : memref<!tpu.dma_semaphore, #tpu.memory_space<semaphore_mem>>) src(%dma_wait3A_196 : memref<768xf32, #tpu.memory_space<vmem_shared>>) dst(%dma_wait3A_195 : memref<768xf32, #tpu.memory_space<hbm>>)
      tpu.yield
    }) : () -> ()
    return
  }
}

module attributes {stable_mosaic.version = 14 : i64} {
  func.func @_tc1_body(%arg0: i32, %arg1: memref<4096x1xi32, #tpu.memory_space<vmem>>, %arg2: memref<1x4096xi32, #tpu.memory_space<vmem>>, %arg3: memref<200x32xf32, #tpu.memory_space<vmem>>, %arg4: memref<32x32xf32, #tpu.memory_space<vmem>>, %arg5: memref<32x128xf32, #tpu.memory_space<vmem>>, %arg6: memref<1000x128xf32, #tpu.memory_space<vmem>>, %arg7: memref<128x128xf32, #tpu.memory_space<vmem>>, %arg8: memref<1x128xf32, #tpu.memory_space<vmem>>, %arg9: memref<128x128xf32, #tpu.memory_space<vmem>>, %arg10: memref<128x128xf32, #tpu.memory_space<vmem>>, %arg11: memref<1000x128xf32, #tpu.memory_space<vmem>>, %arg12: memref<1000x128xf32, #tpu.memory_space<vmem>>, %arg13: memref<200x32xf32, #tpu.memory_space<vmem>>, %arg14: memref<200x128xf32, #tpu.memory_space<vmem>>) attributes {dimension_semantics = [#tpu.dimension_semantics<arbitrary>], iteration_bounds = array<i64: 10>, scalar_prefetch = 0 : i64, scratch_operands = 0 : i64, tpu.core_type = #tpu.core_type<tc>, window_params = [{pipeline_mode = #tpu.pipeline_mode<synchronous>, transform_indices = @transform_0, window_bounds = array<i64: 4096, 1>}, {pipeline_mode = #tpu.pipeline_mode<synchronous>, transform_indices = @transform_1, window_bounds = array<i64: 1, 4096>}, {pipeline_mode = #tpu.pipeline_mode<synchronous>, transform_indices = @transform_2, window_bounds = array<i64: 200, 32>}, {pipeline_mode = #tpu.pipeline_mode<synchronous>, transform_indices = @transform_3, window_bounds = array<i64: 32, 32>}, {pipeline_mode = #tpu.pipeline_mode<synchronous>, transform_indices = @transform_4, window_bounds = array<i64: 32, 128>}, {transform_indices = @transform_5, window_bounds = array<i64: 1000, 128>}, {pipeline_mode = #tpu.pipeline_mode<synchronous>, transform_indices = @transform_6, window_bounds = array<i64: 128, 128>}, {pipeline_mode = #tpu.pipeline_mode<synchronous>, transform_indices = @transform_7, window_bounds = array<i64: 1, 128>}, {pipeline_mode = #tpu.pipeline_mode<synchronous>, transform_indices = @transform_8, window_bounds = array<i64: 128, 128>}, {pipeline_mode = #tpu.pipeline_mode<synchronous>, transform_indices = @transform_9, window_bounds = array<i64: 128, 128>}, {transform_indices = @transform_10, window_bounds = array<i64: 1000, 128>}, {transform_indices = @transform_11, window_bounds = array<i64: 1000, 128>}, {pipeline_mode = #tpu.pipeline_mode<synchronous>, transform_indices = @transform_12, window_bounds = array<i64: 200, 32>}, {pipeline_mode = #tpu.pipeline_mode<synchronous>, transform_indices = @transform_13, window_bounds = array<i64: 200, 128>}]} {
    %get3A = arith.constant 0 : index
    %get3A_0 = arith.constant 0 : index
    %get3A_1 = vector.load %arg6[%get3A, %get3A_0] : memref<1000x128xf32, #tpu.memory_space<vmem>>, vector<1000x128xf32>
    %get3A_2 = arith.constant 0 : index
    %get3A_3 = arith.constant 0 : index
    %get3A_4 = vector.load %arg7[%get3A_2, %get3A_3] : memref<128x128xf32, #tpu.memory_space<vmem>>, vector<128x128xf32>
    %dot_general3A = arith.constant dense<0.000000e+00> : vector<1000x128xf32>
    %dot_general3A_5 = tpu.matmul %get3A_1, %get3A_4, %dot_general3A {dimension_numbers = #tpu.dot_dimension_numbers<[1], [0], [0], [1], [0, 0, 1, 1], [], []>, transpose_lhs_hint = false} : vector<1000x128xf32>, vector<128x128xf32>, vector<1000x128xf32> -> vector<1000x128xf32>
    %get3A_6 = arith.constant 0 : index
    %get3A_7 = arith.constant 0 : index
    %get3A_8 = vector.load %arg8[%get3A_6, %get3A_7] : memref<1x128xf32, #tpu.memory_space<vmem>>, vector<1x128xf32>
    %add3A = vector.broadcast %get3A_8 : vector<1x128xf32> to vector<1000x128xf32>
    %add3A_9 = arith.addf %dot_general3A_5, %add3A : vector<1000x128xf32>
    %max3A = arith.constant 0.000000e+00 : f32
    %max3A_10 = vector.broadcast %max3A : f32 to vector<1000x128xf32>
    %max3A_11 = arith.maximumf %add3A_9, %max3A_10 : vector<1000x128xf32>
    %get3A_12 = arith.constant 0 : index
    %get3A_13 = arith.constant 0 : index
    %get3A_14 = vector.load %arg9[%get3A_12, %get3A_13] : memref<128x128xf32, #tpu.memory_space<vmem>>, vector<128x128xf32>
    %dot_general3A_15 = arith.constant dense<0.000000e+00> : vector<1000x128xf32>
    %dot_general3A_16 = tpu.matmul %max3A_11, %get3A_14, %dot_general3A_15 {dimension_numbers = #tpu.dot_dimension_numbers<[1], [0], [0], [1], [0, 0, 1, 1], [], []>, transpose_lhs_hint = false} : vector<1000x128xf32>, vector<128x128xf32>, vector<1000x128xf32> -> vector<1000x128xf32>
    %swap3A = arith.constant 0 : index
    %swap3A_17 = arith.constant 0 : index
    %swap3A_18 = vector.load %arg11[%swap3A, %swap3A_17] : memref<1000x128xf32, #tpu.memory_space<vmem>>, vector<1000x128xf32>
    tpu.vector_store %arg11[%swap3A, %swap3A_17], %dot_general3A_16 {strides = array<i32>} : memref<1000x128xf32, #tpu.memory_space<vmem>>, vector<1000x128xf32>,
    %get3A_19 = arith.constant 0 : index
    %get3A_20 = arith.constant 0 : index
    %get3A_21 = vector.load %arg10[%get3A_19, %get3A_20] : memref<128x128xf32, #tpu.memory_space<vmem>>, vector<128x128xf32>
    %dot_general3A_22 = arith.constant dense<0.000000e+00> : vector<1000x128xf32>
    %dot_general3A_23 = tpu.matmul %max3A_11, %get3A_21, %dot_general3A_22 {dimension_numbers = #tpu.dot_dimension_numbers<[1], [0], [0], [1], [0, 0, 1, 1], [], []>, transpose_lhs_hint = false} : vector<1000x128xf32>, vector<128x128xf32>, vector<1000x128xf32> -> vector<1000x128xf32>
    %swap3A_24 = arith.constant 0 : index
    %swap3A_25 = arith.constant 0 : index
    %swap3A_26 = vector.load %arg12[%swap3A_24, %swap3A_25] : memref<1000x128xf32, #tpu.memory_space<vmem>>, vector<1000x128xf32>
    tpu.vector_store %arg12[%swap3A_24, %swap3A_25], %dot_general3A_23 {strides = array<i32>} : memref<1000x128xf32, #tpu.memory_space<vmem>>, vector<1000x128xf32>,
    %eq3A = arith.constant 0 : i32
    %eq3A_27 = arith.cmpi eq, %arg0, %eq3A : i32
    %convert_element_type3A = arith.extui %eq3A_27 : i1 to i32
    %cond3A = arith.constant 0 : i32
    %cond3A_28 = arith.cmpi ne, %convert_element_type3A, %cond3A : i32
    scf.if %cond3A_28 {
      %get3A_29 = arith.constant 0 : index
      %get3A_30 = arith.constant 0 : index
      %get3A_31 = vector.load %arg1[%get3A_29, %get3A_30] : memref<4096x1xi32, #tpu.memory_space<vmem>>, vector<4096x1xi32>
      %get3A_32 = arith.constant 0 : index
      %get3A_33 = arith.constant 0 : index
      %get3A_34 = vector.load %arg2[%get3A_32, %get3A_33] : memref<1x4096xi32, #tpu.memory_space<vmem>>, vector<1x4096xi32>
      %iota3A = tpu.iota {dimensions = array<i32: 1>} : vector<4096x200xi32>
      %eq3A_35 = vector.broadcast %get3A_31 : vector<4096x1xi32> to vector<4096x200xi32>
      %eq3A_36 = arith.cmpi eq, %iota3A, %eq3A_35 : vector<4096x200xi32>
      %convert_element_type3A_37 = arith.extui %eq3A_36 : vector<4096x200xi1> to vector<4096x200xi32>
      %convert_element_type3A_38 = arith.sitofp %convert_element_type3A_37 : vector<4096x200xi32> to vector<4096x200xf32>
      %iota3A_39 = tpu.iota {dimensions = array<i32: 0>} : vector<200x4096xi32>
      %eq3A_40 = vector.broadcast %get3A_34 : vector<1x4096xi32> to vector<200x4096xi32>
      %eq3A_41 = arith.cmpi eq, %iota3A_39, %eq3A_40 : vector<200x4096xi32>
      %convert_element_type3A_42 = arith.extui %eq3A_41 : vector<200x4096xi1> to vector<200x4096xi32>
      %convert_element_type3A_43 = arith.sitofp %convert_element_type3A_42 : vector<200x4096xi32> to vector<200x4096xf32>
      %get3A_44 = arith.constant 0 : index
      %get3A_45 = arith.constant 0 : index
      %get3A_46 = vector.load %arg3[%get3A_44, %get3A_45] : memref<200x32xf32, #tpu.memory_space<vmem>>, vector<200x32xf32>
      %dot_general3A_47 = arith.constant dense<0.000000e+00> : vector<4096x32xf32>
      %dot_general3A_48 = tpu.matmul %convert_element_type3A_38, %get3A_46, %dot_general3A_47 {dimension_numbers = #tpu.dot_dimension_numbers<[1], [0], [0], [1], [0, 0, 1, 1], [], []>, transpose_lhs_hint = false} : vector<4096x200xf32>, vector<200x32xf32>, vector<4096x32xf32> -> vector<4096x32xf32>
      %dot_general3A_49 = arith.constant dense<0.000000e+00> : vector<200x32xf32>
      %dot_general3A_50 = tpu.matmul %convert_element_type3A_43, %dot_general3A_48, %dot_general3A_49 {dimension_numbers = #tpu.dot_dimension_numbers<[1], [0], [0], [1], [0, 0, 1, 1], [], []>, transpose_lhs_hint = false} : vector<200x4096xf32>, vector<4096x32xf32>, vector<200x32xf32> -> vector<200x32xf32>
      %reduce_sum3A = arith.constant dense<0.000000e+00> : vector<200xf32>
      %reduce_sum3A_51 = vector.multi_reduction <add>, %convert_element_type3A_43, %reduce_sum3A [1] : vector<200x4096xf32> to vector<200xf32>
      %broadcast_in_dim3A = vector.shape_cast %reduce_sum3A_51 : vector<200xf32> to vector<200x1xf32>
      %max3A_52 = arith.constant 1.000000e+00 : f32
      %max3A_53 = vector.broadcast %max3A_52 : f32 to vector<200x1xf32>
      %max3A_54 = arith.maximumf %broadcast_in_dim3A, %max3A_53 : vector<200x1xf32>
      %div3A = vector.broadcast %max3A_54 : vector<200x1xf32> to vector<200x32xf32>
      %div3A_55 = arith.divf %dot_general3A_50, %div3A : vector<200x32xf32>
      %get3A_56 = arith.constant 0 : index
      %get3A_57 = arith.constant 0 : index
      %get3A_58 = vector.load %arg4[%get3A_56, %get3A_57] : memref<32x32xf32, #tpu.memory_space<vmem>>, vector<32x32xf32>
      %dot_general3A_59 = arith.constant dense<0.000000e+00> : vector<200x32xf32>
      %dot_general3A_60 = tpu.matmul %div3A_55, %get3A_58, %dot_general3A_59 {dimension_numbers = #tpu.dot_dimension_numbers<[1], [0], [0], [1], [0, 0, 1, 1], [], []>, transpose_lhs_hint = false} : vector<200x32xf32>, vector<32x32xf32>, vector<200x32xf32> -> vector<200x32xf32>
      %get3A_61 = arith.constant 0 : index
      %get3A_62 = arith.constant 0 : index
      %get3A_63 = vector.load %arg3[%get3A_61, %get3A_62] : memref<200x32xf32, #tpu.memory_space<vmem>>, vector<200x32xf32>
      %add3A_64 = arith.addf %dot_general3A_60, %get3A_63 : vector<200x32xf32>
      %max3A_65 = arith.constant 0.000000e+00 : f32
      %max3A_66 = vector.broadcast %max3A_65 : f32 to vector<200x32xf32>
      %max3A_67 = arith.maximumf %add3A_64, %max3A_66 : vector<200x32xf32>
      %swap3A_68 = arith.constant 0 : index
      %swap3A_69 = arith.constant 0 : index
      %swap3A_70 = vector.load %arg13[%swap3A_68, %swap3A_69] : memref<200x32xf32, #tpu.memory_space<vmem>>, vector<200x32xf32>
      tpu.vector_store %arg13[%swap3A_68, %swap3A_69], %max3A_67 {strides = array<i32>} : memref<200x32xf32, #tpu.memory_space<vmem>>, vector<200x32xf32>,
      %get3A_71 = arith.constant 0 : index
      %get3A_72 = arith.constant 0 : index
      %get3A_73 = vector.load %arg5[%get3A_71, %get3A_72] : memref<32x128xf32, #tpu.memory_space<vmem>>, vector<32x128xf32>
      %dot_general3A_74 = arith.constant dense<0.000000e+00> : vector<200x128xf32>
      %dot_general3A_75 = tpu.matmul %max3A_67, %get3A_73, %dot_general3A_74 {dimension_numbers = #tpu.dot_dimension_numbers<[1], [0], [0], [1], [0, 0, 1, 1], [], []>, transpose_lhs_hint = false} : vector<200x32xf32>, vector<32x128xf32>, vector<200x128xf32> -> vector<200x128xf32>
      %swap3A_76 = arith.constant 0 : index
      %swap3A_77 = arith.constant 0 : index
      %swap3A_78 = vector.load %arg14[%swap3A_76, %swap3A_77] : memref<200x128xf32, #tpu.memory_space<vmem>>, vector<200x128xf32>
      tpu.vector_store %arg14[%swap3A_76, %swap3A_77], %dot_general3A_75 {strides = array<i32>} : memref<200x128xf32, #tpu.memory_space<vmem>>, vector<200x128xf32>,
    } else {
    }
    return
  }
  func.func @transform_0(%arg0: i32) -> (i32, i32) {
    %c0_i32 = arith.constant 0 : i32
    %c0_i32_0 = arith.constant 0 : i32
    %c0_i32_1 = arith.constant 0 : i32
    return %c0_i32, %c0_i32_0 : i32, i32
  }
  func.func @transform_1(%arg0: i32) -> (i32, i32) {
    %c0_i32 = arith.constant 0 : i32
    %c0_i32_0 = arith.constant 0 : i32
    %c0_i32_1 = arith.constant 0 : i32
    return %c0_i32, %c0_i32_0 : i32, i32
  }
  func.func @transform_2(%arg0: i32) -> (i32, i32) {
    %c0_i32 = arith.constant 0 : i32
    %c0_i32_0 = arith.constant 0 : i32
    %c0_i32_1 = arith.constant 0 : i32
    return %c0_i32, %c0_i32_0 : i32, i32
  }
  func.func @transform_3(%arg0: i32) -> (i32, i32) {
    %c0_i32 = arith.constant 0 : i32
    %c0_i32_0 = arith.constant 0 : i32
    %c0_i32_1 = arith.constant 0 : i32
    return %c0_i32, %c0_i32_0 : i32, i32
  }
  func.func @transform_4(%arg0: i32) -> (i32, i32) {
    %c0_i32 = arith.constant 0 : i32
    %c0_i32_0 = arith.constant 0 : i32
    %c0_i32_1 = arith.constant 0 : i32
    return %c0_i32, %c0_i32_0 : i32, i32
  }
  func.func @transform_5(%arg0: i32) -> (i32, i32) {
    %c0_i32 = arith.constant 0 : i32
    %c0_i32_0 = arith.constant 0 : i32
    return %arg0, %c0_i32 : i32, i32
  }
  func.func @transform_6(%arg0: i32) -> (i32, i32) {
    %c0_i32 = arith.constant 0 : i32
    %c0_i32_0 = arith.constant 0 : i32
    %c0_i32_1 = arith.constant 0 : i32
    return %c0_i32, %c0_i32_0 : i32, i32
  }
  func.func @transform_7(%arg0: i32) -> (i32, i32) {
    %c0_i32 = arith.constant 0 : i32
    %c0_i32_0 = arith.constant 0 : i32
    %c0_i32_1 = arith.constant 0 : i32
    return %c0_i32, %c0_i32_0 : i32, i32
  }
  func.func @transform_8(%arg0: i32) -> (i32, i32) {
    %c0_i32 = arith.constant 0 : i32
    %c0_i32_0 = arith.constant 0 : i32
    %c0_i32_1 = arith.constant 0 : i32
    return %c0_i32, %c0_i32_0 : i32, i32
  }
  func.func @transform_9(%arg0: i32) -> (i32, i32) {
    %c0_i32 = arith.constant 0 : i32
    %c0_i32_0 = arith.constant 0 : i32
    %c0_i32_1 = arith.constant 0 : i32
    return %c0_i32, %c0_i32_0 : i32, i32
  }
  func.func @transform_10(%arg0: i32) -> (i32, i32) {
    %c0_i32 = arith.constant 0 : i32
    %c0_i32_0 = arith.constant 0 : i32
    return %arg0, %c0_i32 : i32, i32
  }
  func.func @transform_11(%arg0: i32) -> (i32, i32) {
    %c0_i32 = arith.constant 0 : i32
    %c0_i32_0 = arith.constant 0 : i32
    return %arg0, %c0_i32 : i32, i32
  }
  func.func @transform_12(%arg0: i32) -> (i32, i32) {
    %c0_i32 = arith.constant 0 : i32
    %c0_i32_0 = arith.constant 0 : i32
    %c0_i32_1 = arith.constant 0 : i32
    return %c0_i32, %c0_i32_0 : i32, i32
  }
  func.func @transform_13(%arg0: i32) -> (i32, i32) {
    %c0_i32 = arith.constant 0 : i32
    %c0_i32_0 = arith.constant 0 : i32
    %c0_i32_1 = arith.constant 0 : i32
    return %c0_i32, %c0_i32_0 : i32, i32
  }
}

module attributes {stable_mosaic.version = 14 : i64} {
  func.func @_tc2_body(%arg0: i32, %arg1: memref<1000x128xf32, #tpu.memory_space<vmem>>, %arg2: memref<2x1000x128xf32, #tpu.memory_space<vmem>>, %arg3: memref<2x1x1000x1xf32, #tpu.memory_space<vmem>>, %arg4: memref<1x1x1000xi32, #tpu.memory_space<vmem>>, %arg5: memref<1x1000x1xi32, #tpu.memory_space<vmem>>, %arg6: memref<64x1xi32, #tpu.memory_space<vmem>>, %arg7: memref<200x32xf32, #tpu.memory_space<vmem>>, %arg8: memref<416x1xf32, #tpu.memory_space<vmem>>, %arg9: memref<1x1xf32, #tpu.memory_space<vmem>>, %arg10: memref<64x1xf32, #tpu.memory_space<vmem>>, %arg11: memref<64x8xf32, #tpu.memory_space<vmem>>) attributes {dimension_semantics = [#tpu.dimension_semantics<arbitrary>], iteration_bounds = array<i64: 10>, scalar_prefetch = 0 : i64, scratch_operands = 1 : i64, tpu.core_type = #tpu.core_type<tc>, window_params = [{transform_indices = @transform_0, window_bounds = array<i64: 1000, 128>}, {transform_indices = @transform_1, window_bounds = array<i64: 2, 1000, 128>}, {transform_indices = @transform_2, window_bounds = array<i64: 2, 1, 1000, 1>}, {transform_indices = @transform_3, window_bounds = array<i64: 1, 1, 1000>}, {transform_indices = @transform_4, window_bounds = array<i64: 1, 1000, 1>}, {pipeline_mode = #tpu.pipeline_mode<synchronous>, transform_indices = @transform_5, window_bounds = array<i64: 64, 1>}, {pipeline_mode = #tpu.pipeline_mode<synchronous>, transform_indices = @transform_6, window_bounds = array<i64: 200, 32>}, {pipeline_mode = #tpu.pipeline_mode<synchronous>, transform_indices = @transform_7, window_bounds = array<i64: 416, 1>}, {pipeline_mode = #tpu.pipeline_mode<synchronous>, transform_indices = @transform_8, window_bounds = array<i64: 1, 1>}, {pipeline_mode = #tpu.pipeline_mode<synchronous>, transform_indices = @transform_9, window_bounds = array<i64: 64, 1>}]} {
    %get3A = arith.constant 0 : index
    %get3A_0 = arith.constant 0 : index
    %get3A_1 = arith.constant 0 : index
    %get3A_2 = vector.load %arg2[%get3A, %get3A_0, %get3A_1] : memref<2x1000x128xf32, #tpu.memory_space<vmem>>, vector<1x1000x128xf32>
    %get3A_3 = vector.shape_cast %get3A_2 : vector<1x1000x128xf32> to vector<1000x128xf32>
    %get3A_4 = arith.constant 1 : index
    %get3A_5 = arith.constant 0 : index
    %get3A_6 = arith.constant 0 : index
    %get3A_7 = vector.load %arg2[%get3A_4, %get3A_5, %get3A_6] : memref<2x1000x128xf32, #tpu.memory_space<vmem>>, vector<1x1000x128xf32>
    %get3A_8 = vector.shape_cast %get3A_7 : vector<1x1000x128xf32> to vector<1000x128xf32>
    %add3A = arith.addf %get3A_3, %get3A_8 : vector<1000x128xf32>
    %get3A_9 = arith.constant 0 : index
    %get3A_10 = arith.constant 0 : index
    %get3A_11 = arith.constant 0 : index
    %get3A_12 = arith.constant 0 : index
    %get3A_13 = vector.load %arg3[%get3A_9, %get3A_10, %get3A_11, %get3A_12] : memref<2x1x1000x1xf32, #tpu.memory_space<vmem>>, vector<1x1x1000x1xf32>
    %get3A_14 = vector.shape_cast %get3A_13 : vector<1x1x1000x1xf32> to vector<1000x1xf32>
    %get3A_15 = arith.constant 1 : index
    %get3A_16 = arith.constant 0 : index
    %get3A_17 = arith.constant 0 : index
    %get3A_18 = arith.constant 0 : index
    %get3A_19 = vector.load %arg3[%get3A_15, %get3A_16, %get3A_17, %get3A_18] : memref<2x1x1000x1xf32, #tpu.memory_space<vmem>>, vector<1x1x1000x1xf32>
    %get3A_20 = vector.shape_cast %get3A_19 : vector<1x1x1000x1xf32> to vector<1000x1xf32>
    %add3A_21 = arith.addf %get3A_14, %get3A_20 : vector<1000x1xf32>
    %get3A_22 = arith.constant 0 : index
    %get3A_23 = arith.constant 0 : index
    %get3A_24 = vector.load %arg1[%get3A_22, %get3A_23] : memref<1000x128xf32, #tpu.memory_space<vmem>>, vector<1000x128xf32>
    %max3A = arith.constant 1.000000e+00 : f32
    %max3A_25 = vector.broadcast %max3A : f32 to vector<1000x1xf32>
    %max3A_26 = arith.maximumf %add3A_21, %max3A_25 : vector<1000x1xf32>
    %div3A = vector.broadcast %max3A_26 : vector<1000x1xf32> to vector<1000x128xf32>
    %div3A_27 = arith.divf %add3A, %div3A : vector<1000x128xf32>
    %add3A_28 = arith.addf %get3A_24, %div3A_27 : vector<1000x128xf32>
    %max3A_29 = arith.constant 0.000000e+00 : f32
    %max3A_30 = vector.broadcast %max3A_29 : f32 to vector<1000x128xf32>
    %max3A_31 = arith.maximumf %add3A_28, %max3A_30 : vector<1000x128xf32>
    %get3A_32 = arith.constant 0 : index
    %get3A_33 = arith.constant 0 : index
    %get3A_34 = vector.load %arg8[%get3A_32, %get3A_33] : memref<416x1xf32, #tpu.memory_space<vmem>>, vector<128x1xf32>
    %get3A_35 = arith.constant 128 : index
    %get3A_36 = arith.constant 0 : index
    %get3A_37 = vector.load %arg8[%get3A_35, %get3A_36] : memref<416x1xf32, #tpu.memory_space<vmem>>, vector<128x1xf32>
    %get3A_38 = arith.constant 256 : index
    %get3A_39 = arith.constant 0 : index
    %get3A_40 = vector.load %arg8[%get3A_38, %get3A_39] : memref<416x1xf32, #tpu.memory_space<vmem>>, vector<128x1xf32>
    %concatenate3A = tpu.concatenate %get3A_34, %get3A_37, %get3A_40 in 1 : vector<128x1xf32>, vector<128x1xf32>, vector<128x1xf32> -> vector<128x3xf32>
    %dot_general3A = arith.constant dense<0.000000e+00> : vector<1000x3xf32>
    %dot_general3A_41 = tpu.matmul %max3A_31, %concatenate3A, %dot_general3A {dimension_numbers = #tpu.dot_dimension_numbers<[1], [0], [0], [1], [0, 0, 1, 1], [], []>, transpose_lhs_hint = false} : vector<1000x128xf32>, vector<128x3xf32>, vector<1000x3xf32> -> vector<1000x3xf32>
    %get3A_42 = arith.constant 0 : index
    %get3A_43 = arith.constant 0 : index
    %get3A_44 = arith.constant 0 : index
    %get3A_45 = vector.load %arg5[%get3A_42, %get3A_43, %get3A_44] : memref<1x1000x1xi32, #tpu.memory_space<vmem>>, vector<1x1000x1xi32>
    %get3A_46 = vector.shape_cast %get3A_45 : vector<1x1000x1xi32> to vector<1000x1xi32>
    %eq3A = arith.constant 1 : i32
    %eq3A_47 = vector.broadcast %eq3A : i32 to vector<1000x1xi32>
    %eq3A_48 = arith.cmpi eq, %get3A_46, %eq3A_47 : vector<1000x1xi32>
    %convert_element_type3A = arith.extui %eq3A_48 : vector<1000x1xi1> to vector<1000x1xi32>
    %convert_element_type3A_49 = arith.sitofp %convert_element_type3A : vector<1000x1xi32> to vector<1000x1xf32>
    %eq3A_50 = arith.constant 2 : i32
    %eq3A_51 = vector.broadcast %eq3A_50 : i32 to vector<1000x1xi32>
    %eq3A_52 = arith.cmpi eq, %get3A_46, %eq3A_51 : vector<1000x1xi32>
    %convert_element_type3A_53 = arith.extui %eq3A_52 : vector<1000x1xi1> to vector<1000x1xi32>
    %convert_element_type3A_54 = arith.sitofp %convert_element_type3A_53 : vector<1000x1xi32> to vector<1000x1xf32>
    %slice3A = vector.extract_strided_slice %dot_general3A_41 {offsets = [0, 0], sizes = [1000, 1], strides = [1, 1]} : vector<1000x3xf32> to vector<1000x1xf32>
    %slice3A_55 = vector.extract_strided_slice %dot_general3A_41 {offsets = [0, 1], sizes = [1000, 1], strides = [1, 1]} : vector<1000x3xf32> to vector<1000x1xf32>
    %mul3A = arith.mulf %slice3A_55, %convert_element_type3A_49 : vector<1000x1xf32>
    %slice3A_56 = vector.extract_strided_slice %dot_general3A_41 {offsets = [0, 2], sizes = [1000, 1], strides = [1, 1]} : vector<1000x3xf32> to vector<1000x1xf32>
    %mul3A_57 = arith.mulf %slice3A_56, %convert_element_type3A_54 : vector<1000x1xf32>
    %broadcast_in_dim3A = arith.constant 1.000000e+00 : f32
    %broadcast_in_dim3A_58 = vector.broadcast %broadcast_in_dim3A : f32 to vector<1000x1xf32>
    %concatenate3A_59 = tpu.concatenate %slice3A, %mul3A, %mul3A_57, %broadcast_in_dim3A_58 in 1 : vector<1000x1xf32>, vector<1000x1xf32>, vector<1000x1xf32>, vector<1000x1xf32> -> vector<1000x4xf32>
    %get3A_60 = arith.constant 0 : index
    %get3A_61 = arith.constant 0 : index
    %get3A_62 = arith.constant 0 : index
    %get3A_63 = vector.load %arg4[%get3A_60, %get3A_61, %get3A_62] : memref<1x1x1000xi32, #tpu.memory_space<vmem>>, vector<1x1x1000xi32>
    %get3A_64 = vector.shape_cast %get3A_63 : vector<1x1x1000xi32> to vector<1x1000xi32>
    %iota3A = tpu.iota {dimensions = array<i32: 0>} : vector<64x1000xi32>
    %eq3A_65 = vector.broadcast %get3A_64 : vector<1x1000xi32> to vector<64x1000xi32>
    %eq3A_66 = arith.cmpi eq, %iota3A, %eq3A_65 : vector<64x1000xi32>
    %convert_element_type3A_67 = arith.extui %eq3A_66 : vector<64x1000xi1> to vector<64x1000xi32>
    %convert_element_type3A_68 = arith.sitofp %convert_element_type3A_67 : vector<64x1000xi32> to vector<64x1000xf32>
    %dot_general3A_69 = arith.constant dense<0.000000e+00> : vector<64x4xf32>
    %dot_general3A_70 = tpu.matmul %convert_element_type3A_68, %concatenate3A_59, %dot_general3A_69 {dimension_numbers = #tpu.dot_dimension_numbers<[1], [0], [0], [1], [0, 0, 1, 1], [], []>, transpose_lhs_hint = false} : vector<64x1000xf32>, vector<1000x4xf32>, vector<64x4xf32> -> vector<64x4xf32>
    %eq3A_71 = arith.constant 0 : i32
    %eq3A_72 = arith.cmpi eq, %arg0, %eq3A_71 : i32
    %broadcast_in_dim3A_73 = arith.constant 0.000000e+00 : f32
    %broadcast_in_dim3A_74 = vector.broadcast %broadcast_in_dim3A_73 : f32 to vector<64x4xf32>
    %get3A_75 = arith.constant 0 : index
    %get3A_76 = arith.constant 0 : index
    %get3A_77 = vector.load %arg11[%get3A_75, %get3A_76] : memref<64x8xf32, #tpu.memory_space<vmem>>, vector<64x4xf32>
    %select_n3A = arith.select %eq3A_72, %broadcast_in_dim3A_74, %get3A_77 : vector<64x4xf32>
    %add3A_78 = arith.addf %select_n3A, %dot_general3A_70 : vector<64x4xf32>
    %swap3A = arith.constant 0 : index
    %swap3A_79 = arith.constant 0 : index
    %swap3A_80 = vector.load %arg11[%swap3A, %swap3A_79] : memref<64x8xf32, #tpu.memory_space<vmem>>, vector<64x4xf32>
    tpu.vector_store %arg11[%swap3A, %swap3A_79], %add3A_78 {strides = array<i32>} : memref<64x8xf32, #tpu.memory_space<vmem>>, vector<64x4xf32>,
    %eq3A_81 = arith.constant 9 : i32
    %eq3A_82 = arith.cmpi eq, %arg0, %eq3A_81 : i32
    %convert_element_type3A_83 = arith.extui %eq3A_82 : i1 to i32
    %cond3A = arith.constant 0 : i32
    %cond3A_84 = arith.cmpi ne, %convert_element_type3A_83, %cond3A : i32
    scf.if %cond3A_84 {
      %get3A_85 = arith.constant 384 : index
      %get3A_86 = arith.constant 0 : index
      %get3A_87 = vector.load %arg8[%get3A_85, %get3A_86] : memref<416x1xf32, #tpu.memory_space<vmem>>, vector<32x1xf32>
      %get3A_88 = arith.constant 0 : index
      %get3A_89 = arith.constant 0 : index
      %get3A_90 = vector.load %arg7[%get3A_88, %get3A_89] : memref<200x32xf32, #tpu.memory_space<vmem>>, vector<200x32xf32>
      %dot_general3A_91 = arith.constant dense<0.000000e+00> : vector<200x1xf32>
      %dot_general3A_92 = tpu.matmul %get3A_90, %get3A_87, %dot_general3A_91 {dimension_numbers = #tpu.dot_dimension_numbers<[1], [0], [0], [1], [0, 0, 1, 1], [], []>, transpose_lhs_hint = false} : vector<200x32xf32>, vector<32x1xf32>, vector<200x1xf32> -> vector<200x1xf32>
      %iota3A_93 = tpu.iota {dimensions = array<i32: 1>} : vector<64x200xi32>
      %get3A_94 = arith.constant 0 : index
      %get3A_95 = arith.constant 0 : index
      %get3A_96 = vector.load %arg6[%get3A_94, %get3A_95] : memref<64x1xi32, #tpu.memory_space<vmem>>, vector<64x1xi32>
      %eq3A_97 = vector.broadcast %get3A_96 : vector<64x1xi32> to vector<64x200xi32>
      %eq3A_98 = arith.cmpi eq, %iota3A_93, %eq3A_97 : vector<64x200xi32>
      %convert_element_type3A_99 = arith.extui %eq3A_98 : vector<64x200xi1> to vector<64x200xi32>
      %convert_element_type3A_100 = arith.sitofp %convert_element_type3A_99 : vector<64x200xi32> to vector<64x200xf32>
      %dot_general3A_101 = arith.constant dense<0.000000e+00> : vector<64x1xf32>
      %dot_general3A_102 = tpu.matmul %convert_element_type3A_100, %dot_general3A_92, %dot_general3A_101 {dimension_numbers = #tpu.dot_dimension_numbers<[1], [0], [0], [1], [0, 0, 1, 1], [], []>, transpose_lhs_hint = false} : vector<64x200xf32>, vector<200x1xf32>, vector<64x1xf32> -> vector<64x1xf32>
      %slice3A_103 = vector.extract_strided_slice %add3A_78 {offsets = [0, 0], sizes = [64, 1], strides = [1, 1]} : vector<64x4xf32> to vector<64x1xf32>
      %slice3A_104 = vector.extract_strided_slice %add3A_78 {offsets = [0, 3], sizes = [64, 1], strides = [1, 1]} : vector<64x4xf32> to vector<64x1xf32>
      %max3A_105 = arith.constant 1.000000e+00 : f32
      %max3A_106 = vector.broadcast %max3A_105 : f32 to vector<64x1xf32>
      %max3A_107 = arith.maximumf %slice3A_104, %max3A_106 : vector<64x1xf32>
      %div3A_108 = arith.divf %slice3A_103, %max3A_107 : vector<64x1xf32>
      %slice3A_109 = vector.extract_strided_slice %add3A_78 {offsets = [0, 1], sizes = [64, 1], strides = [1, 1]} : vector<64x4xf32> to vector<64x1xf32>
      %add3A_110 = arith.addf %div3A_108, %slice3A_109 : vector<64x1xf32>
      %slice3A_111 = vector.extract_strided_slice %add3A_78 {offsets = [0, 2], sizes = [64, 1], strides = [1, 1]} : vector<64x4xf32> to vector<64x1xf32>
      %add3A_112 = arith.addf %add3A_110, %slice3A_111 : vector<64x1xf32>
      %add3A_113 = arith.addf %add3A_112, %dot_general3A_102 : vector<64x1xf32>
      %get3A_114 = arith.constant 0 : index
      %get3A_115 = arith.constant 0 : index
      %get3A_116 = vector.load %arg9[%get3A_114, %get3A_115] : memref<1x1xf32, #tpu.memory_space<vmem>>, vector<1x1xf32>
      %add3A_117 = vector.broadcast %get3A_116 : vector<1x1xf32> to vector<64x1xf32>
      %add3A_118 = arith.addf %add3A_113, %add3A_117 : vector<64x1xf32>
      %swap3A_119 = arith.constant 0 : index
      %swap3A_120 = arith.constant 0 : index
      %swap3A_121 = vector.load %arg10[%swap3A_119, %swap3A_120] : memref<64x1xf32, #tpu.memory_space<vmem>>, vector<64x1xf32>
      tpu.vector_store %arg10[%swap3A_119, %swap3A_120], %add3A_118 {strides = array<i32>} : memref<64x1xf32, #tpu.memory_space<vmem>>, vector<64x1xf32>,
    } else {
    }
    return
  }
  func.func @transform_0(%arg0: i32) -> (i32, i32) {
    %c0_i32 = arith.constant 0 : i32
    %c0_i32_0 = arith.constant 0 : i32
    return %arg0, %c0_i32 : i32, i32
  }
  func.func @transform_1(%arg0: i32) -> (i32, i32, i32) {
    %c0_i32 = arith.constant 0 : i32
    %c0_i32_0 = arith.constant 0 : i32
    %c0_i32_1 = arith.constant 0 : i32
    return %c0_i32, %arg0, %c0_i32_0 : i32, i32, i32
  }
  func.func @transform_2(%arg0: i32) -> (i32, i32, i32, i32) {
    %c0_i32 = arith.constant 0 : i32
    %c0_i32_0 = arith.constant 0 : i32
    %c0_i32_1 = arith.constant 0 : i32
    %c0_i32_2 = arith.constant 0 : i32
    return %c0_i32, %arg0, %c0_i32_0, %c0_i32_1 : i32, i32, i32, i32
  }
  func.func @transform_3(%arg0: i32) -> (i32, i32, i32) {
    %c0_i32 = arith.constant 0 : i32
    %c0_i32_0 = arith.constant 0 : i32
    %c0_i32_1 = arith.constant 0 : i32
    return %arg0, %c0_i32, %c0_i32_0 : i32, i32, i32
  }
  func.func @transform_4(%arg0: i32) -> (i32, i32, i32) {
    %c0_i32 = arith.constant 0 : i32
    %c0_i32_0 = arith.constant 0 : i32
    %c0_i32_1 = arith.constant 0 : i32
    return %arg0, %c0_i32, %c0_i32_0 : i32, i32, i32
  }
  func.func @transform_5(%arg0: i32) -> (i32, i32) {
    %c0_i32 = arith.constant 0 : i32
    %c0_i32_0 = arith.constant 0 : i32
    %c0_i32_1 = arith.constant 0 : i32
    return %c0_i32, %c0_i32_0 : i32, i32
  }
  func.func @transform_6(%arg0: i32) -> (i32, i32) {
    %c0_i32 = arith.constant 0 : i32
    %c0_i32_0 = arith.constant 0 : i32
    %c0_i32_1 = arith.constant 0 : i32
    return %c0_i32, %c0_i32_0 : i32, i32
  }
  func.func @transform_7(%arg0: i32) -> (i32, i32) {
    %c0_i32 = arith.constant 0 : i32
    %c0_i32_0 = arith.constant 0 : i32
    %c0_i32_1 = arith.constant 0 : i32
    return %c0_i32, %c0_i32_0 : i32, i32
  }
  func.func @transform_8(%arg0: i32) -> (i32, i32) {
    %c0_i32 = arith.constant 0 : i32
    %c0_i32_0 = arith.constant 0 : i32
    %c0_i32_1 = arith.constant 0 : i32
    return %c0_i32, %c0_i32_0 : i32, i32
  }
  func.func @transform_9(%arg0: i32) -> (i32, i32) {
    %c0_i32 = arith.constant 0 : i32
    %c0_i32_0 = arith.constant 0 : i32
    %c0_i32_1 = arith.constant 0 : i32
    return %c0_i32, %c0_i32_0 : i32, i32
  }
}

</mosaic_0001>

<sc_bundles>
// kernel: kernel.5.cloned.1.call-start
scs
__scs_entry_jumppad:
0x0: {  	(pc) =	sbr.rel $0x88, $3  }
0x1: {  	(tag) =	ssettag $0x0;
	lr =	simm.s32 $0x1  }
0x2: {  	[smem:$0x3F91] =	sst lr;
	_ =	strace $0xD0000000  }
0x3: {  	_ = 	snop  }
0x4: {  	_ = 	snop  }
0x5: {  	_ = 	snop  }
0x6: {  	_ = 	snop  }
0x7: {  	_ = 	snop  }
__scs_overlays_trampoline_lowered:
0x8: {  	[smem:$0x3FA0] =	sst s0  }
0x9: {  	[smem:$0x3FA1] =	sst s1  }
0xa: {  	[smem:$0x3FA2] =	sst s2  }
0xb: {  	[smem:$0x3FA3] =	sst s3  }
0xc: {  	[smem:$0x3FA4] =	sst s4  }
0xd: {  	[smem:$0x3FA5] =	sst s5  }
0xe: {  	[smem:$0x3FA6] =	sst s6  }
0xf: {  	[smem:$0x3FA7] =	sst s7  }
0x10: {  	[smem:$0x3FA8] =	sst s8  }
0x11: {  	[smem:$0x3FA9] =	sst s9;
	s0 =	simm.s32 @!p0 $0x0  }
0x12: {  	s1 =	sld [smem:$0x3F8F];
	s0 =	simm.s32 @p0 $0x1  }
0x13: {  	[smem:$0x3FAA] =	sst s0;
	s0 =	simm.s32 @!p1 $0x0  }
0x14: {  	s2 =	sld [smem:$0x3F8E];
	s0 =	simm.s32 @p1 $0x1  }
0x15: {  	[smem:$0x3FAB] =	sst s0;
	s0 =	simm.s32 @!p2 $0x0  }
0x16: {  	s3 =	sld [smem:$0x3FDB];
	s0 =	simm.s32 @p2 $0x1  }
0x17: {  	s4 =	simm.s32 $0x1BF5;
	[smem:$0x3FAD] =	sst s0  }
0x18: {  	s0 =	sld [smem:$0x3F90];
	_ =	swait.ge [sflag:s4], $0x0  }
0x19: {  	s7 =	sld [smem:$0x3F91]  }
0x1a: {  	s8 =	sadd.s32 $0xFFFFE003, lr  }
0x1b: {  	s9 =	sadd.s32 $0xFFFFFEF7, lr;
	s5 =	simm.s32 $0xFFFFFFFF;
	p2 =	slt.u32 s8, $0xFFFFF086  }
0x1c: {  	p1 =	slt.u32 s9, $0xF7A;
	s5 =	simm.s32 @!p2 $0x0  }
0x1d: {  	s5 =	simm.s32 @p1 $0x1;
	p0 =	seq.s32 s7, s2  }
0x1e: {  	s7 =	smul.u32 @!p0 $0xF7A, s2;
	p2 =	seq.s32 @!p0 s5, $0x0  }
0x1f: {  	s9 =	smul.u32 $0xF7A, s1;
	s8 =	simm.s32 @!p0 $0x1BF5;
	p2 =	por !p2, p0  }
0x20: {  	[sflag:s8] =	ssyncset.s32 @!p0 $0xFFFFF086;
	s6 =	sadd.s32 @!p0 s3, s7;
	s7 =	simm.s32 @!p0 $0x108  }
0x21: {  	s3 =	sadd.s32 s3, s9;
	s6 =	sadd.s32 @!p0 $0x88, s6;
	s7 =	simm.s32 @p2 $0x1082  }
0x22: {  	[simem:s7], [sflag:s8] =	dma.local @!p0 [hbm:s6], $0xF7A  }
0x23: {  	s9 =	sor.u32 $0xD0000000, s2;
	s6 =	simm.s32 $0x108;
	_ =	swait.ge @!p0 [sflag:s8], $0x0  }
0x24: {  	s3 =	sadd.s32 $0x88, s3;
	s6 =	simm.s32 @!p1 $0x1082;
	[sflag:s4] =	ssyncset.s32 $0xFFFFF086  }
0x25: {  	[simem:s6], [sflag:s4] =	dma.local [hbm:s3], $0xF7A  }
0x26: {  	[smem:$0x3F91] =	sst s1;
	(tag) =	ssettag s2;
	_ =	strace s9  }
0x27: {  	s1 =	sld [smem:$0x3FA1]  }
0x28: {  	s2 =	sld [smem:$0x3FA2]  }
0x29: {  	s4 =	sld [smem:$0x3FA4]  }
0x2a: {  	p0 =	seq.s32 s5, $0x0;
	s5 =	sld [smem:$0x3FA5]  }
0x2b: {  	s6 =	sld [smem:$0x3FA6]  }
0x2c: {  	s7 =	sld [smem:$0x3FA7]  }
0x2d: {  	s3 =	simm.s32 $0x108;
	s8 =	sld [smem:$0x3FA8]  }
0x2e: {  	s3 =	simm.s32 @!p0 $0x1082;
	s9 =	sld [smem:$0x3FA9]  }
0x2f: {  	lr =	sadd.s32 s0, s3;
	s0 =	sld [smem:$0x3FA0]  }
0x30: {  	s3 =	sld [smem:$0x3FA3]  }
0x31: {  	[smem:$0x3FAC] =	sst s10  }
0x32: {  	s10 =	sld [smem:$0x3FAA];
	_ =	sdelay $0x3  }
0x33: {  	p0 =	seq.s32 s10, $0x1;
	s10 =	sld [smem:$0x3FAC];
	_ =	sdelay $0x3  }
0x34: {  	[smem:$0x3FAC] =	sst s10  }
0x35: {  	s10 =	sld [smem:$0x3FAB];
	_ =	sdelay $0x3  }
0x36: {  	p1 =	seq.s32 s10, $0x1;
	s10 =	sld [smem:$0x3FAC];
	_ =	sdelay $0x3  }
0x37: {  	[smem:$0x3FAC] =	sst s10  }
0x38: {  	s10 =	sld [smem:$0x3FAD]  }
0x39: {  	_ = 	snop;
	(pc) =	sbr.ind lr, $3  }
0x3a: {  	_ = 	snop  }
0x3b: {  	_ = 	snop  }
0x3c: {  	p2 =	seq.s32 s10, $0x1;
	s10 =	sld [smem:$0x3FAC]  }
0x3d: {  	_ =	shalt  }
0x3e: {  	_ =	shalt  }
0x3f: {  	_ =	shalt  }
0x40: {  	_ =	shalt  }
0x41: {  	_ =	shalt  }
0x42: {  	_ =	shalt  }
0x43: {  	_ =	shalt  }
0x44: {  	_ =	shalt  }
0x45: {  	_ =	shalt  }
0x46: {  	_ =	shalt  }
0x47: {  	_ =	shalt  }
0x48: {  	_ =	shalt  }
0x49: {  	_ =	shalt  }
0x4a: {  	_ =	shalt  }
0x4b: {  	_ =	shalt  }
0x4c: {  	_ =	shalt  }
0x4d: {  	_ =	shalt  }
0x4e: {  	_ =	shalt  }
0x4f: {  	_ =	shalt  }
0x50: {  	_ =	shalt  }
0x51: {  	_ =	shalt  }
0x52: {  	_ =	shalt  }
0x53: {  	_ =	shalt  }
0x54: {  	_ =	shalt  }
0x55: {  	_ =	shalt  }
0x56: {  	_ =	shalt  }
0x57: {  	_ =	shalt  }
0x58: {  	_ =	shalt  }
0x59: {  	_ =	shalt  }
0x5a: {  	_ =	shalt  }
0x5b: {  	_ =	shalt  }
0x5c: {  	_ =	shalt  }
0x5d: {  	_ =	shalt  }
0x5e: {  	_ =	shalt  }
0x5f: {  	_ =	shalt  }
0x60: {  	_ =	shalt  }
0x61: {  	_ =	shalt  }
0x62: {  	_ =	shalt  }
0x63: {  	_ =	shalt  }
0x64: {  	_ =	shalt  }
0x65: {  	_ =	shalt  }
0x66: {  	_ =	shalt  }
0x67: {  	_ =	shalt  }
0x68: {  	_ =	shalt  }
0x69: {  	_ =	shalt  }
0x6a: {  	_ =	shalt  }
0x6b: {  	_ =	shalt  }
0x6c: {  	_ =	shalt  }
0x6d: {  	_ =	shalt  }
0x6e: {  	_ =	shalt  }
0x6f: {  	_ =	shalt  }
0x70: {  	_ =	shalt  }
0x71: {  	_ =	shalt  }
0x72: {  	_ =	shalt  }
0x73: {  	_ =	shalt  }
0x74: {  	_ =	shalt  }
0x75: {  	_ =	shalt  }
0x76: {  	_ =	shalt  }
0x77: {  	_ =	shalt  }
0x78: {  	_ =	shalt  }
0x79: {  	_ =	shalt  }
0x7a: {  	_ =	shalt  }
0x7b: {  	_ =	shalt  }
0x7c: {  	_ =	shalt  }
0x7d: {  	_ =	shalt  }
0x7e: {  	_ =	shalt  }
0x7f: {  	_ =	shalt  }
0x80: {  	_ =	shalt  }
0x81: {  	_ =	shalt  }
0x82: {  	_ =	shalt  }
0x83: {  	_ =	shalt  }
0x84: {  	_ =	shalt  }
0x85: {  	_ =	shalt  }
0x86: {  	_ =	shalt  }
0x87: {  	_ =	shalt  }
.Lfunc_end0:
.L_simem_size_0:
called_computation_lowered:
.L_overlay_start_0:
0x88: {  	s2 =	sld [smem:$0x3FD9]  }
0x89: {  	s3 =	sld [smem:$0x3FFE];
	_ =	sdelay $0x1  }
0x8a: {  	s1 =	srdreg.scid  }
0x8b: {  	s0 =	sand.u32 $0x1, s1  }
0x8c: {  	s16 =	sshll.u32 s0, $0xA;
	s2 =	sadd.s32 s3, s2  }
0x8d: {  	s2 =	sadd.s32 s2, s16  }
0x8e: {  	[smem:$0x3FB8] =	sst s2  }
0x8f: {  	_ = 	snop  }
0x90: {  	(tm) =	ssettm $0x1  }
0x91: {  	s17 =	sld [smem:$0x3FFB];
	_ =	sdelay $0x3  }
0x92: {  	_ =	strace s17  }
0x93: {  	s2 =	sld [smem:$0x3FFC];
	_ =	sdelay $0x3  }
0x94: {  	_ =	strace s2  }
0x95: {  	s2 =	sld [smem:$0x3FFD];
	_ =	sdelay $0x3  }
0x96: {  	_ =	strace s2  }
0x97: {  	_ =	strace $0x8FFFFFFF  }
0x98: {  	s18 =	sld [smem:$0x3FDB];
	_ =	sdelay $0x1  }
0x99: {  	s19 =	simm.s32 $_scs_section_size  }
0x9a: {  	s4 =	simm.s32 $_size__tile_overlayer_lowered;
	s5 =	simm.s32 $_tile_overlayer_lowered  }
0x9b: {  	s22 =	simm.s32 $0x1BFF;
	s21 =	sshll.u32 s5, $0x1;
	s2 =	sadd.s32 s19, s18  }
0x9c: {  	s6 =	simm.s32 $0x0;
	s20 =	sshll.u32 s4, $0x1;
	s4 =	sadd.s32 s21, s2  }
0x9d: {  	[timem:s6], [sflag:s22] =	dma.local [hbm:s4], s20  }
0x9e: {  	_ =	swait.ge [sflag:s22], s20  }
0x9f: {  	s3 =	ssub.s32 $0x0, s20;
	[sflag:s22] =	ssyncset.done $0x0  }
0xa0: {  	[sflag:s22] =	ssyncadd.s32 s3;
	_ =	sdelay $0x1  }
0xa1: {  	s23 =	simm.s32 $0x1B8B  }
0xa2: {  	_ =	swait.ge [sflag:s23], $0x1  }
0xa3: {  	[sflag:s23] =	ssyncset.done $0x0  }
0xa4: {  	s25 =	simm.s32 $0x1B8E;
	s24 =	sld [smem:$0x3FFE];
	[sflag:s23] =	ssyncadd.s32 $0xFFFFFFFF  }
0xa5: {  	s26 =	simm.s32 $execute0_lowered;
	[smem:$0x3FD2] =	sst s25  }
0xa6: {  	s4 =	sshll.u32 s26, $0x1;
	_ =	strace $0x80000046;
	[dreg:$0x1] =	wrdreg $0xFFFFFFFF  }
0xa7: {  	s28 =	simm.s32 $_size_execute0_lowered;
	s2 =	sadd.s32 s2, s4;
	[dreg:$0x0] =	wrdreg $0x0  }
0xa8: {  	s4 =	sshll.u32 s28, $0x1;
	[dreg:$0x2] =	wrdreg s2  }
0xa9: {  	[dreg:$0x3] =	wrdreg s4  }
0xaa: {  	[dreg:$0x4] =	wrdreg $0xC0  }
0xab: {  	_ =	task [dreg:s6], $0x5FFFF  }
0xac: {  	[dreg:$0x1] =	wrdreg $0xFFFFFFFF  }
0xad: {  	[dreg:$0x0] =	wrdreg $0x60  }
0xae: {  	[dreg:$0x2] =	wrdreg s24  }
0xaf: {  	[dreg:$0x3] =	wrdreg $0x66800  }
0xb0: {  	[dreg:$0x4] =	wrdreg $0x1A5800  }
0xb1: {  	[dreg:$0x5] =	wrdreg $0x1A2800  }
0xb2: {  	[dreg:$0x6] =	wrdreg $0x9  }
0xb3: {  	_ =	task.clear_ibuf [dreg:s6], $0x7FFFF;
	_ =	strace $0x90000046  }
0xb4: {  	s29 =	simm.s32 $0x9;
	_ =	strace $0x80000048  }
0xb5: {  	_ =	swait.ge [sflag:s29], $0x1  }
0xb6: {  	[sflag:s29] =	ssyncadd.s32 $0xFFFFFFFF  }
0xb7: {  	_ =	strace $0x90000048  }
0xb8: {  	_ =	sfence  }
0xb9: {  	s30 =	sld [smem:$0x0];
	_ =	sdelay $0x2  }
0xba: {  	s31 =	sshll.u32 s1, $0xD;
	s1 =	sshrl.u32 s1, $0x2  }
0xbb: {  	s3 =	sand.u32 $0x4000, s31;
	s1 =	sadd.s32 s1, s30  }
0xbc: {  	s0 =	sor.u32 s3, s0;
	s1 =	sshll.u32 s1, $0x11  }
0xbd: {  	s0 =	sor.u32 s1, s0  }
0xbe: {  	s0 =	sadd.s32 $0x8F2B, s0  }
0xbf: {  	[sflag:s0] =	ssyncadd.remote.s32 $0x1  }
0xc0: {  	_ =	sfence.sel $0xFFFF  }
0xc1: {  	[dreg:$0x0] =	wrdreg $0xFFFFFFFF;
	(pc) =	sbr.abs _section_cstart, $3  }
0xc2: {  	[dreg:$0x1] =	wrdreg $0xFFFFFFFF  }
0xc3: {  	_ =	task.clear_ibuf [dreg:s6], $0x2FFFF;
	_ =	strace $0x9FFFFFFF  }
0xc4: {  	(tm) =	ssettm $0x7FFFFFFF  }
0xc5: {  	_ =	shalt  }
tec
execute0_lowered:
.L_overlay_start_1:
0x0: {  	(tag) =	ssettag $0x1  }
0x1: {  	s0 =	rddreg [dreg:$0x0]  }
0x2: {  	s1 =	rddreg [dreg:$0x1]  }
0x3: {  	s2 =	rddreg [dreg:$0x2]  }
0x4: {  	s3 =	rddreg [dreg:$0x3]  }
0x5: {  	s4 =	simm.s32 $0x0;
	s6 =	srdreg.scid;
	s31 =	simm.s32 $0x280  }
0x6: {  	s28 =	simm.s32 $0x6600;
	[smem:$0x7FF] =	sst s4;
	s4 =	stileid.u32  }
0x7: {  	s29 =	simm.s32 $0x380;
	s6 =	sand.u32 $0x1, s6;
	s10 =	smul.u32 $0x13C00, s4  }
0x8: {  	s5 =	sadd.s32 $0x21600, s0;
	s7 =	sadd.s32 $0x20800, s0;
	s11 =	smul.u32 $0x13C000, s6  }
0x9: {  	s8 =	sadd.s32 $0x16800, s0;
	s9 =	sadd.s32 $0xC800, s0;
	s13 =	smul.u32 $0x300, s4  }
0xa: {  	_ =	strace $0x80000047;
	[dreg:$0x5] =	wrdreg s7;
	s22 =	smul.u32 $0x600, s4  }
0xb: {  	s7 =	sadd.s32 $0x2800, s0;
	s15 =	sshll.u32 s6, $0x7;
	s23 =	smul.u32 $0x4F000, s4  }
0xc: {  	s16 =	sshll.u32 s6, $0x4;
	s6 =	ssub.s32 $0x2, s6;
	s26 =	sshll.u32 s4, $0x6  }
0xd: {  	p0 =	sne.s32 s4, $0x0;
	s24 =	sor.u32 s4, s16;
	s25 =	sshrl.u32 s6, $0x1  }
0xe: {  	s17 =	sor.u32 $0x1C0C, s26;
	s4 =	simm.s32 $0x7;
	s12 =	sshrl.u32 s10, $0x3  }
0xf: {  	s10 =	sadd.s32 s10, s11;
	s14 =	sshrl.u32 s13, $0x3;
	s11 =	sor.u32 s15, s22  }
0x10: {  	s15 =	sshrl.u32 s23, $0x2;
	s6 =	ssub.s32 s6, s25;
	s13 =	sadd.s32 s13, s3  }
0x11: {  	[dreg:$0x8] =	wrdreg s17;
	s12 =	sadd.s32 s12, s0;
	s10 =	sshrl.u32 s10, $0x3  }
0x12: {  	s14 =	sadd.s32 s14, s0;
	s11 =	sshrl.u32 s11, $0x3;
	s15 =	sadd.s32 s15, s1  }
0x13: {  	[dreg:$0x9] =	wrdreg s13;
	s13 =	simm.s32 $0x40;
	s10 =	sadd.s32 s10, s0  }
0x14: {  	s0 =	sadd.s32 s11, s0;
	[dreg:$0x6] =	wrdreg s15;
	s12 =	sadd.s32 $0x48800, s12  }
0x15: {  	s11 =	smul.u32 $0x2800, s24;
	s15 =	sadd.s32 $0x70000, s14;
	[dreg:$0x7] =	wrdreg s12  }
0x16: {  	s14 =	simm.s32 $0x600;
	[dreg:$0xa] =	wrdreg s15;
	s26 =	sadd.s32 $0x71200, s10  }
0x17: {  	s0 =	sadd.s32 $0x70600, s0;
	s10 =	simm.s32 $0x6;
	[dreg:$0x15] =	wrdreg s26  }
0x18: {  	s15 =	simm.s32 $0x0;
	s22 =	sor.u32 $0x80, s11;
	[dreg:$0x16] =	wrdreg s0  }
0x19: {  	s30 =	sshrl.u32 s11, $0x3;
	s23 =	sor.u32 $0xC0, s11;
	[dreg:$0x11] =	wrdreg s22  }
0x1a: {  	s24 =	sor.u32 $0x100, s11;
	s25 =	sor.u32 $0x140, s11;
	[dreg:$0x12] =	wrdreg s23  }
0x1b: {  	s11 =	simm.s32 $0xC;
	s26 =	simm.s32 $0xB;
	[dreg:$0x13] =	wrdreg s24  }
0x1c: {  	s0 =	simm.s32 $0x3;
	s16 =	sadd.s32 s7, s30;
	[dreg:$0x14] =	wrdreg s25  }
0x1d: {  	s18 =	sadd.s32 s8, s30;
	s19 =	sadd.s32 s9, s30;
	[dreg:$0xb] =	wrdreg s16  }
0x1e: {  	s12 =	sor.u32 $0x8, s30;
	s30 =	smax.u32 s6, $0x1;
	[dreg:$0xc] =	wrdreg s18  }
0x1f: {  	s24 =	simm.s32 $0x1;
	s25 =	simm.s32 $0x5;
	[dreg:$0xd] =	wrdreg s19  }
0x20: {  	s22 =	simm.s32 $0xA;
	s20 =	sadd.s32 s7, s12;
	[dreg:$0x17] =	wrdreg s30  }
0x21: {  	s23 =	simm.s32 $0x4;
	s21 =	sadd.s32 s8, s12;
	[dreg:$0xe] =	wrdreg s20  }
0x22: {  	s12 =	sadd.s32 s9, s12;
	s16 =	simm.s32 $0x300;
	[dreg:$0xf] =	wrdreg s21  }
0x23: {  	s18 =	simm.s32 $0x2;
	s19 =	simm.s32 $0x2600;
	[dreg:$0x10] =	wrdreg s12  }
0x24: {  	v0 =	vimm.f32 $1.000000000e+00;
	s20 =	simm.s32 $0x4600;
	s12 =	simm.s32 $0x9;
	s21 =	simm.s32 $0x8  }
.LBB2_1:
0x25: {  	[dreg:$0x18] =	wrdreg s15  }
0x26: {  	s6 =	rddreg [dreg:$0x6]  }
0x27: {  	s30 =	rddreg [dreg:$0x7];
	s6 =	sshrl.u32 s6, $0x3  }
0x28: {  	[dreg:$0x19] =	wrdreg s6  }
0x29: {  	[spmem:s6], [sflag:s17] =	dma.local [hbm:s30], $0x2780  }
0x2a: {  	_ =	swait.ge [sflag:s11], $0x2780  }
0x2b: {  	s30 =	rddreg [dreg:$0x9]  }
0x2c: {  	[sflag:s11] =	ssyncset.done $0x0;
	s6 =	sshrl.u32 s30, $0x3;
	s30 =	rddreg [dreg:$0xa]  }
0x2d: {  	[sflag:s11] =	ssyncadd.s32 $0xFFFFD880;
	[dreg:$0x1a] =	wrdreg s6  }
0x2e: {  	[spmem:s6], [sflag:s17] =	dma.local [hbm:s30], $0x60  }
0x2f: {  	_ =	swait.ge [sflag:s11], $0x60  }
0x30: {  	[sflag:s11] =	ssyncset.done $0x0  }
0x31: {  	s15 =	sshrl.u32 @!p0 s2, $0x3;
	s6 =	rddreg [dreg:$0x5];
	[sflag:s11] =	ssyncadd.s32 $0xFFFFFFA0  }
0x32: {  	[spmem:s15], [sflag:s17] =	dma.local @!p0 [hbm:s6], $0xC80  }
0x33: {  	s15 =	simm.s32 @!p0 $0xC  }
0x34: {  	_ =	swait.ge @!p0 [sflag:s15], $0xC80  }
0x35: {  	[sflag:s15] =	ssyncset.done @!p0 $0x0  }
0x36: {  	[sflag:s15] =	ssyncadd.s32 @!p0 $0xFFFFF380  }
0x37: {  	[tilespmem:$0x6600] =	vst v0  }
0x38: {  	[tilespmem:$0x6610] =	vst v0  }
0x39: {  	[tilespmem:$0x6620] =	vst v0  }
0x3a: {  	[tilespmem:$0x6630] =	vst v0  }
0x3b: {  	[bflag:$0x0] =	sbarrier.arrive $0xFFFF  }
0x3c: {  	s6 =	simm.s32 $0x0;
	s15 =	rddreg [dreg:$0xb]  }
0x3d: {  	[tilespmem:s6], [sflag:$0x1] =	stream.linear.gather [hbm4b:s15+s6], $0x40, $0x38;
	[tilespmem:$0x1ABC0] =	vst v63  }
0x3e: {  	s30 =	simm.s32 $0x200;
	s17 =	rddreg [dreg:$0xc]  }
0x3f: {  	[tilespmem:s30], [sflag:$0x1] =	stream.linear.gather [hbm4b:s17+s6], $0x40, $0x38;
	[tilespmem:$0x1ABC0] =	vst v63  }
0x40: {  	s17 =	rddreg [dreg:$0xd];
	s30 =	simm.s32 $0x400  }
0x41: {  	[tilespmem:s30], [sflag:$0x1] =	stream.linear.gather [hbm4b:s17+s6], $0x40, $0x38;
	[tilespmem:$0x1ABC0] =	vst v63  }
0x42: {  	s17 =	rddreg [dreg:$0xe];
	s30 =	simm.s32 $0x80  }
0x43: {  	[tilespmem:s30], [sflag:$0x2] =	stream.linear.gather [hbm4b:s17+s6], $0x40, $0x38;
	[tilespmem:$0x1ABC0] =	vst v63  }
0x44: {  	s17 =	rddreg [dreg:$0xf]  }
0x45: {  	[tilespmem:s31], [sflag:$0x2] =	stream.linear.gather [hbm4b:s17+s6], $0x40, $0x38;
	[tilespmem:$0x1ABC0] =	vst v63  }
0x46: {  	s30 =	rddreg [dreg:$0x10];
	s31 =	simm.s32 $0x480  }
0x47: {  	[tilespmem:s31], [sflag:$0x2] =	stream.linear.gather [hbm4b:s30+s6], $0x40, $0x38;
	[tilespmem:$0x1ABC0] =	vst v63  }
0x48: {  	_ =	swait.ge [sflag:s24], $0x40  }
0x49: {  	[sflag:s24] =	ssyncset.done $0x0  }
0x4a: {  	[sflag:s24] =	ssyncadd.s32 $0xFFFFFFC0  }
0x4b: {  	_ =	swait.ge [sflag:s24], $0x40  }
0x4c: {  	[sflag:s24] =	ssyncset.done $0x0  }
0x4d: {  	[sflag:s24] =	ssyncadd.s32 $0xFFFFFFC0  }
0x4e: {  	_ =	swait.ge [sflag:s24], $0x40  }
0x4f: {  	[sflag:s24] =	ssyncset.done $0x0  }
0x50: {  	[sflag:s24] =	ssyncadd.s32 $0xFFFFFFC0;
	s24 =	simm.s32 $0x0  }
0x51: {  	[tilespmem:s14], [sflag:$0x5] =	stream.indirect.gather [hbm4b:s5+s13], $0x80, s6, s13, $0xb8;
	[tilespmem:$0x1ABC0] =	vst v63  }
.LBB2_2:
0x52: {  	p1 =	seq.s32 s24, $0x0  }
0x53: {  	s17 =	simm.s32 @!p1 $0x8  }
0x54: {  	_ =	swait.ge @!p1 [sflag:s17], $0x2000  }
0x55: {  	[sflag:s17] =	ssyncset.done @!p1 $0x0  }
0x56: {  	[sflag:s17] =	ssyncadd.s32 @!p1 $0xFFFFE000;
	s17 =	simm.s32 @!p1 $0xA  }
0x57: {  	_ =	swait.ge @!p1 [sflag:s17], $0x40  }
0x58: {  	s15 =	sshll.u32 s24, $0x8;
	s6 =	rddreg [dreg:$0x11]  }
0x59: {  	s30 =	sadd.s32 s15, s6  }
0x5a: {  	s11 =	simm.s32 $0x100;
	[sflag:s17] =	ssyncset.done @!p1 $0x0;
	s30 =	sshrl.u32 s30, $0x3  }
0x5b: {  	[sflag:s17] =	ssyncadd.s32 @!p1 $0xFFFFFFC0;
	s6 =	simm.s32 $0x0;
	s31 =	sadd.s32 s7, s30  }
0x5c: {  	[tilespmem:s11], [sflag:$0x3] =	stream.linear.gather [hbm4b:s31+s6], $0x40, $0x38;
	[tilespmem:$0x1ABC0] =	vst v63  }
0x5d: {  	s31 =	sadd.s32 s8, s30  }
0x5e: {  	[tilespmem:s16], [sflag:$0x3] =	stream.linear.gather [hbm4b:s31+s6], $0x40, $0x38;
	[tilespmem:$0x1ABC0] =	vst v63  }
0x5f: {  	s11 =	sadd.s32 s9, s30;
	s31 =	simm.s32 $0x500  }
0x60: {  	[tilespmem:s31], [sflag:$0x3] =	stream.linear.gather [hbm4b:s11+s6], $0x40, $0x38;
	[tilespmem:$0x1ABC0] =	vst v63  }
0x61: {  	_ =	swait.ge [sflag:s18], $0x40  }
0x62: {  	[sflag:s18] =	ssyncset.done $0x0  }
0x63: {  	[sflag:s18] =	ssyncadd.s32 $0xFFFFFFC0  }
0x64: {  	_ =	swait.ge [sflag:s18], $0x40  }
0x65: {  	[sflag:s18] =	ssyncset.done $0x0  }
0x66: {  	[sflag:s18] =	ssyncadd.s32 $0xFFFFFFC0  }
0x67: {  	_ =	swait.ge [sflag:s18], $0x40  }
0x68: {  	[sflag:s18] =	ssyncset.done $0x0  }
0x69: {  	s17 =	simm.s32 $0x80;
	[sflag:s18] =	ssyncadd.s32 $0xFFFFFFC0  }
0x6a: {  	[tilespmem:s19], [sflag:$0x6] =	stream.indirect.gather [hbm4b:s5+s13], $0x80, s17, s13, $0xb8;
	[tilespmem:$0x1ABC0] =	vst v63  }
0x6b: {  	s31 =	simm.s32 $0x400  }
0x6c: {  	[tilespmem:s20], [sflag:$0xB] =	stream.indirect.gather [spmem:s2], $0x80, s31, s13, $0xb8;
	[tilespmem:$0x1ABC0] =	vst v63  }
0x6d: {  	_ =	swait.ge [sflag:s25], $0x2000  }
0x6e: {  	[sflag:s25] =	ssyncset.done $0x0  }
0x6f: {  	[sflag:s25] =	ssyncadd.s32 $0xFFFFE000  }
0x70: {  	_ =	swait.ge [sflag:s26], $0x2000  }
0x71: {  	[sflag:s26] =	ssyncset.done $0x0  }
0x72: {  	s30 =	simm.s32 $0x0;
	[sflag:s26] =	ssyncadd.s32 $0xFFFFE000  }
0x73: {  	v8 =	vld [tilespmem:s30+$0x4600]  }
0x74: {  	v12 =	vld [tilespmem:s30+$0x4610]  }
0x75: {  	v6 =	vld [tilespmem:s30+$0x4620]  }
0x76: {  	v5 =	vld [tilespmem:s30+$0x4630]  }
0x77: {  	v4 =	vld [tilespmem:s30+$0x4640]  }
0x78: {  	v3 =	vld [tilespmem:s30+$0x4650]  }
0x79: {  	v2 =	vld [tilespmem:s30+$0x4660]  }
0x7a: {  	v1 =	vld [tilespmem:s30+$0x4670]  }
0x7b: {  	v13 =	vld [tilespmem:s30+$0x600]  }
0x7c: {  	v14 =	vld [tilespmem:s30+$0x610]  }
0x7d: {  	v11 =	vld [tilespmem:s30+$0x620]  }
0x7e: {  	v10 =	vld [tilespmem:s30+$0x630]  }
0x7f: {  	v9 =	vld [tilespmem:s30+$0x640]  }
0x80: {  	v7 =	vld [tilespmem:s30+$0x650];
	v13 =	vadd.f32 v8, v13  }
0x81: {  	s17 =	simm.s32 $0x200;
	v12 =	vadd.f32 v12, v14;
	v8 =	vld [tilespmem:s30+$0x660]  }
.LBB2_3:
0x82: {  	s6 =	sshra.s32 s17, $0x2;
	p1 =	sne.s32 s17, $0x7E00;
	[tilespmem:s30+$0x600] =	vst v13;
	v6 =	vadd.f32 v6, v11;
	v11 =	vld [tilespmem:s30+$0x670]  }
0x83: {  	v13 =	vld [tilespmem:s6+$0x4600];
	[tilespmem:s30+$0x610] =	vst v12;
	v5 =	vadd.f32 v5, v10  }
0x84: {  	v12 =	vld [tilespmem:s6+$0x4610];
	[tilespmem:s30+$0x620] =	vst v6;
	v4 =	vadd.f32 v4, v9  }
0x85: {  	v6 =	vld [tilespmem:s6+$0x4620];
	[tilespmem:s30+$0x630] =	vst v5;
	v3 =	vadd.f32 v3, v7  }
0x86: {  	v5 =	vld [tilespmem:s6+$0x4630];
	[tilespmem:s30+$0x640] =	vst v4;
	v2 =	vadd.f32 v2, v8  }
0x87: {  	v4 =	vld [tilespmem:s6+$0x4640];
	[tilespmem:s30+$0x650] =	vst v3;
	v1 =	vadd.f32 v1, v11  }
0x88: {  	v3 =	vld [tilespmem:s6+$0x4650];
	[tilespmem:s30+$0x660] =	vst v2  }
0x89: {  	v2 =	vld [tilespmem:s6+$0x4660];
	[tilespmem:s30+$0x670] =	vst v1;
	s30 =	smov.u32 s6  }
0x8a: {  	v1 =	vld [tilespmem:s30+$0x4670]  }
0x8b: {  	v7 =	vld [tilespmem:s30+$0x600]  }
0x8c: {  	v8 =	vld [tilespmem:s30+$0x610]  }
.Ltmp0:
0x8d: {  	v11 =	vld [tilespmem:s30+$0x620];
	(pc) =	sbr.rel @p1 .LBB2_3-.Ltmp0, $4  }
0x8e: {  	v10 =	vld [tilespmem:s30+$0x630]  }
0x8f: {  	v9 =	vld [tilespmem:s30+$0x640]  }
0x90: {  	v13 =	vadd.f32 v13, v7;
	v7 =	vld [tilespmem:s30+$0x650]  }
0x91: {  	s17 =	sadd.s32 $0x200, s17;
	v12 =	vadd.f32 v12, v8;
	v8 =	vld [tilespmem:s30+$0x660]  }
0x92: {  	[tilespmem:s30+$0x600] =	vst v13;
	v6 =	vadd.f32 v6, v11;
	v11 =	vld [tilespmem:s30+$0x670]  }
0x93: {  	[tilespmem:s30+$0x610] =	vst v12;
	v5 =	vadd.f32 v5, v10  }
0x94: {  	[tilespmem:s30+$0x620] =	vst v6;
	v4 =	vadd.f32 v4, v9  }
0x95: {  	[tilespmem:s30+$0x630] =	vst v5;
	v3 =	vadd.f32 v3, v7  }
0x96: {  	[tilespmem:s30+$0x640] =	vst v4;
	v2 =	vadd.f32 v2, v8  }
0x97: {  	[tilespmem:s30+$0x650] =	vst v3;
	v1 =	vadd.f32 v1, v11  }
0x98: {  	[tilespmem:s30+$0x660] =	vst v2  }
0x99: {  	s6 =	simm.s32 $0x200;
	[tilespmem:s30+$0x670] =	vst v1  }
0x9a: {  	[spmem:s1] =	stream.indirect.scatter.add.f32 [tilespmem:s14], [sflag:$0x7], $0x80, s6, s13, $0xb8;
	[tilespmem:$0x1ABC0] =	vst v63  }
0x9b: {  	_ = 	snop  }
0x9c: {  	[spmem:s3] =	stream.indirect.scatter.add.f32 [tilespmem:s28], [sflag:$0x9], $0x1, s6, s13, $0xb8;
	[tilespmem:$0x1ABC0] =	vst v63  }
0x9d: {  	_ =	swait.ge [sflag:s4], $0x2000  }
0x9e: {  	[sflag:s4] =	ssyncset.done $0x0  }
0x9f: {  	[sflag:s4] =	ssyncadd.s32 $0xFFFFE000  }
0xa0: {  	_ =	swait.ge [sflag:s12], $0x40  }
0xa1: {  	s31 =	rddreg [dreg:$0x12]  }
0xa2: {  	s6 =	sadd.s32 s15, s31  }
0xa3: {  	s11 =	simm.s32 $0x180;
	[sflag:s12] =	ssyncset.done $0x0;
	s6 =	sshrl.u32 s6, $0x3  }
0xa4: {  	s30 =	simm.s32 $0x0;
	[sflag:s12] =	ssyncadd.s32 $0xFFFFFFC0;
	s17 =	sadd.s32 s7, s6  }
0xa5: {  	[tilespmem:s11], [sflag:$0x4] =	stream.linear.gather [hbm4b:s17+s30], $0x40, $0x38;
	[tilespmem:$0x1ABC0] =	vst v63  }
0xa6: {  	s11 =	sadd.s32 s8, s6  }
0xa7: {  	[tilespmem:s29], [sflag:$0x4] =	stream.linear.gather [hbm4b:s11+s30], $0x40, $0x38;
	[tilespmem:$0x1ABC0] =	vst v63  }
0xa8: {  	s31 =	simm.s32 $0x580;
	s6 =	sadd.s32 s9, s6  }
0xa9: {  	[tilespmem:s31], [sflag:$0x4] =	stream.linear.gather [hbm4b:s6+s30], $0x40, $0x38;
	[tilespmem:$0x1ABC0] =	vst v63  }
0xaa: {  	_ =	swait.ge [sflag:s0], $0x40  }
0xab: {  	[sflag:s0] =	ssyncset.done $0x0  }
0xac: {  	[sflag:s0] =	ssyncadd.s32 $0xFFFFFFC0  }
0xad: {  	_ =	swait.ge [sflag:s0], $0x40  }
0xae: {  	[sflag:s0] =	ssyncset.done $0x0  }
0xaf: {  	[sflag:s0] =	ssyncadd.s32 $0xFFFFFFC0  }
0xb0: {  	_ =	swait.ge [sflag:s0], $0x40  }
0xb1: {  	[sflag:s0] =	ssyncset.done $0x0  }
0xb2: {  	s17 =	simm.s32 $0x100;
	[sflag:s0] =	ssyncadd.s32 $0xFFFFFFC0  }
0xb3: {  	[tilespmem:s14], [sflag:$0x5] =	stream.indirect.gather [hbm4b:s5+s13], $0x80, s17, s13, $0xb8;
	[tilespmem:$0x1ABC0] =	vst v63  }
0xb4: {  	s31 =	simm.s32 $0x480  }
0xb5: {  	[tilespmem:s20], [sflag:$0xB] =	stream.indirect.gather [spmem:s2], $0x80, s31, s13, $0xb8;
	[tilespmem:$0x1ABC0] =	vst v63  }
0xb6: {  	_ =	swait.ge [sflag:s10], $0x2000  }
0xb7: {  	[sflag:s10] =	ssyncset.done $0x0  }
0xb8: {  	[sflag:s10] =	ssyncadd.s32 $0xFFFFE000  }
0xb9: {  	_ =	swait.ge [sflag:s26], $0x2000  }
0xba: {  	[sflag:s26] =	ssyncset.done $0x0  }
0xbb: {  	s30 =	simm.s32 $0x0;
	[sflag:s26] =	ssyncadd.s32 $0xFFFFE000  }
0xbc: {  	v8 =	vld [tilespmem:s30+$0x4600]  }
0xbd: {  	v12 =	vld [tilespmem:s30+$0x4610]  }
0xbe: {  	v6 =	vld [tilespmem:s30+$0x4620]  }
0xbf: {  	v5 =	vld [tilespmem:s30+$0x4630]  }
0xc0: {  	v4 =	vld [tilespmem:s30+$0x4640]  }
0xc1: {  	v3 =	vld [tilespmem:s30+$0x4650]  }
0xc2: {  	v2 =	vld [tilespmem:s30+$0x4660]  }
0xc3: {  	v1 =	vld [tilespmem:s30+$0x4670]  }
0xc4: {  	v13 =	vld [tilespmem:s30+$0x2600]  }
0xc5: {  	v14 =	vld [tilespmem:s30+$0x2610]  }
0xc6: {  	v11 =	vld [tilespmem:s30+$0x2620]  }
0xc7: {  	v10 =	vld [tilespmem:s30+$0x2630]  }
0xc8: {  	v9 =	vld [tilespmem:s30+$0x2640]  }
0xc9: {  	v7 =	vld [tilespmem:s30+$0x2650];
	v13 =	vadd.f32 v8, v13  }
0xca: {  	s17 =	simm.s32 $0x200;
	v12 =	vadd.f32 v12, v14;
	v8 =	vld [tilespmem:s30+$0x2660]  }
.LBB2_5:
0xcb: {  	s6 =	sshra.s32 s17, $0x2;
	p1 =	sne.s32 s17, $0x7E00;
	[tilespmem:s30+$0x2600] =	vst v13;
	v6 =	vadd.f32 v6, v11;
	v11 =	vld [tilespmem:s30+$0x2670]  }
0xcc: {  	v13 =	vld [tilespmem:s6+$0x4600];
	[tilespmem:s30+$0x2610] =	vst v12;
	v5 =	vadd.f32 v5, v10  }
0xcd: {  	v12 =	vld [tilespmem:s6+$0x4610];
	[tilespmem:s30+$0x2620] =	vst v6;
	v4 =	vadd.f32 v4, v9  }
0xce: {  	v6 =	vld [tilespmem:s6+$0x4620];
	[tilespmem:s30+$0x2630] =	vst v5;
	v3 =	vadd.f32 v3, v7  }
0xcf: {  	v5 =	vld [tilespmem:s6+$0x4630];
	[tilespmem:s30+$0x2640] =	vst v4;
	v2 =	vadd.f32 v2, v8  }
0xd0: {  	v4 =	vld [tilespmem:s6+$0x4640];
	[tilespmem:s30+$0x2650] =	vst v3;
	v1 =	vadd.f32 v1, v11  }
0xd1: {  	v3 =	vld [tilespmem:s6+$0x4650];
	[tilespmem:s30+$0x2660] =	vst v2  }
0xd2: {  	v2 =	vld [tilespmem:s6+$0x4660];
	[tilespmem:s30+$0x2670] =	vst v1;
	s30 =	smov.u32 s6  }
0xd3: {  	v1 =	vld [tilespmem:s30+$0x4670]  }
0xd4: {  	v7 =	vld [tilespmem:s30+$0x2600]  }
0xd5: {  	v8 =	vld [tilespmem:s30+$0x2610]  }
.Ltmp1:
0xd6: {  	v11 =	vld [tilespmem:s30+$0x2620];
	(pc) =	sbr.rel @p1 .LBB2_5-.Ltmp1, $4  }
0xd7: {  	v10 =	vld [tilespmem:s30+$0x2630]  }
0xd8: {  	v9 =	vld [tilespmem:s30+$0x2640]  }
0xd9: {  	v13 =	vadd.f32 v13, v7;
	v7 =	vld [tilespmem:s30+$0x2650]  }
0xda: {  	s17 =	sadd.s32 $0x200, s17;
	v12 =	vadd.f32 v12, v8;
	v8 =	vld [tilespmem:s30+$0x2660]  }
0xdb: {  	[tilespmem:s30+$0x2600] =	vst v13;
	v6 =	vadd.f32 v6, v11;
	v11 =	vld [tilespmem:s30+$0x2670]  }
0xdc: {  	[tilespmem:s30+$0x2610] =	vst v12;
	v5 =	vadd.f32 v5, v10  }
0xdd: {  	[tilespmem:s30+$0x2620] =	vst v6;
	v4 =	vadd.f32 v4, v9  }
0xde: {  	[tilespmem:s30+$0x2630] =	vst v5;
	v3 =	vadd.f32 v3, v7  }
0xdf: {  	[tilespmem:s30+$0x2640] =	vst v4;
	v2 =	vadd.f32 v2, v8  }
0xe0: {  	[tilespmem:s30+$0x2650] =	vst v3;
	v1 =	vadd.f32 v1, v11  }
0xe1: {  	[tilespmem:s30+$0x2660] =	vst v2  }
0xe2: {  	s6 =	simm.s32 $0x280;
	[tilespmem:s30+$0x2670] =	vst v1  }
0xe3: {  	[spmem:s1] =	stream.indirect.scatter.add.f32 [tilespmem:s19], [sflag:$0x8], $0x80, s6, s13, $0xb8;
	[tilespmem:$0x1ABC0] =	vst v63  }
0xe4: {  	_ = 	snop  }
0xe5: {  	[spmem:s3] =	stream.indirect.scatter.add.f32 [tilespmem:s28], [sflag:$0xA], $0x1, s6, s13, $0xb8;
	[tilespmem:$0x1ABC0] =	vst v63  }
0xe6: {  	_ =	swait.ge [sflag:s21], $0x2000  }
0xe7: {  	[sflag:s21] =	ssyncset.done $0x0  }
0xe8: {  	[sflag:s21] =	ssyncadd.s32 $0xFFFFE000  }
0xe9: {  	_ =	swait.ge [sflag:s22], $0x40  }
0xea: {  	p1 =	seq.s32 s24, $0x27;
	s6 =	rddreg [dreg:$0x13]  }
0xeb: {  	s6 =	sadd.s32 @!p1 s15, s6  }
0xec: {  	[sflag:s22] =	ssyncset.done $0x0;
	s6 =	sshrl.u32 @!p1 s6, $0x3  }
0xed: {  	s30 =	simm.s32 @!p1 $0x0;
	[sflag:s22] =	ssyncadd.s32 $0xFFFFFFC0;
	s17 =	sadd.s32 @!p1 s7, s6  }
0xee: {  	[tilespmem:s30], [sflag:$0x1] =	stream.linear.gather @!p1 [hbm4b:s17+s30], $0x40, $0x38;
	[tilespmem:$0x1ABC0] =	vst v63  }
0xef: {  	s11 =	simm.s32 @!p1 $0x200;
	s17 =	sadd.s32 @!p1 s8, s6  }
0xf0: {  	[tilespmem:s11], [sflag:$0x1] =	stream.linear.gather @!p1 [hbm4b:s17+s30], $0x40, $0x38;
	[tilespmem:$0x1ABC0] =	vst v63  }
0xf1: {  	s6 =	sadd.s32 @!p1 s9, s6;
	s11 =	simm.s32 @!p1 $0x400  }
0xf2: {  	[tilespmem:s11], [sflag:$0x1] =	stream.linear.gather @!p1 [hbm4b:s6+s30], $0x40, $0x38;
	[tilespmem:$0x1ABC0] =	vst v63  }
0xf3: {  	_ =	swait.ge [sflag:s23], $0x40  }
0xf4: {  	[sflag:s23] =	ssyncset.done $0x0  }
0xf5: {  	[sflag:s23] =	ssyncadd.s32 $0xFFFFFFC0  }
0xf6: {  	_ =	swait.ge [sflag:s23], $0x40  }
0xf7: {  	[sflag:s23] =	ssyncset.done $0x0  }
0xf8: {  	[sflag:s23] =	ssyncadd.s32 $0xFFFFFFC0  }
0xf9: {  	_ =	swait.ge [sflag:s23], $0x40  }
0xfa: {  	[sflag:s23] =	ssyncset.done $0x0  }
0xfb: {  	s11 =	simm.s32 $0x180;
	[sflag:s23] =	ssyncadd.s32 $0xFFFFFFC0  }
0xfc: {  	[tilespmem:s19], [sflag:$0x6] =	stream.indirect.gather [hbm4b:s5+s13], $0x80, s11, s13, $0xb8;
	[tilespmem:$0x1ABC0] =	vst v63  }
0xfd: {  	s17 =	simm.s32 $0x500  }
0xfe: {  	[tilespmem:s20], [sflag:$0xB] =	stream.indirect.gather [spmem:s2], $0x80, s17, s13, $0xb8;
	[tilespmem:$0x1ABC0] =	vst v63  }
0xff: {  	_ =	swait.ge [sflag:s25], $0x2000  }
0x100: {  	[sflag:s25] =	ssyncset.done $0x0  }
0x101: {  	[sflag:s25] =	ssyncadd.s32 $0xFFFFE000  }
0x102: {  	_ =	swait.ge [sflag:s26], $0x2000  }
0x103: {  	[sflag:s26] =	ssyncset.done $0x0  }
0x104: {  	s30 =	simm.s32 $0x0;
	[sflag:s26] =	ssyncadd.s32 $0xFFFFE000  }
0x105: {  	v8 =	vld [tilespmem:s30+$0x4600]  }
0x106: {  	v12 =	vld [tilespmem:s30+$0x4610]  }
0x107: {  	v6 =	vld [tilespmem:s30+$0x4620]  }
0x108: {  	v5 =	vld [tilespmem:s30+$0x4630]  }
0x109: {  	v4 =	vld [tilespmem:s30+$0x4640]  }
0x10a: {  	v3 =	vld [tilespmem:s30+$0x4650]  }
0x10b: {  	v2 =	vld [tilespmem:s30+$0x4660]  }
0x10c: {  	v1 =	vld [tilespmem:s30+$0x4670]  }
0x10d: {  	v13 =	vld [tilespmem:s30+$0x600]  }
0x10e: {  	v14 =	vld [tilespmem:s30+$0x610]  }
0x10f: {  	v11 =	vld [tilespmem:s30+$0x620]  }
0x110: {  	v10 =	vld [tilespmem:s30+$0x630]  }
0x111: {  	v9 =	vld [tilespmem:s30+$0x640]  }
0x112: {  	v7 =	vld [tilespmem:s30+$0x650];
	v13 =	vadd.f32 v8, v13  }
0x113: {  	s31 =	simm.s32 $0x280;
	s17 =	simm.s32 $0x200;
	v12 =	vadd.f32 v12, v14;
	v8 =	vld [tilespmem:s30+$0x660]  }
.LBB2_7:
0x114: {  	s6 =	sshra.s32 s17, $0x2;
	p2 =	sne.s32 s17, $0x7E00;
	[tilespmem:s30+$0x600] =	vst v13;
	v6 =	vadd.f32 v6, v11;
	v11 =	vld [tilespmem:s30+$0x670]  }
0x115: {  	v13 =	vld [tilespmem:s6+$0x4600];
	[tilespmem:s30+$0x610] =	vst v12;
	v5 =	vadd.f32 v5, v10  }
0x116: {  	v12 =	vld [tilespmem:s6+$0x4610];
	[tilespmem:s30+$0x620] =	vst v6;
	v4 =	vadd.f32 v4, v9  }
0x117: {  	v6 =	vld [tilespmem:s6+$0x4620];
	[tilespmem:s30+$0x630] =	vst v5;
	v3 =	vadd.f32 v3, v7  }
0x118: {  	v5 =	vld [tilespmem:s6+$0x4630];
	[tilespmem:s30+$0x640] =	vst v4;
	v2 =	vadd.f32 v2, v8  }
0x119: {  	v4 =	vld [tilespmem:s6+$0x4640];
	[tilespmem:s30+$0x650] =	vst v3;
	v1 =	vadd.f32 v1, v11  }
0x11a: {  	v3 =	vld [tilespmem:s6+$0x4650];
	[tilespmem:s30+$0x660] =	vst v2  }
0x11b: {  	v2 =	vld [tilespmem:s6+$0x4660];
	[tilespmem:s30+$0x670] =	vst v1;
	s30 =	smov.u32 s6  }
0x11c: {  	v1 =	vld [tilespmem:s30+$0x4670]  }
0x11d: {  	v7 =	vld [tilespmem:s30+$0x600]  }
0x11e: {  	v8 =	vld [tilespmem:s30+$0x610]  }
.Ltmp2:
0x11f: {  	v11 =	vld [tilespmem:s30+$0x620];
	(pc) =	sbr.rel @p2 .LBB2_7-.Ltmp2, $4  }
0x120: {  	v10 =	vld [tilespmem:s30+$0x630]  }
0x121: {  	v9 =	vld [tilespmem:s30+$0x640]  }
0x122: {  	v13 =	vadd.f32 v13, v7;
	v7 =	vld [tilespmem:s30+$0x650]  }
0x123: {  	s17 =	sadd.s32 $0x200, s17;
	v12 =	vadd.f32 v12, v8;
	v8 =	vld [tilespmem:s30+$0x660]  }
0x124: {  	[tilespmem:s30+$0x600] =	vst v13;
	v6 =	vadd.f32 v6, v11;
	v11 =	vld [tilespmem:s30+$0x670]  }
0x125: {  	[tilespmem:s30+$0x610] =	vst v12;
	v5 =	vadd.f32 v5, v10  }
0x126: {  	[tilespmem:s30+$0x620] =	vst v6;
	v4 =	vadd.f32 v4, v9  }
0x127: {  	[tilespmem:s30+$0x630] =	vst v5;
	v3 =	vadd.f32 v3, v7  }
0x128: {  	[tilespmem:s30+$0x640] =	vst v4;
	v2 =	vadd.f32 v2, v8  }
0x129: {  	[tilespmem:s30+$0x650] =	vst v3;
	v1 =	vadd.f32 v1, v11  }
0x12a: {  	[tilespmem:s30+$0x660] =	vst v2  }
0x12b: {  	[tilespmem:s30+$0x670] =	vst v1  }
0x12c: {  	[spmem:s1] =	stream.indirect.scatter.add.f32 [tilespmem:s14], [sflag:$0x7], $0x80, s16, s13, $0xb8;
	[tilespmem:$0x1ABC0] =	vst v63  }
0x12d: {  	_ = 	snop  }
0x12e: {  	[spmem:s3] =	stream.indirect.scatter.add.f32 [tilespmem:s28], [sflag:$0x9], $0x1, s16, s13, $0xb8;
	[tilespmem:$0x1ABC0] =	vst v63  }
0x12f: {  	_ =	swait.ge [sflag:s4], $0x2000  }
0x130: {  	[sflag:s4] =	ssyncset.done $0x0  }
0x131: {  	[sflag:s4] =	ssyncadd.s32 $0xFFFFE000  }
0x132: {  	_ =	swait.ge [sflag:s12], $0x40  }
0x133: {  	s6 =	rddreg [dreg:$0x14]  }
0x134: {  	s6 =	sadd.s32 @!p1 s15, s6  }
0x135: {  	s17 =	simm.s32 @!p1 $0x80;
	[sflag:s12] =	ssyncset.done $0x0;
	s6 =	sshrl.u32 @!p1 s6, $0x3  }
0x136: {  	[sflag:s12] =	ssyncadd.s32 $0xFFFFFFC0;
	s15 =	simm.s32 @!p1 $0x0;
	s11 =	sadd.s32 @!p1 s7, s6  }
0x137: {  	[tilespmem:s17], [sflag:$0x2] =	stream.linear.gather @!p1 [hbm4b:s11+s15], $0x40, $0x38;
	[tilespmem:$0x1ABC0] =	vst v63  }
0x138: {  	s11 =	sadd.s32 @!p1 s8, s6;
	s17 =	simm.s32 @!p1 $0x280  }
0x139: {  	[tilespmem:s17], [sflag:$0x2] =	stream.linear.gather @!p1 [hbm4b:s11+s15], $0x40, $0x38;
	[tilespmem:$0x1ABC0] =	vst v63  }
0x13a: {  	s6 =	sadd.s32 @!p1 s9, s6;
	s11 =	simm.s32 @!p1 $0x480  }
0x13b: {  	[tilespmem:s11], [sflag:$0x2] =	stream.linear.gather @!p1 [hbm4b:s6+s15], $0x40, $0x38;
	[tilespmem:$0x1ABC0] =	vst v63  }
0x13c: {  	s6 =	simm.s32 @!p1 $0x1  }
0x13d: {  	_ =	swait.ge @!p1 [sflag:s6], $0x40  }
0x13e: {  	[sflag:s6] =	ssyncset.done @!p1 $0x0  }
0x13f: {  	[sflag:s6] =	ssyncadd.s32 @!p1 $0xFFFFFFC0  }
0x140: {  	_ =	swait.ge @!p1 [sflag:s6], $0x40  }
0x141: {  	[sflag:s6] =	ssyncset.done @!p1 $0x0  }
0x142: {  	[sflag:s6] =	ssyncadd.s32 @!p1 $0xFFFFFFC0  }
0x143: {  	_ =	swait.ge @!p1 [sflag:s6], $0x40  }
0x144: {  	[sflag:s6] =	ssyncset.done @!p1 $0x0  }
0x145: {  	s11 =	simm.s32 @!p1 $0x600;
	[sflag:s6] =	ssyncadd.s32 @!p1 $0xFFFFFFC0;
	s6 =	simm.s32 @!p1 $0x40  }
0x146: {  	[tilespmem:s11], [sflag:$0x5] =	stream.indirect.gather @!p1 [hbm4b:s5+s6], $0x80, s15, s6, $0xb8;
	[tilespmem:$0x1ABC0] =	vst v63  }
0x147: {  	s30 =	simm.s32 $0x580  }
0x148: {  	[tilespmem:s20], [sflag:$0xB] =	stream.indirect.gather [spmem:s2], $0x80, s30, s13, $0xb8;
	[tilespmem:$0x1ABC0] =	vst v63  }
0x149: {  	_ =	swait.ge [sflag:s10], $0x2000  }
0x14a: {  	[sflag:s10] =	ssyncset.done $0x0  }
0x14b: {  	[sflag:s10] =	ssyncadd.s32 $0xFFFFE000  }
0x14c: {  	_ =	swait.ge [sflag:s26], $0x2000  }
0x14d: {  	[sflag:s26] =	ssyncset.done $0x0  }
0x14e: {  	s15 =	simm.s32 $0x0;
	[sflag:s26] =	ssyncadd.s32 $0xFFFFE000  }
0x14f: {  	v8 =	vld [tilespmem:s15+$0x4600]  }
0x150: {  	v12 =	vld [tilespmem:s15+$0x4610]  }
0x151: {  	v6 =	vld [tilespmem:s15+$0x4620]  }
0x152: {  	v5 =	vld [tilespmem:s15+$0x4630]  }
0x153: {  	v4 =	vld [tilespmem:s15+$0x4640]  }
0x154: {  	v3 =	vld [tilespmem:s15+$0x4650]  }
0x155: {  	v2 =	vld [tilespmem:s15+$0x4660]  }
0x156: {  	v1 =	vld [tilespmem:s15+$0x4670]  }
0x157: {  	v13 =	vld [tilespmem:s15+$0x2600]  }
0x158: {  	v14 =	vld [tilespmem:s15+$0x2610]  }
0x159: {  	v11 =	vld [tilespmem:s15+$0x2620]  }
0x15a: {  	v10 =	vld [tilespmem:s15+$0x2630]  }
0x15b: {  	v9 =	vld [tilespmem:s15+$0x2640]  }
0x15c: {  	v7 =	vld [tilespmem:s15+$0x2650];
	v13 =	vadd.f32 v8, v13  }
0x15d: {  	s17 =	simm.s32 $0x200;
	v12 =	vadd.f32 v12, v14;
	v8 =	vld [tilespmem:s15+$0x2660]  }
.LBB2_9:
0x15e: {  	s6 =	sshra.s32 s17, $0x2;
	p1 =	sne.s32 s17, $0x7E00;
	[tilespmem:s15+$0x2600] =	vst v13;
	v6 =	vadd.f32 v6, v11;
	v11 =	vld [tilespmem:s15+$0x2670]  }
0x15f: {  	v13 =	vld [tilespmem:s6+$0x4600];
	[tilespmem:s15+$0x2610] =	vst v12;
	v5 =	vadd.f32 v5, v10  }
0x160: {  	v12 =	vld [tilespmem:s6+$0x4610];
	[tilespmem:s15+$0x2620] =	vst v6;
	v4 =	vadd.f32 v4, v9  }
0x161: {  	v6 =	vld [tilespmem:s6+$0x4620];
	[tilespmem:s15+$0x2630] =	vst v5;
	v3 =	vadd.f32 v3, v7  }
0x162: {  	v5 =	vld [tilespmem:s6+$0x4630];
	[tilespmem:s15+$0x2640] =	vst v4;
	v2 =	vadd.f32 v2, v8  }
0x163: {  	v4 =	vld [tilespmem:s6+$0x4640];
	[tilespmem:s15+$0x2650] =	vst v3;
	v1 =	vadd.f32 v1, v11  }
0x164: {  	v3 =	vld [tilespmem:s6+$0x4650];
	[tilespmem:s15+$0x2660] =	vst v2  }
0x165: {  	v2 =	vld [tilespmem:s6+$0x4660];
	[tilespmem:s15+$0x2670] =	vst v1;
	s15 =	smov.u32 s6  }
0x166: {  	v1 =	vld [tilespmem:s15+$0x4670]  }
0x167: {  	v7 =	vld [tilespmem:s15+$0x2600]  }
0x168: {  	v8 =	vld [tilespmem:s15+$0x2610]  }
.Ltmp3:
0x169: {  	v11 =	vld [tilespmem:s15+$0x2620];
	(pc) =	sbr.rel @p1 .LBB2_9-.Ltmp3, $4  }
0x16a: {  	v10 =	vld [tilespmem:s15+$0x2630]  }
0x16b: {  	v9 =	vld [tilespmem:s15+$0x2640]  }
0x16c: {  	v13 =	vadd.f32 v13, v7;
	v7 =	vld [tilespmem:s15+$0x2650]  }
0x16d: {  	s17 =	sadd.s32 $0x200, s17;
	v12 =	vadd.f32 v12, v8;
	v8 =	vld [tilespmem:s15+$0x2660]  }
0x16e: {  	[tilespmem:s15+$0x2600] =	vst v13;
	v6 =	vadd.f32 v6, v11;
	v63 =	vld [tilespmem:s15+$0x2670]  }
0x16f: {  	[tilespmem:s15+$0x2610] =	vst v12;
	v5 =	vadd.f32 v5, v10  }
0x170: {  	[tilespmem:s15+$0x2620] =	vst v6;
	v4 =	vadd.f32 v4, v9  }
0x171: {  	[tilespmem:s15+$0x2630] =	vst v5;
	v3 =	vadd.f32 v3, v7  }
0x172: {  	s24 =	sadd.s32 $0x1, s24;
	[tilespmem:s15+$0x2640] =	vst v4;
	v2 =	vadd.f32 v2, v8  }
0x173: {  	p1 =	sne.s32 s24, $0x28;
	[tilespmem:s15+$0x2650] =	vst v3;
	v1 =	vadd.f32 v1, v63  }
.Ltmp4:
0x174: {  	[tilespmem:s15+$0x2660] =	vst v2;
	(pc) =	sbr.rel @p1 .LBB2_2-.Ltmp4, $4  }
0x175: {  	[tilespmem:s15+$0x2670] =	vst v1  }
0x176: {  	[spmem:s1] =	stream.indirect.scatter.add.f32 [tilespmem:s19], [sflag:$0x8], $0x80, s29, s13, $0xb8;
	[tilespmem:$0x1ABC0] =	vst v63  }
0x177: {  	_ = 	snop  }
0x178: {  	[spmem:s3] =	stream.indirect.scatter.add.f32 [tilespmem:s28], [sflag:$0xA], $0x1, s29, s13, $0xb8;
	[tilespmem:$0x1ABC0] =	vst v63  }
0x179: {  	_ =	swait.ge [sflag:s21], $0x2000  }
0x17a: {  	[sflag:s21] =	ssyncset.done $0x0  }
0x17b: {  	[sflag:s21] =	ssyncadd.s32 $0xFFFFE000  }
0x17c: {  	_ =	swait.ge [sflag:s22], $0x40  }
0x17d: {  	[sflag:s22] =	ssyncset.done $0x0  }
0x17e: {  	[sflag:s22] =	ssyncadd.s32 $0xFFFFFFC0  }
0x17f: {  	[bflag:$0x0] =	sbarrier.arrive $0xFFFF  }
0x180: {  	s17 =	rddreg [dreg:$0x8]  }
0x181: {  	s6 =	rddreg [dreg:$0x15]  }
0x182: {  	s11 =	rddreg [dreg:$0x19]  }
0x183: {  	[hbm:s6], [sflag:s17] =	dma.local [spmem:s11], $0x2780  }
0x184: {  	s11 =	simm.s32 $0xC  }
0x185: {  	s24 =	simm.s32 $0x1;
	_ =	swait.ge [sflag:s11], $0x2780  }
0x186: {  	s15 =	simm.s32 $0x20;
	[sflag:s11] =	ssyncset.done $0x0;
	s6 =	rddreg [dreg:$0x16]  }
0x187: {  	s30 =	simm.s32 $0x10;
	s16 =	rddreg [dreg:$0x1a];
	[sflag:s11] =	ssyncadd.s32 $0xFFFFD880  }
0x188: {  	[hbm:s6@s15], [sflag:s17] =	dma.strided [spmem:s16@s30], $0x60, s24, $0x10   }
0x189: {  	_ =	swait.ge [sflag:s11], $0x60  }
0x18a: {  	s6 =	rddreg [dreg:$0x18]  }
0x18b: {  	s30 =	rddreg [dreg:$0x17];
	s15 =	sadd.s32 $0x1, s6  }
0x18c: {  	p1 =	sne.s32 s15, s30  }
.Ltmp5:
0x18d: {  	_ = 	snop;
	(pc) =	sbr.rel @p1 .LBB2_1-.Ltmp5, $3  }
0x18e: {  	_ =	sdelay $0x1  }
0x18f: {  	[sflag:s11] =	ssyncset.done $0x0  }
0x190: {  	s16 =	simm.s32 $0x300;
	[sflag:s11] =	ssyncadd.s32 $0xFFFFFFA0  }
0x191: {  	_ =	sfence.sel $0x180000  }
0x192: {  	[bflag:$0x0] =	sbarrier.arrive $0xFFFF  }
0x193: {  	_ =	strace $0x90000047  }
0x194: {  	[bflag:$0x2] =	sbarrier.arrive $0xFFFF  }
0x195: {  	s0 =	rddreg [dreg:$0x4]  }
0x196: {  	s0 =	sadd.s32 @!p0 $0x100000, s0  }
0x197: {  	[sflag:s0] =	ssyncadd.tile.s32 @!p0 $0x1;
	_ =	shalt  }
.Lfunc_end2:
_tile_overlayer_lowered:
.L_overlay_start_2:
0x198: {  	(tag) =	ssettag $0x2  }
0x199: {  	s0 =	rddreg [dreg:$0x0];
	s2 =	stileid.u32  }
0x19a: {  	s1 =	rddreg [dreg:$0x1];
	p0 =	sne.s32 s2, $0x0  }
0x19b: {  	s3 =	rddreg [dreg:$0x2];
	[bflag:$0x3] =	sbarrier.arrive $0xFFFF;
	s2 =	simm.s32 @!p0 $0x1C0C  }
0x19c: {  	[timem:s3], [sflag:s2] =	dma.local @!p0 [hbm:s0], s1  }
0x19d: {  	s0 =	simm.s32 @!p0 $0xC  }
0x19e: {  	_ =	swait.ge @!p0 [sflag:s0], s1  }
0x19f: {  	s1 =	ssub.s32 @!p0 $0x0, s1;
	[sflag:s0] =	ssyncset.done @!p0 $0x0  }
0x1a0: {  	[sflag:s0] =	ssyncadd.s32 @!p0 s1  }
0x1a1: {  	[bflag:$0x3] =	sbarrier.arrive $0xFFFF  }
0x1a2: {  	_ =	shalt  }

</sc_bundles>
